<compile_context>
chip_gen: v7x
topology: tpu7x:2x2x1
jax: 0.10.2.dev20260603
libtpu: 0.0.44.dev20260713+nightly
codegen_flags: <defaults>
</compile_context>

<pallas_src>
import functools

import jax
import jax.numpy as jnp
from jax import lax
from jax.experimental import pallas as pl
from jax.experimental.pallas import tpu as pltpu
from jax.experimental.pallas import tpu_sc as plsc

EMBED = 64
SCALE = 8.0
NW = 32
LANES = 16
BBLK = 128


@functools.lru_cache(maxsize=None)
def _build(BATCH, HIST, V):
    assert BATCH == NW * BBLK
    NBH = BATCH // BBLK
    EHI = EMBED // 8

    mesh = plsc.VectorSubcoreMesh(core_axis_name="c", subcore_axis_name="s")

    @functools.partial(
        pl.kernel,
        mesh=mesh,
        out_type=jax.ShapeDtypeStruct((HIST, EHI, NBH, 8, BBLK), jnp.float32),
        scratch_types=[
            pltpu.VMEM((HIST, BBLK), jnp.int32),
            pltpu.VMEM((BBLK, EMBED), jnp.float32),
            pltpu.VMEM((BBLK, EMBED), jnp.float32),
            pltpu.VMEM((EMBED, BBLK), jnp.float32),
            pltpu.VMEM((EMBED, BBLK), jnp.float32),
            pltpu.SemaphoreType.DMA,
            pltpu.SemaphoreType.DMA,
        ],
        compiler_params=pltpu.CompilerParams(use_tc_tiling_on_sc=False,
                                             needs_layout_passes=False),
    )
    def k(xt_hbm, lut_hbm, out_hbm, idx_v, ra, rb, ta, tb, gsem, osem):
        wid = lax.axis_index("s") * 2 + lax.axis_index("c")
        pltpu.sync_copy(xt_hbm.at[:, pl.ds(wid * BBLK, BBLK)], idx_v)
        iota = lax.iota(jnp.int32, LANES)
        r_cs = [iota + LANES * g for g in range(BBLK // LANES)]

        def fire_gather(h, rbuf):
            pltpu.async_copy(lut_hbm.at[idx_v.at[h]], rbuf, gsem)

        def wait_gather(rbuf):
            pltpu.make_async_copy(lut_hbm.at[pl.ds(0, BBLK)], rbuf, gsem).wait()

        def drain_outs(tbuf):
            pltpu.make_async_copy(lut_hbm.at[pl.ds(0, BBLK)], tbuf, osem).wait()

        def transpose_store(h, rbuf, tbuf):
            for q in range(EMBED // LANES):
                @plsc.parallel_loop(0, LANES, unroll=2)
                def _(d, _q=q):
                    e_c = ((iota + d) & (LANES - 1)) + (LANES * _q)
                    for g in range(BBLK // LANES):
                        v = plsc.load_gather(rbuf, [r_cs[g], e_c])
                        plsc.store_scatter(tbuf, [e_c, r_cs[g]], v * SCALE)
            for i in range(EHI):
                pltpu.async_copy(tbuf.at[pl.ds(8 * i, 8)],
                                 out_hbm.at[h, i, wid], osem)

        fire_gather(0, ra)

        def pair_body(p, carry):
            u0 = 2 * p
            wait_gather(ra)
            fire_gather(u0 + 1, rb)

            @pl.when(p >= 1)
            def _():
                drain_outs(ta)

            transpose_store(u0, ra, ta)

            @pl.when(p + 1 < HIST // 2)
            def _():
                fire_gather(u0 + 2, ra)

            @pl.when(p >= 1)
            def _():
                drain_outs(tb)

            wait_gather(rb)
            transpose_store(u0 + 1, rb, tb)
            return carry

        lax.fori_loop(0, HIST // 2, pair_body, 0)
        drain_outs(ta)
        drain_outs(tb)

    return k


def kernel(x, lut):
    BATCH, HIST = x.shape
    xt = jnp.transpose(x).astype(jnp.int32)
    out5 = _build(BATCH, HIST, lut.shape[0])(xt, lut)
    return (out5.transpose(2, 4, 0, 1, 3)
            .reshape(BATCH, HIST, EMBED))

# --- scband reference (transcript-rebuilt; emitter-appended) ---
"""Pipeline reference for scband-embeddings-78924319031368 (READ-ONLY COPY).

The authoritative reference and input builder live on the scoring server;
editing this copy changes nothing except your own understanding.
"""

import jax, jax.numpy as jnp
import numpy as np
import math

EMBED_DIM = 64
NUM_KEYS = 100000
BATCH = 4096
HIST = 50

def setup_inputs(seed: int = 0) -> dict:
    key = jax.random.key(seed)
    k1, k2 = jax.random.split(key)
    x = jax.random.randint(k1, (BATCH, HIST), 0, NUM_KEYS, dtype=jnp.int64 if jax.config.jax_enable_x64 else jnp.int32)
    lut = jax.random.normal(k2, (NUM_KEYS, EMBED_DIM), dtype=jnp.float32)
    return {"x": x, "lut": lut}

def reference(x, lut):
    # Embeddings.forward: self.lut(x) * sqrt(embed_dim)
    emb = jnp.take(lut, x, axis=0) * math.sqrt(EMBED_DIM)
    return emb

if __name__ == "__main__":
    import jax
    _d = setup_inputs()
    print(jax.jit(kernel)(*tuple(_d.values())))

</pallas_src>

<mosaic_0001>
#map = affine_map<(d0, d1) -> (0, 0)>
#map1 = affine_map<(d0, d1) -> (0, 0, 0, 0, 0)>
module attributes {stable_mosaic.version = 14 : i64} {
  func.func @k(%arg0: i32, %arg1: i32, %arg2: memref<50x4096xi32, #tpu.memory_space<hbm>>, %arg3: memref<100000x64xf32, #tpu.memory_space<hbm>>, %arg4: memref<50x8x32x8x128xf32, #tpu.memory_space<hbm>>, %arg5: memref<50x128xi32, #tpu.memory_space<vmem>>, %arg6: memref<128x64xf32, #tpu.memory_space<vmem>>, %arg7: memref<128x64xf32, #tpu.memory_space<vmem>>, %arg8: memref<64x128xf32, #tpu.memory_space<vmem>>, %arg9: memref<64x128xf32, #tpu.memory_space<vmem>>, %arg10: memref<!tpu.dma_semaphore, #tpu.memory_space<semaphore_mem>>, %arg11: memref<!tpu.dma_semaphore, #tpu.memory_space<semaphore_mem>>) attributes {dimension_semantics = [#tpu.dimension_semantics<core_parallel>, #tpu.dimension_semantics<subcore_parallel>], iteration_bounds = array<i64: 2, 16>, scalar_prefetch = 0 : i64, scratch_operands = 7 : i64, tpu.core_type = #tpu.core_type<sc_vector_subcore>, window_params = [{transform_indices = #map}, {transform_indices = #map}, {transform_indices = #map1}]} {
    %mul3A = arith.constant 2 : i32
    %mul3A_0 = arith.muli %arg1, %mul3A : i32
    %add3A = arith.addi %mul3A_0, %arg0 : i32
    %mul3A_1 = arith.constant 128 : i32
    %mul3A_2 = arith.muli %add3A, %mul3A_1 : i32
    "tpu.region"() ({
      %run_scoped3A = tpu.sem_alloc : memref<!tpu.dma_semaphore, #tpu.memory_space<semaphore_mem>>
      %dma_start3A_49 = arith.constant 0 : i32
      %dma_start3A_50 = tpu.memref_slice %arg2[%dma_start3A_49, %mul3A_2] : memref<50x4096xi32, #tpu.memory_space<hbm>> -> memref<50x128xi32, #tpu.memory_space<hbm>>
      %dma_start3A_51 = arith.constant 0 : i32
      %dma_start3A_52 = tpu.memref_slice %arg2[%dma_start3A_51, %mul3A_2] : memref<50x4096xi32, #tpu.memory_space<hbm>> -> memref<50x128xi32, #tpu.memory_space<hbm>>
      tpu.enqueue_dma source(%dma_start3A_52 : memref<50x128xi32, #tpu.memory_space<hbm>>) target(%arg5 : memref<50x128xi32, #tpu.memory_space<vmem>>) target_semaphore(%run_scoped3A : memref<!tpu.dma_semaphore, #tpu.memory_space<semaphore_mem>>)
      %dma_wait3A_53 = arith.constant 0 : i32
      %dma_wait3A_54 = tpu.memref_slice %arg2[%dma_wait3A_53, %mul3A_2] : memref<50x4096xi32, #tpu.memory_space<hbm>> -> memref<50x128xi32, #tpu.memory_space<hbm>>
      %dma_wait3A_55 = arith.constant 0 : i32
      %dma_wait3A_56 = tpu.memref_slice %arg2[%dma_wait3A_55, %mul3A_2] : memref<50x4096xi32, #tpu.memory_space<hbm>> -> memref<50x128xi32, #tpu.memory_space<hbm>>
      tpu.wait_dma2 semaphore(%run_scoped3A : memref<!tpu.dma_semaphore, #tpu.memory_space<semaphore_mem>>) src(%dma_wait3A_56 : memref<50x128xi32, #tpu.memory_space<hbm>>) dst(%arg5 : memref<50x128xi32, #tpu.memory_space<vmem>>)
      tpu.yield
    }) : () -> ()
    %iota3A = tpu.iota {dimensions = array<i32: 0>} : vector<16xi32>
    %add3A_3 = arith.constant 0 : i32
    %add3A_4 = vector.broadcast %add3A_3 : i32 to vector<16xi32>
    %add3A_5 = arith.addi %iota3A, %add3A_4 : vector<16xi32>
    %add3A_6 = arith.constant 16 : i32
    %add3A_7 = vector.broadcast %add3A_6 : i32 to vector<16xi32>
    %add3A_8 = arith.addi %iota3A, %add3A_7 : vector<16xi32>
    %add3A_9 = arith.constant 32 : i32
    %add3A_10 = vector.broadcast %add3A_9 : i32 to vector<16xi32>
    %add3A_11 = arith.addi %iota3A, %add3A_10 : vector<16xi32>
    %add3A_12 = arith.constant 48 : i32
    %add3A_13 = vector.broadcast %add3A_12 : i32 to vector<16xi32>
    %add3A_14 = arith.addi %iota3A, %add3A_13 : vector<16xi32>
    %add3A_15 = arith.constant 64 : i32
    %add3A_16 = vector.broadcast %add3A_15 : i32 to vector<16xi32>
    %add3A_17 = arith.addi %iota3A, %add3A_16 : vector<16xi32>
    %add3A_18 = arith.constant 80 : i32
    %add3A_19 = vector.broadcast %add3A_18 : i32 to vector<16xi32>
    %add3A_20 = arith.addi %iota3A, %add3A_19 : vector<16xi32>
    %add3A_21 = arith.constant 96 : i32
    %add3A_22 = vector.broadcast %add3A_21 : i32 to vector<16xi32>
    %add3A_23 = arith.addi %iota3A, %add3A_22 : vector<16xi32>
    %add3A_24 = arith.constant 112 : i32
    %add3A_25 = vector.broadcast %add3A_24 : i32 to vector<16xi32>
    %add3A_26 = arith.addi %iota3A, %add3A_25 : vector<16xi32>
    %dma_start3A = arith.constant 0 : i32
    %dma_start3A_27 = arith.constant 0 : i32
    %dma_start3A_28 = tpu.memref_slice %arg5[%dma_start3A, %dma_start3A_27] : memref<50x128xi32, #tpu.memory_space<vmem>> -> memref<1x128xi32, #tpu.memory_space<vmem>>
    %dma_start3A_29 = tpu.memref_squeeze %dma_start3A_28 : memref<1x128xi32, #tpu.memory_space<vmem>> -> memref<128xi32, #tpu.memory_space<vmem>>
    %dma_start3A_30 = arith.constant 0 : i32
    %dma_start3A_31 = arith.constant 0 : i32
    %dma_start3A_32 = tpu.memref_slice %arg3[%dma_start3A_30, %dma_start3A_31] : memref<100000x64xf32, #tpu.memory_space<hbm>> -> memref<100000x64xf32, #tpu.memory_space<hbm>>
    tpu.enqueue_indirect_dma source(%dma_start3A_32 : memref<100000x64xf32, #tpu.memory_space<hbm>>) target(%arg6 : memref<128x64xf32, #tpu.memory_space<vmem>>) offsets(%dma_start3A_29 : memref<128xi32, #tpu.memory_space<vmem>>) semaphore(%arg10 : memref<!tpu.dma_semaphore, #tpu.memory_space<semaphore_mem>>)
    %scan3A = arith.constant 0 : i32
    %scan3A_33 = arith.constant 0 : i32
    %scan3A_34 = arith.constant 25 : i32
    %scan3A_35 = arith.addi %scan3A_33, %scan3A_34 : i32
    %scan3A_36 = arith.constant 1 : i32
    scf.for %scan3A_49 = %scan3A_33 to %scan3A_35 step %scan3A_36  : i32 {
      %mul3A_50 = arith.constant 2 : i32
      %mul3A_51 = arith.muli %mul3A_50, %scan3A_49 : i32
      %dma_wait3A_52 = arith.constant 0 : i32
      %dma_wait3A_53 = arith.constant 0 : i32
      %dma_wait3A_54 = tpu.memref_slice %arg3[%dma_wait3A_52, %dma_wait3A_53] : memref<100000x64xf32, #tpu.memory_space<hbm>> -> memref<128x64xf32, #tpu.memory_space<hbm>>
      %dma_wait3A_55 = arith.constant 0 : i32
      %dma_wait3A_56 = arith.constant 0 : i32
      %dma_wait3A_57 = tpu.memref_slice %arg3[%dma_wait3A_55, %dma_wait3A_56] : memref<100000x64xf32, #tpu.memory_space<hbm>> -> memref<128x64xf32, #tpu.memory_space<hbm>>
      tpu.wait_dma2 semaphore(%arg10 : memref<!tpu.dma_semaphore, #tpu.memory_space<semaphore_mem>>) src(%dma_wait3A_57 : memref<128x64xf32, #tpu.memory_space<hbm>>) dst(%arg6 : memref<128x64xf32, #tpu.memory_space<vmem>>)
      %add3A_58 = arith.constant 1 : i32
      %add3A_59 = arith.addi %mul3A_51, %add3A_58 : i32
      %dma_start3A_60 = arith.constant 0 : i32
      %dma_start3A_61 = tpu.memref_slice %arg5[%add3A_59, %dma_start3A_60] : memref<50x128xi32, #tpu.memory_space<vmem>> -> memref<1x128xi32, #tpu.memory_space<vmem>>
      %dma_start3A_62 = tpu.memref_squeeze %dma_start3A_61 : memref<1x128xi32, #tpu.memory_space<vmem>> -> memref<128xi32, #tpu.memory_space<vmem>>
      %dma_start3A_63 = arith.constant 0 : i32
      %dma_start3A_64 = arith.constant 0 : i32
      %dma_start3A_65 = tpu.memref_slice %arg3[%dma_start3A_63, %dma_start3A_64] : memref<100000x64xf32, #tpu.memory_space<hbm>> -> memref<100000x64xf32, #tpu.memory_space<hbm>>
      tpu.enqueue_indirect_dma source(%dma_start3A_65 : memref<100000x64xf32, #tpu.memory_space<hbm>>) target(%arg7 : memref<128x64xf32, #tpu.memory_space<vmem>>) offsets(%dma_start3A_62 : memref<128xi32, #tpu.memory_space<vmem>>) semaphore(%arg10 : memref<!tpu.dma_semaphore, #tpu.memory_space<semaphore_mem>>)
      %ge3A = arith.constant 1 : i32
      %ge3A_66 = arith.cmpi sge, %scan3A_49, %ge3A : i32
      %convert_element_type3A = arith.extui %ge3A_66 : i1 to i32
      %cond3A = arith.constant 0 : i32
      %cond3A_67 = arith.cmpi ne, %convert_element_type3A, %cond3A : i32
      scf.if %cond3A_67 {
        %dma_wait3A_350 = arith.constant 0 : i32
        %dma_wait3A_351 = arith.constant 0 : i32
        %dma_wait3A_352 = tpu.memref_slice %arg3[%dma_wait3A_350, %dma_wait3A_351] : memref<100000x64xf32, #tpu.memory_space<hbm>> -> memref<128x64xf32, #tpu.memory_space<hbm>>
        %dma_wait3A_353 = arith.constant 0 : i32
        %dma_wait3A_354 = arith.constant 0 : i32
        %dma_wait3A_355 = tpu.memref_slice %arg3[%dma_wait3A_353, %dma_wait3A_354] : memref<100000x64xf32, #tpu.memory_space<hbm>> -> memref<128x64xf32, #tpu.memory_space<hbm>>
        tpu.wait_dma2 semaphore(%arg11 : memref<!tpu.dma_semaphore, #tpu.memory_space<semaphore_mem>>) src(%dma_wait3A_355 : memref<128x64xf32, #tpu.memory_space<hbm>>) dst(%arg8 : memref<64x128xf32, #tpu.memory_space<vmem>>)
      } else {
      }
      %parallel_loop3A = arith.constant 0 : i32
      %parallel_loop3A_68 = arith.constant 16 : i32
      %parallel_loop3A_69 = arith.constant 1 : i32
      scf.for %parallel_loop3A_350 = %parallel_loop3A to %parallel_loop3A_68 step %parallel_loop3A_69  : i32 {
        %parallel_loop3A_351 = vector.broadcast %parallel_loop3A_350 : i32 to vector<16xi32>
        %parallel_loop3A_352 = arith.addi %iota3A, %parallel_loop3A_351 : vector<16xi32>
        %parallel_loop3A_353 = arith.constant 15 : i32
        %parallel_loop3A_354 = vector.broadcast %parallel_loop3A_353 : i32 to vector<16xi32>
        %parallel_loop3A_355 = arith.andi %parallel_loop3A_352, %parallel_loop3A_354 : vector<16xi32>
        %parallel_loop3A_356 = arith.constant 0 : i32
        %parallel_loop3A_357 = vector.broadcast %parallel_loop3A_356 : i32 to vector<16xi32>
        %parallel_loop3A_358 = arith.addi %parallel_loop3A_355, %parallel_loop3A_357 : vector<16xi32>
        %parallel_loop3A_359 = tpu.vector_load_idx %arg6[%add3A_5, %parallel_loop3A_358] : memref<128x64xf32, #tpu.memory_space<vmem>>[vector<16xi32>, vector<16xi32>], vector<16xf32>,
        %parallel_loop3A_360 = arith.constant 8.000000e+00 : f32
        %parallel_loop3A_361 = vector.broadcast %parallel_loop3A_360 : f32 to vector<16xf32>
        %parallel_loop3A_362 = arith.mulf %parallel_loop3A_359, %parallel_loop3A_361 : vector<16xf32>
        tpu.vector_store_idx %arg8[%parallel_loop3A_358, %add3A_5], %parallel_loop3A_362 : memref<64x128xf32, #tpu.memory_space<vmem>>[vector<16xi32>, vector<16xi32>], vector<16xf32>,
        %parallel_loop3A_363 = tpu.vector_load_idx %arg6[%add3A_8, %parallel_loop3A_358] : memref<128x64xf32, #tpu.memory_space<vmem>>[vector<16xi32>, vector<16xi32>], vector<16xf32>,
        %parallel_loop3A_364 = arith.constant 8.000000e+00 : f32
        %parallel_loop3A_365 = vector.broadcast %parallel_loop3A_364 : f32 to vector<16xf32>
        %parallel_loop3A_366 = arith.mulf %parallel_loop3A_363, %parallel_loop3A_365 : vector<16xf32>
        tpu.vector_store_idx %arg8[%parallel_loop3A_358, %add3A_8], %parallel_loop3A_366 : memref<64x128xf32, #tpu.memory_space<vmem>>[vector<16xi32>, vector<16xi32>], vector<16xf32>,
        %parallel_loop3A_367 = tpu.vector_load_idx %arg6[%add3A_11, %parallel_loop3A_358] : memref<128x64xf32, #tpu.memory_space<vmem>>[vector<16xi32>, vector<16xi32>], vector<16xf32>,
        %parallel_loop3A_368 = arith.constant 8.000000e+00 : f32
        %parallel_loop3A_369 = vector.broadcast %parallel_loop3A_368 : f32 to vector<16xf32>
        %parallel_loop3A_370 = arith.mulf %parallel_loop3A_367, %parallel_loop3A_369 : vector<16xf32>
        tpu.vector_store_idx %arg8[%parallel_loop3A_358, %add3A_11], %parallel_loop3A_370 : memref<64x128xf32, #tpu.memory_space<vmem>>[vector<16xi32>, vector<16xi32>], vector<16xf32>,
        %parallel_loop3A_371 = tpu.vector_load_idx %arg6[%add3A_14, %parallel_loop3A_358] : memref<128x64xf32, #tpu.memory_space<vmem>>[vector<16xi32>, vector<16xi32>], vector<16xf32>,
        %parallel_loop3A_372 = arith.constant 8.000000e+00 : f32
        %parallel_loop3A_373 = vector.broadcast %parallel_loop3A_372 : f32 to vector<16xf32>
        %parallel_loop3A_374 = arith.mulf %parallel_loop3A_371, %parallel_loop3A_373 : vector<16xf32>
        tpu.vector_store_idx %arg8[%parallel_loop3A_358, %add3A_14], %parallel_loop3A_374 : memref<64x128xf32, #tpu.memory_space<vmem>>[vector<16xi32>, vector<16xi32>], vector<16xf32>,
        %parallel_loop3A_375 = tpu.vector_load_idx %arg6[%add3A_17, %parallel_loop3A_358] : memref<128x64xf32, #tpu.memory_space<vmem>>[vector<16xi32>, vector<16xi32>], vector<16xf32>,
        %parallel_loop3A_376 = arith.constant 8.000000e+00 : f32
        %parallel_loop3A_377 = vector.broadcast %parallel_loop3A_376 : f32 to vector<16xf32>
        %parallel_loop3A_378 = arith.mulf %parallel_loop3A_375, %parallel_loop3A_377 : vector<16xf32>
        tpu.vector_store_idx %arg8[%parallel_loop3A_358, %add3A_17], %parallel_loop3A_378 : memref<64x128xf32, #tpu.memory_space<vmem>>[vector<16xi32>, vector<16xi32>], vector<16xf32>,
        %parallel_loop3A_379 = tpu.vector_load_idx %arg6[%add3A_20, %parallel_loop3A_358] : memref<128x64xf32, #tpu.memory_space<vmem>>[vector<16xi32>, vector<16xi32>], vector<16xf32>,
        %parallel_loop3A_380 = arith.constant 8.000000e+00 : f32
        %parallel_loop3A_381 = vector.broadcast %parallel_loop3A_380 : f32 to vector<16xf32>
        %parallel_loop3A_382 = arith.mulf %parallel_loop3A_379, %parallel_loop3A_381 : vector<16xf32>
        tpu.vector_store_idx %arg8[%parallel_loop3A_358, %add3A_20], %parallel_loop3A_382 : memref<64x128xf32, #tpu.memory_space<vmem>>[vector<16xi32>, vector<16xi32>], vector<16xf32>,
        %parallel_loop3A_383 = tpu.vector_load_idx %arg6[%add3A_23, %parallel_loop3A_358] : memref<128x64xf32, #tpu.memory_space<vmem>>[vector<16xi32>, vector<16xi32>], vector<16xf32>,
        %parallel_loop3A_384 = arith.constant 8.000000e+00 : f32
        %parallel_loop3A_385 = vector.broadcast %parallel_loop3A_384 : f32 to vector<16xf32>
        %parallel_loop3A_386 = arith.mulf %parallel_loop3A_383, %parallel_loop3A_385 : vector<16xf32>
        tpu.vector_store_idx %arg8[%parallel_loop3A_358, %add3A_23], %parallel_loop3A_386 : memref<64x128xf32, #tpu.memory_space<vmem>>[vector<16xi32>, vector<16xi32>], vector<16xf32>,
        %parallel_loop3A_387 = tpu.vector_load_idx %arg6[%add3A_26, %parallel_loop3A_358] : memref<128x64xf32, #tpu.memory_space<vmem>>[vector<16xi32>, vector<16xi32>], vector<16xf32>,
        %parallel_loop3A_388 = arith.constant 8.000000e+00 : f32
        %parallel_loop3A_389 = vector.broadcast %parallel_loop3A_388 : f32 to vector<16xf32>
        %parallel_loop3A_390 = arith.mulf %parallel_loop3A_387, %parallel_loop3A_389 : vector<16xf32>
        tpu.vector_store_idx %arg8[%parallel_loop3A_358, %add3A_26], %parallel_loop3A_390 : memref<64x128xf32, #tpu.memory_space<vmem>>[vector<16xi32>, vector<16xi32>], vector<16xf32>,
      } {sc.loop_unroll_factor = 2 : i64, sc.parallel_access}
      %parallel_loop3A_70 = arith.constant 0 : i32
      %parallel_loop3A_71 = arith.constant 16 : i32
      %parallel_loop3A_72 = arith.constant 1 : i32
      scf.for %parallel_loop3A_350 = %parallel_loop3A_70 to %parallel_loop3A_71 step %parallel_loop3A_72  : i32 {
        %parallel_loop3A_351 = vector.broadcast %parallel_loop3A_350 : i32 to vector<16xi32>
        %parallel_loop3A_352 = arith.addi %iota3A, %parallel_loop3A_351 : vector<16xi32>
        %parallel_loop3A_353 = arith.constant 15 : i32
        %parallel_loop3A_354 = vector.broadcast %parallel_loop3A_353 : i32 to vector<16xi32>
        %parallel_loop3A_355 = arith.andi %parallel_loop3A_352, %parallel_loop3A_354 : vector<16xi32>
        %parallel_loop3A_356 = arith.constant 16 : i32
        %parallel_loop3A_357 = vector.broadcast %parallel_loop3A_356 : i32 to vector<16xi32>
        %parallel_loop3A_358 = arith.addi %parallel_loop3A_355, %parallel_loop3A_357 : vector<16xi32>
        %parallel_loop3A_359 = tpu.vector_load_idx %arg6[%add3A_5, %parallel_loop3A_358] : memref<128x64xf32, #tpu.memory_space<vmem>>[vector<16xi32>, vector<16xi32>], vector<16xf32>,
        %parallel_loop3A_360 = arith.constant 8.000000e+00 : f32
        %parallel_loop3A_361 = vector.broadcast %parallel_loop3A_360 : f32 to vector<16xf32>
        %parallel_loop3A_362 = arith.mulf %parallel_loop3A_359, %parallel_loop3A_361 : vector<16xf32>
        tpu.vector_store_idx %arg8[%parallel_loop3A_358, %add3A_5], %parallel_loop3A_362 : memref<64x128xf32, #tpu.memory_space<vmem>>[vector<16xi32>, vector<16xi32>], vector<16xf32>,
        %parallel_loop3A_363 = tpu.vector_load_idx %arg6[%add3A_8, %parallel_loop3A_358] : memref<128x64xf32, #tpu.memory_space<vmem>>[vector<16xi32>, vector<16xi32>], vector<16xf32>,
        %parallel_loop3A_364 = arith.constant 8.000000e+00 : f32
        %parallel_loop3A_365 = vector.broadcast %parallel_loop3A_364 : f32 to vector<16xf32>
        %parallel_loop3A_366 = arith.mulf %parallel_loop3A_363, %parallel_loop3A_365 : vector<16xf32>
        tpu.vector_store_idx %arg8[%parallel_loop3A_358, %add3A_8], %parallel_loop3A_366 : memref<64x128xf32, #tpu.memory_space<vmem>>[vector<16xi32>, vector<16xi32>], vector<16xf32>,
        %parallel_loop3A_367 = tpu.vector_load_idx %arg6[%add3A_11, %parallel_loop3A_358] : memref<128x64xf32, #tpu.memory_space<vmem>>[vector<16xi32>, vector<16xi32>], vector<16xf32>,
        %parallel_loop3A_368 = arith.constant 8.000000e+00 : f32
        %parallel_loop3A_369 = vector.broadcast %parallel_loop3A_368 : f32 to vector<16xf32>
        %parallel_loop3A_370 = arith.mulf %parallel_loop3A_367, %parallel_loop3A_369 : vector<16xf32>
        tpu.vector_store_idx %arg8[%parallel_loop3A_358, %add3A_11], %parallel_loop3A_370 : memref<64x128xf32, #tpu.memory_space<vmem>>[vector<16xi32>, vector<16xi32>], vector<16xf32>,
        %parallel_loop3A_371 = tpu.vector_load_idx %arg6[%add3A_14, %parallel_loop3A_358] : memref<128x64xf32, #tpu.memory_space<vmem>>[vector<16xi32>, vector<16xi32>], vector<16xf32>,
        %parallel_loop3A_372 = arith.constant 8.000000e+00 : f32
        %parallel_loop3A_373 = vector.broadcast %parallel_loop3A_372 : f32 to vector<16xf32>
        %parallel_loop3A_374 = arith.mulf %parallel_loop3A_371, %parallel_loop3A_373 : vector<16xf32>
        tpu.vector_store_idx %arg8[%parallel_loop3A_358, %add3A_14], %parallel_loop3A_374 : memref<64x128xf32, #tpu.memory_space<vmem>>[vector<16xi32>, vector<16xi32>], vector<16xf32>,
        %parallel_loop3A_375 = tpu.vector_load_idx %arg6[%add3A_17, %parallel_loop3A_358] : memref<128x64xf32, #tpu.memory_space<vmem>>[vector<16xi32>, vector<16xi32>], vector<16xf32>,
        %parallel_loop3A_376 = arith.constant 8.000000e+00 : f32
        %parallel_loop3A_377 = vector.broadcast %parallel_loop3A_376 : f32 to vector<16xf32>
        %parallel_loop3A_378 = arith.mulf %parallel_loop3A_375, %parallel_loop3A_377 : vector<16xf32>
        tpu.vector_store_idx %arg8[%parallel_loop3A_358, %add3A_17], %parallel_loop3A_378 : memref<64x128xf32, #tpu.memory_space<vmem>>[vector<16xi32>, vector<16xi32>], vector<16xf32>,
        %parallel_loop3A_379 = tpu.vector_load_idx %arg6[%add3A_20, %parallel_loop3A_358] : memref<128x64xf32, #tpu.memory_space<vmem>>[vector<16xi32>, vector<16xi32>], vector<16xf32>,
        %parallel_loop3A_380 = arith.constant 8.000000e+00 : f32
        %parallel_loop3A_381 = vector.broadcast %parallel_loop3A_380 : f32 to vector<16xf32>
        %parallel_loop3A_382 = arith.mulf %parallel_loop3A_379, %parallel_loop3A_381 : vector<16xf32>
        tpu.vector_store_idx %arg8[%parallel_loop3A_358, %add3A_20], %parallel_loop3A_382 : memref<64x128xf32, #tpu.memory_space<vmem>>[vector<16xi32>, vector<16xi32>], vector<16xf32>,
        %parallel_loop3A_383 = tpu.vector_load_idx %arg6[%add3A_23, %parallel_loop3A_358] : memref<128x64xf32, #tpu.memory_space<vmem>>[vector<16xi32>, vector<16xi32>], vector<16xf32>,
        %parallel_loop3A_384 = arith.constant 8.000000e+00 : f32
        %parallel_loop3A_385 = vector.broadcast %parallel_loop3A_384 : f32 to vector<16xf32>
        %parallel_loop3A_386 = arith.mulf %parallel_loop3A_383, %parallel_loop3A_385 : vector<16xf32>
        tpu.vector_store_idx %arg8[%parallel_loop3A_358, %add3A_23], %parallel_loop3A_386 : memref<64x128xf32, #tpu.memory_space<vmem>>[vector<16xi32>, vector<16xi32>], vector<16xf32>,
        %parallel_loop3A_387 = tpu.vector_load_idx %arg6[%add3A_26, %parallel_loop3A_358] : memref<128x64xf32, #tpu.memory_space<vmem>>[vector<16xi32>, vector<16xi32>], vector<16xf32>,
        %parallel_loop3A_388 = arith.constant 8.000000e+00 : f32
        %parallel_loop3A_389 = vector.broadcast %parallel_loop3A_388 : f32 to vector<16xf32>
        %parallel_loop3A_390 = arith.mulf %parallel_loop3A_387, %parallel_loop3A_389 : vector<16xf32>
        tpu.vector_store_idx %arg8[%parallel_loop3A_358, %add3A_26], %parallel_loop3A_390 : memref<64x128xf32, #tpu.memory_space<vmem>>[vector<16xi32>, vector<16xi32>], vector<16xf32>,
      } {sc.loop_unroll_factor = 2 : i64, sc.parallel_access}
      %parallel_loop3A_73 = arith.constant 0 : i32
      %parallel_loop3A_74 = arith.constant 16 : i32
      %parallel_loop3A_75 = arith.constant 1 : i32
      scf.for %parallel_loop3A_350 = %parallel_loop3A_73 to %parallel_loop3A_74 step %parallel_loop3A_75  : i32 {
        %parallel_loop3A_351 = vector.broadcast %parallel_loop3A_350 : i32 to vector<16xi32>
        %parallel_loop3A_352 = arith.addi %iota3A, %parallel_loop3A_351 : vector<16xi32>
        %parallel_loop3A_353 = arith.constant 15 : i32
        %parallel_loop3A_354 = vector.broadcast %parallel_loop3A_353 : i32 to vector<16xi32>
        %parallel_loop3A_355 = arith.andi %parallel_loop3A_352, %parallel_loop3A_354 : vector<16xi32>
        %parallel_loop3A_356 = arith.constant 32 : i32
        %parallel_loop3A_357 = vector.broadcast %parallel_loop3A_356 : i32 to vector<16xi32>
        %parallel_loop3A_358 = arith.addi %parallel_loop3A_355, %parallel_loop3A_357 : vector<16xi32>
        %parallel_loop3A_359 = tpu.vector_load_idx %arg6[%add3A_5, %parallel_loop3A_358] : memref<128x64xf32, #tpu.memory_space<vmem>>[vector<16xi32>, vector<16xi32>], vector<16xf32>,
        %parallel_loop3A_360 = arith.constant 8.000000e+00 : f32
        %parallel_loop3A_361 = vector.broadcast %parallel_loop3A_360 : f32 to vector<16xf32>
        %parallel_loop3A_362 = arith.mulf %parallel_loop3A_359, %parallel_loop3A_361 : vector<16xf32>
        tpu.vector_store_idx %arg8[%parallel_loop3A_358, %add3A_5], %parallel_loop3A_362 : memref<64x128xf32, #tpu.memory_space<vmem>>[vector<16xi32>, vector<16xi32>], vector<16xf32>,
        %parallel_loop3A_363 = tpu.vector_load_idx %arg6[%add3A_8, %parallel_loop3A_358] : memref<128x64xf32, #tpu.memory_space<vmem>>[vector<16xi32>, vector<16xi32>], vector<16xf32>,
        %parallel_loop3A_364 = arith.constant 8.000000e+00 : f32
        %parallel_loop3A_365 = vector.broadcast %parallel_loop3A_364 : f32 to vector<16xf32>
        %parallel_loop3A_366 = arith.mulf %parallel_loop3A_363, %parallel_loop3A_365 : vector<16xf32>
        tpu.vector_store_idx %arg8[%parallel_loop3A_358, %add3A_8], %parallel_loop3A_366 : memref<64x128xf32, #tpu.memory_space<vmem>>[vector<16xi32>, vector<16xi32>], vector<16xf32>,
        %parallel_loop3A_367 = tpu.vector_load_idx %arg6[%add3A_11, %parallel_loop3A_358] : memref<128x64xf32, #tpu.memory_space<vmem>>[vector<16xi32>, vector<16xi32>], vector<16xf32>,
        %parallel_loop3A_368 = arith.constant 8.000000e+00 : f32
        %parallel_loop3A_369 = vector.broadcast %parallel_loop3A_368 : f32 to vector<16xf32>
        %parallel_loop3A_370 = arith.mulf %parallel_loop3A_367, %parallel_loop3A_369 : vector<16xf32>
        tpu.vector_store_idx %arg8[%parallel_loop3A_358, %add3A_11], %parallel_loop3A_370 : memref<64x128xf32, #tpu.memory_space<vmem>>[vector<16xi32>, vector<16xi32>], vector<16xf32>,
        %parallel_loop3A_371 = tpu.vector_load_idx %arg6[%add3A_14, %parallel_loop3A_358] : memref<128x64xf32, #tpu.memory_space<vmem>>[vector<16xi32>, vector<16xi32>], vector<16xf32>,
        %parallel_loop3A_372 = arith.constant 8.000000e+00 : f32
        %parallel_loop3A_373 = vector.broadcast %parallel_loop3A_372 : f32 to vector<16xf32>
        %parallel_loop3A_374 = arith.mulf %parallel_loop3A_371, %parallel_loop3A_373 : vector<16xf32>
        tpu.vector_store_idx %arg8[%parallel_loop3A_358, %add3A_14], %parallel_loop3A_374 : memref<64x128xf32, #tpu.memory_space<vmem>>[vector<16xi32>, vector<16xi32>], vector<16xf32>,
        %parallel_loop3A_375 = tpu.vector_load_idx %arg6[%add3A_17, %parallel_loop3A_358] : memref<128x64xf32, #tpu.memory_space<vmem>>[vector<16xi32>, vector<16xi32>], vector<16xf32>,
        %parallel_loop3A_376 = arith.constant 8.000000e+00 : f32
        %parallel_loop3A_377 = vector.broadcast %parallel_loop3A_376 : f32 to vector<16xf32>
        %parallel_loop3A_378 = arith.mulf %parallel_loop3A_375, %parallel_loop3A_377 : vector<16xf32>
        tpu.vector_store_idx %arg8[%parallel_loop3A_358, %add3A_17], %parallel_loop3A_378 : memref<64x128xf32, #tpu.memory_space<vmem>>[vector<16xi32>, vector<16xi32>], vector<16xf32>,
        %parallel_loop3A_379 = tpu.vector_load_idx %arg6[%add3A_20, %parallel_loop3A_358] : memref<128x64xf32, #tpu.memory_space<vmem>>[vector<16xi32>, vector<16xi32>], vector<16xf32>,
        %parallel_loop3A_380 = arith.constant 8.000000e+00 : f32
        %parallel_loop3A_381 = vector.broadcast %parallel_loop3A_380 : f32 to vector<16xf32>
        %parallel_loop3A_382 = arith.mulf %parallel_loop3A_379, %parallel_loop3A_381 : vector<16xf32>
        tpu.vector_store_idx %arg8[%parallel_loop3A_358, %add3A_20], %parallel_loop3A_382 : memref<64x128xf32, #tpu.memory_space<vmem>>[vector<16xi32>, vector<16xi32>], vector<16xf32>,
        %parallel_loop3A_383 = tpu.vector_load_idx %arg6[%add3A_23, %parallel_loop3A_358] : memref<128x64xf32, #tpu.memory_space<vmem>>[vector<16xi32>, vector<16xi32>], vector<16xf32>,
        %parallel_loop3A_384 = arith.constant 8.000000e+00 : f32
        %parallel_loop3A_385 = vector.broadcast %parallel_loop3A_384 : f32 to vector<16xf32>
        %parallel_loop3A_386 = arith.mulf %parallel_loop3A_383, %parallel_loop3A_385 : vector<16xf32>
        tpu.vector_store_idx %arg8[%parallel_loop3A_358, %add3A_23], %parallel_loop3A_386 : memref<64x128xf32, #tpu.memory_space<vmem>>[vector<16xi32>, vector<16xi32>], vector<16xf32>,
        %parallel_loop3A_387 = tpu.vector_load_idx %arg6[%add3A_26, %parallel_loop3A_358] : memref<128x64xf32, #tpu.memory_space<vmem>>[vector<16xi32>, vector<16xi32>], vector<16xf32>,
        %parallel_loop3A_388 = arith.constant 8.000000e+00 : f32
        %parallel_loop3A_389 = vector.broadcast %parallel_loop3A_388 : f32 to vector<16xf32>
        %parallel_loop3A_390 = arith.mulf %parallel_loop3A_387, %parallel_loop3A_389 : vector<16xf32>
        tpu.vector_store_idx %arg8[%parallel_loop3A_358, %add3A_26], %parallel_loop3A_390 : memref<64x128xf32, #tpu.memory_space<vmem>>[vector<16xi32>, vector<16xi32>], vector<16xf32>,
      } {sc.loop_unroll_factor = 2 : i64, sc.parallel_access}
      %parallel_loop3A_76 = arith.constant 0 : i32
      %parallel_loop3A_77 = arith.constant 16 : i32
      %parallel_loop3A_78 = arith.constant 1 : i32
      scf.for %parallel_loop3A_350 = %parallel_loop3A_76 to %parallel_loop3A_77 step %parallel_loop3A_78  : i32 {
        %parallel_loop3A_351 = vector.broadcast %parallel_loop3A_350 : i32 to vector<16xi32>
        %parallel_loop3A_352 = arith.addi %iota3A, %parallel_loop3A_351 : vector<16xi32>
        %parallel_loop3A_353 = arith.constant 15 : i32
        %parallel_loop3A_354 = vector.broadcast %parallel_loop3A_353 : i32 to vector<16xi32>
        %parallel_loop3A_355 = arith.andi %parallel_loop3A_352, %parallel_loop3A_354 : vector<16xi32>
        %parallel_loop3A_356 = arith.constant 48 : i32
        %parallel_loop3A_357 = vector.broadcast %parallel_loop3A_356 : i32 to vector<16xi32>
        %parallel_loop3A_358 = arith.addi %parallel_loop3A_355, %parallel_loop3A_357 : vector<16xi32>
        %parallel_loop3A_359 = tpu.vector_load_idx %arg6[%add3A_5, %parallel_loop3A_358] : memref<128x64xf32, #tpu.memory_space<vmem>>[vector<16xi32>, vector<16xi32>], vector<16xf32>,
        %parallel_loop3A_360 = arith.constant 8.000000e+00 : f32
        %parallel_loop3A_361 = vector.broadcast %parallel_loop3A_360 : f32 to vector<16xf32>
        %parallel_loop3A_362 = arith.mulf %parallel_loop3A_359, %parallel_loop3A_361 : vector<16xf32>
        tpu.vector_store_idx %arg8[%parallel_loop3A_358, %add3A_5], %parallel_loop3A_362 : memref<64x128xf32, #tpu.memory_space<vmem>>[vector<16xi32>, vector<16xi32>], vector<16xf32>,
        %parallel_loop3A_363 = tpu.vector_load_idx %arg6[%add3A_8, %parallel_loop3A_358] : memref<128x64xf32, #tpu.memory_space<vmem>>[vector<16xi32>, vector<16xi32>], vector<16xf32>,
        %parallel_loop3A_364 = arith.constant 8.000000e+00 : f32
        %parallel_loop3A_365 = vector.broadcast %parallel_loop3A_364 : f32 to vector<16xf32>
        %parallel_loop3A_366 = arith.mulf %parallel_loop3A_363, %parallel_loop3A_365 : vector<16xf32>
        tpu.vector_store_idx %arg8[%parallel_loop3A_358, %add3A_8], %parallel_loop3A_366 : memref<64x128xf32, #tpu.memory_space<vmem>>[vector<16xi32>, vector<16xi32>], vector<16xf32>,
        %parallel_loop3A_367 = tpu.vector_load_idx %arg6[%add3A_11, %parallel_loop3A_358] : memref<128x64xf32, #tpu.memory_space<vmem>>[vector<16xi32>, vector<16xi32>], vector<16xf32>,
        %parallel_loop3A_368 = arith.constant 8.000000e+00 : f32
        %parallel_loop3A_369 = vector.broadcast %parallel_loop3A_368 : f32 to vector<16xf32>
        %parallel_loop3A_370 = arith.mulf %parallel_loop3A_367, %parallel_loop3A_369 : vector<16xf32>
        tpu.vector_store_idx %arg8[%parallel_loop3A_358, %add3A_11], %parallel_loop3A_370 : memref<64x128xf32, #tpu.memory_space<vmem>>[vector<16xi32>, vector<16xi32>], vector<16xf32>,
        %parallel_loop3A_371 = tpu.vector_load_idx %arg6[%add3A_14, %parallel_loop3A_358] : memref<128x64xf32, #tpu.memory_space<vmem>>[vector<16xi32>, vector<16xi32>], vector<16xf32>,
        %parallel_loop3A_372 = arith.constant 8.000000e+00 : f32
        %parallel_loop3A_373 = vector.broadcast %parallel_loop3A_372 : f32 to vector<16xf32>
        %parallel_loop3A_374 = arith.mulf %parallel_loop3A_371, %parallel_loop3A_373 : vector<16xf32>
        tpu.vector_store_idx %arg8[%parallel_loop3A_358, %add3A_14], %parallel_loop3A_374 : memref<64x128xf32, #tpu.memory_space<vmem>>[vector<16xi32>, vector<16xi32>], vector<16xf32>,
        %parallel_loop3A_375 = tpu.vector_load_idx %arg6[%add3A_17, %parallel_loop3A_358] : memref<128x64xf32, #tpu.memory_space<vmem>>[vector<16xi32>, vector<16xi32>], vector<16xf32>,
        %parallel_loop3A_376 = arith.constant 8.000000e+00 : f32
        %parallel_loop3A_377 = vector.broadcast %parallel_loop3A_376 : f32 to vector<16xf32>
        %parallel_loop3A_378 = arith.mulf %parallel_loop3A_375, %parallel_loop3A_377 : vector<16xf32>
        tpu.vector_store_idx %arg8[%parallel_loop3A_358, %add3A_17], %parallel_loop3A_378 : memref<64x128xf32, #tpu.memory_space<vmem>>[vector<16xi32>, vector<16xi32>], vector<16xf32>,
        %parallel_loop3A_379 = tpu.vector_load_idx %arg6[%add3A_20, %parallel_loop3A_358] : memref<128x64xf32, #tpu.memory_space<vmem>>[vector<16xi32>, vector<16xi32>], vector<16xf32>,
        %parallel_loop3A_380 = arith.constant 8.000000e+00 : f32
        %parallel_loop3A_381 = vector.broadcast %parallel_loop3A_380 : f32 to vector<16xf32>
        %parallel_loop3A_382 = arith.mulf %parallel_loop3A_379, %parallel_loop3A_381 : vector<16xf32>
        tpu.vector_store_idx %arg8[%parallel_loop3A_358, %add3A_20], %parallel_loop3A_382 : memref<64x128xf32, #tpu.memory_space<vmem>>[vector<16xi32>, vector<16xi32>], vector<16xf32>,
        %parallel_loop3A_383 = tpu.vector_load_idx %arg6[%add3A_23, %parallel_loop3A_358] : memref<128x64xf32, #tpu.memory_space<vmem>>[vector<16xi32>, vector<16xi32>], vector<16xf32>,
        %parallel_loop3A_384 = arith.constant 8.000000e+00 : f32
        %parallel_loop3A_385 = vector.broadcast %parallel_loop3A_384 : f32 to vector<16xf32>
        %parallel_loop3A_386 = arith.mulf %parallel_loop3A_383, %parallel_loop3A_385 : vector<16xf32>
        tpu.vector_store_idx %arg8[%parallel_loop3A_358, %add3A_23], %parallel_loop3A_386 : memref<64x128xf32, #tpu.memory_space<vmem>>[vector<16xi32>, vector<16xi32>], vector<16xf32>,
        %parallel_loop3A_387 = tpu.vector_load_idx %arg6[%add3A_26, %parallel_loop3A_358] : memref<128x64xf32, #tpu.memory_space<vmem>>[vector<16xi32>, vector<16xi32>], vector<16xf32>,
        %parallel_loop3A_388 = arith.constant 8.000000e+00 : f32
        %parallel_loop3A_389 = vector.broadcast %parallel_loop3A_388 : f32 to vector<16xf32>
        %parallel_loop3A_390 = arith.mulf %parallel_loop3A_387, %parallel_loop3A_389 : vector<16xf32>
        tpu.vector_store_idx %arg8[%parallel_loop3A_358, %add3A_26], %parallel_loop3A_390 : memref<64x128xf32, #tpu.memory_space<vmem>>[vector<16xi32>, vector<16xi32>], vector<16xf32>,
      } {sc.loop_unroll_factor = 2 : i64, sc.parallel_access}
      %dma_start3A_79 = arith.constant 0 : i32
      %dma_start3A_80 = arith.constant 0 : i32
      %dma_start3A_81 = arith.constant 0 : i32
      %dma_start3A_82 = tpu.memref_slice %arg8[%dma_start3A_80, %dma_start3A_81] : memref<64x128xf32, #tpu.memory_space<vmem>> -> memref<8x128xf32, #tpu.memory_space<vmem>>
      %dma_start3A_83 = arith.constant 0 : i32
      %dma_start3A_84 = arith.constant 0 : i32
      %dma_start3A_85 = tpu.memref_slice %arg4[%mul3A_51, %dma_start3A_79, %add3A, %dma_start3A_83, %dma_start3A_84] : memref<50x8x32x8x128xf32, #tpu.memory_space<hbm>> -> memref<1x1x1x8x128xf32, #tpu.memory_space<hbm>>
      %dma_start3A_86 = tpu.memref_squeeze %dma_start3A_85 : memref<1x1x1x8x128xf32, #tpu.memory_space<hbm>> -> memref<8x128xf32, #tpu.memory_space<hbm>>
      %dma_start3A_87 = arith.constant 0 : i32
      %dma_start3A_88 = arith.constant 0 : i32
      %dma_start3A_89 = tpu.memref_slice %arg4[%mul3A_51, %dma_start3A_79, %add3A, %dma_start3A_87, %dma_start3A_88] : memref<50x8x32x8x128xf32, #tpu.memory_space<hbm>> -> memref<1x1x1x8x128xf32, #tpu.memory_space<hbm>>
      %dma_start3A_90 = tpu.memref_squeeze %dma_start3A_89 : memref<1x1x1x8x128xf32, #tpu.memory_space<hbm>> -> memref<8x128xf32, #tpu.memory_space<hbm>>
      %dma_start3A_91 = arith.constant 0 : i32
      %dma_start3A_92 = arith.constant 0 : i32
      %dma_start3A_93 = tpu.memref_slice %arg8[%dma_start3A_91, %dma_start3A_92] : memref<64x128xf32, #tpu.memory_space<vmem>> -> memref<8x128xf32, #tpu.memory_space<vmem>>
      tpu.enqueue_dma source(%dma_start3A_93 : memref<8x128xf32, #tpu.memory_space<vmem>>) target(%dma_start3A_90 : memref<8x128xf32, #tpu.memory_space<hbm>>) target_semaphore(%arg11 : memref<!tpu.dma_semaphore, #tpu.memory_space<semaphore_mem>>)
      %dma_start3A_94 = arith.constant 1 : i32
      %dma_start3A_95 = arith.constant 8 : i32
      %dma_start3A_96 = arith.constant 0 : i32
      %dma_start3A_97 = tpu.memref_slice %arg8[%dma_start3A_95, %dma_start3A_96] : memref<64x128xf32, #tpu.memory_space<vmem>> -> memref<8x128xf32, #tpu.memory_space<vmem>>
      %dma_start3A_98 = arith.constant 0 : i32
      %dma_start3A_99 = arith.constant 0 : i32
      %dma_start3A_100 = tpu.memref_slice %arg4[%mul3A_51, %dma_start3A_94, %add3A, %dma_start3A_98, %dma_start3A_99] : memref<50x8x32x8x128xf32, #tpu.memory_space<hbm>> -> memref<1x1x1x8x128xf32, #tpu.memory_space<hbm>>
      %dma_start3A_101 = tpu.memref_squeeze %dma_start3A_100 : memref<1x1x1x8x128xf32, #tpu.memory_space<hbm>> -> memref<8x128xf32, #tpu.memory_space<hbm>>
      %dma_start3A_102 = arith.constant 0 : i32
      %dma_start3A_103 = arith.constant 0 : i32
      %dma_start3A_104 = tpu.memref_slice %arg4[%mul3A_51, %dma_start3A_94, %add3A, %dma_start3A_102, %dma_start3A_103] : memref<50x8x32x8x128xf32, #tpu.memory_space<hbm>> -> memref<1x1x1x8x128xf32, #tpu.memory_space<hbm>>
      %dma_start3A_105 = tpu.memref_squeeze %dma_start3A_104 : memref<1x1x1x8x128xf32, #tpu.memory_space<hbm>> -> memref<8x128xf32, #tpu.memory_space<hbm>>
      %dma_start3A_106 = arith.constant 8 : i32
      %dma_start3A_107 = arith.constant 0 : i32
      %dma_start3A_108 = tpu.memref_slice %arg8[%dma_start3A_106, %dma_start3A_107] : memref<64x128xf32, #tpu.memory_space<vmem>> -> memref<8x128xf32, #tpu.memory_space<vmem>>
      tpu.enqueue_dma source(%dma_start3A_108 : memref<8x128xf32, #tpu.memory_space<vmem>>) target(%dma_start3A_105 : memref<8x128xf32, #tpu.memory_space<hbm>>) target_semaphore(%arg11 : memref<!tpu.dma_semaphore, #tpu.memory_space<semaphore_mem>>)
      %dma_start3A_109 = arith.constant 2 : i32
      %dma_start3A_110 = arith.constant 16 : i32
      %dma_start3A_111 = arith.constant 0 : i32
      %dma_start3A_112 = tpu.memref_slice %arg8[%dma_start3A_110, %dma_start3A_111] : memref<64x128xf32, #tpu.memory_space<vmem>> -> memref<8x128xf32, #tpu.memory_space<vmem>>
      %dma_start3A_113 = arith.constant 0 : i32
      %dma_start3A_114 = arith.constant 0 : i32
      %dma_start3A_115 = tpu.memref_slice %arg4[%mul3A_51, %dma_start3A_109, %add3A, %dma_start3A_113, %dma_start3A_114] : memref<50x8x32x8x128xf32, #tpu.memory_space<hbm>> -> memref<1x1x1x8x128xf32, #tpu.memory_space<hbm>>
      %dma_start3A_116 = tpu.memref_squeeze %dma_start3A_115 : memref<1x1x1x8x128xf32, #tpu.memory_space<hbm>> -> memref<8x128xf32, #tpu.memory_space<hbm>>
      %dma_start3A_117 = arith.constant 0 : i32
      %dma_start3A_118 = arith.constant 0 : i32
      %dma_start3A_119 = tpu.memref_slice %arg4[%mul3A_51, %dma_start3A_109, %add3A, %dma_start3A_117, %dma_start3A_118] : memref<50x8x32x8x128xf32, #tpu.memory_space<hbm>> -> memref<1x1x1x8x128xf32, #tpu.memory_space<hbm>>
      %dma_start3A_120 = tpu.memref_squeeze %dma_start3A_119 : memref<1x1x1x8x128xf32, #tpu.memory_space<hbm>> -> memref<8x128xf32, #tpu.memory_space<hbm>>
      %dma_start3A_121 = arith.constant 16 : i32
      %dma_start3A_122 = arith.constant 0 : i32
      %dma_start3A_123 = tpu.memref_slice %arg8[%dma_start3A_121, %dma_start3A_122] : memref<64x128xf32, #tpu.memory_space<vmem>> -> memref<8x128xf32, #tpu.memory_space<vmem>>
      tpu.enqueue_dma source(%dma_start3A_123 : memref<8x128xf32, #tpu.memory_space<vmem>>) target(%dma_start3A_120 : memref<8x128xf32, #tpu.memory_space<hbm>>) target_semaphore(%arg11 : memref<!tpu.dma_semaphore, #tpu.memory_space<semaphore_mem>>)
      %dma_start3A_124 = arith.constant 3 : i32
      %dma_start3A_125 = arith.constant 24 : i32
      %dma_start3A_126 = arith.constant 0 : i32
      %dma_start3A_127 = tpu.memref_slice %arg8[%dma_start3A_125, %dma_start3A_126] : memref<64x128xf32, #tpu.memory_space<vmem>> -> memref<8x128xf32, #tpu.memory_space<vmem>>
      %dma_start3A_128 = arith.constant 0 : i32
      %dma_start3A_129 = arith.constant 0 : i32
      %dma_start3A_130 = tpu.memref_slice %arg4[%mul3A_51, %dma_start3A_124, %add3A, %dma_start3A_128, %dma_start3A_129] : memref<50x8x32x8x128xf32, #tpu.memory_space<hbm>> -> memref<1x1x1x8x128xf32, #tpu.memory_space<hbm>>
      %dma_start3A_131 = tpu.memref_squeeze %dma_start3A_130 : memref<1x1x1x8x128xf32, #tpu.memory_space<hbm>> -> memref<8x128xf32, #tpu.memory_space<hbm>>
      %dma_start3A_132 = arith.constant 0 : i32
      %dma_start3A_133 = arith.constant 0 : i32
      %dma_start3A_134 = tpu.memref_slice %arg4[%mul3A_51, %dma_start3A_124, %add3A, %dma_start3A_132, %dma_start3A_133] : memref<50x8x32x8x128xf32, #tpu.memory_space<hbm>> -> memref<1x1x1x8x128xf32, #tpu.memory_space<hbm>>
      %dma_start3A_135 = tpu.memref_squeeze %dma_start3A_134 : memref<1x1x1x8x128xf32, #tpu.memory_space<hbm>> -> memref<8x128xf32, #tpu.memory_space<hbm>>
      %dma_start3A_136 = arith.constant 24 : i32
      %dma_start3A_137 = arith.constant 0 : i32
      %dma_start3A_138 = tpu.memref_slice %arg8[%dma_start3A_136, %dma_start3A_137] : memref<64x128xf32, #tpu.memory_space<vmem>> -> memref<8x128xf32, #tpu.memory_space<vmem>>
      tpu.enqueue_dma source(%dma_start3A_138 : memref<8x128xf32, #tpu.memory_space<vmem>>) target(%dma_start3A_135 : memref<8x128xf32, #tpu.memory_space<hbm>>) target_semaphore(%arg11 : memref<!tpu.dma_semaphore, #tpu.memory_space<semaphore_mem>>)
      %dma_start3A_139 = arith.constant 4 : i32
      %dma_start3A_140 = arith.constant 32 : i32
      %dma_start3A_141 = arith.constant 0 : i32
      %dma_start3A_142 = tpu.memref_slice %arg8[%dma_start3A_140, %dma_start3A_141] : memref<64x128xf32, #tpu.memory_space<vmem>> -> memref<8x128xf32, #tpu.memory_space<vmem>>
      %dma_start3A_143 = arith.constant 0 : i32
      %dma_start3A_144 = arith.constant 0 : i32
      %dma_start3A_145 = tpu.memref_slice %arg4[%mul3A_51, %dma_start3A_139, %add3A, %dma_start3A_143, %dma_start3A_144] : memref<50x8x32x8x128xf32, #tpu.memory_space<hbm>> -> memref<1x1x1x8x128xf32, #tpu.memory_space<hbm>>
      %dma_start3A_146 = tpu.memref_squeeze %dma_start3A_145 : memref<1x1x1x8x128xf32, #tpu.memory_space<hbm>> -> memref<8x128xf32, #tpu.memory_space<hbm>>
      %dma_start3A_147 = arith.constant 0 : i32
      %dma_start3A_148 = arith.constant 0 : i32
      %dma_start3A_149 = tpu.memref_slice %arg4[%mul3A_51, %dma_start3A_139, %add3A, %dma_start3A_147, %dma_start3A_148] : memref<50x8x32x8x128xf32, #tpu.memory_space<hbm>> -> memref<1x1x1x8x128xf32, #tpu.memory_space<hbm>>
      %dma_start3A_150 = tpu.memref_squeeze %dma_start3A_149 : memref<1x1x1x8x128xf32, #tpu.memory_space<hbm>> -> memref<8x128xf32, #tpu.memory_space<hbm>>
      %dma_start3A_151 = arith.constant 32 : i32
      %dma_start3A_152 = arith.constant 0 : i32
      %dma_start3A_153 = tpu.memref_slice %arg8[%dma_start3A_151, %dma_start3A_152] : memref<64x128xf32, #tpu.memory_space<vmem>> -> memref<8x128xf32, #tpu.memory_space<vmem>>
      tpu.enqueue_dma source(%dma_start3A_153 : memref<8x128xf32, #tpu.memory_space<vmem>>) target(%dma_start3A_150 : memref<8x128xf32, #tpu.memory_space<hbm>>) target_semaphore(%arg11 : memref<!tpu.dma_semaphore, #tpu.memory_space<semaphore_mem>>)
      %dma_start3A_154 = arith.constant 5 : i32
      %dma_start3A_155 = arith.constant 40 : i32
      %dma_start3A_156 = arith.constant 0 : i32
      %dma_start3A_157 = tpu.memref_slice %arg8[%dma_start3A_155, %dma_start3A_156] : memref<64x128xf32, #tpu.memory_space<vmem>> -> memref<8x128xf32, #tpu.memory_space<vmem>>
      %dma_start3A_158 = arith.constant 0 : i32
      %dma_start3A_159 = arith.constant 0 : i32
      %dma_start3A_160 = tpu.memref_slice %arg4[%mul3A_51, %dma_start3A_154, %add3A, %dma_start3A_158, %dma_start3A_159] : memref<50x8x32x8x128xf32, #tpu.memory_space<hbm>> -> memref<1x1x1x8x128xf32, #tpu.memory_space<hbm>>
      %dma_start3A_161 = tpu.memref_squeeze %dma_start3A_160 : memref<1x1x1x8x128xf32, #tpu.memory_space<hbm>> -> memref<8x128xf32, #tpu.memory_space<hbm>>
      %dma_start3A_162 = arith.constant 0 : i32
      %dma_start3A_163 = arith.constant 0 : i32
      %dma_start3A_164 = tpu.memref_slice %arg4[%mul3A_51, %dma_start3A_154, %add3A, %dma_start3A_162, %dma_start3A_163] : memref<50x8x32x8x128xf32, #tpu.memory_space<hbm>> -> memref<1x1x1x8x128xf32, #tpu.memory_space<hbm>>
      %dma_start3A_165 = tpu.memref_squeeze %dma_start3A_164 : memref<1x1x1x8x128xf32, #tpu.memory_space<hbm>> -> memref<8x128xf32, #tpu.memory_space<hbm>>
      %dma_start3A_166 = arith.constant 40 : i32
      %dma_start3A_167 = arith.constant 0 : i32
      %dma_start3A_168 = tpu.memref_slice %arg8[%dma_start3A_166, %dma_start3A_167] : memref<64x128xf32, #tpu.memory_space<vmem>> -> memref<8x128xf32, #tpu.memory_space<vmem>>
      tpu.enqueue_dma source(%dma_start3A_168 : memref<8x128xf32, #tpu.memory_space<vmem>>) target(%dma_start3A_165 : memref<8x128xf32, #tpu.memory_space<hbm>>) target_semaphore(%arg11 : memref<!tpu.dma_semaphore, #tpu.memory_space<semaphore_mem>>)
      %dma_start3A_169 = arith.constant 6 : i32
      %dma_start3A_170 = arith.constant 48 : i32
      %dma_start3A_171 = arith.constant 0 : i32
      %dma_start3A_172 = tpu.memref_slice %arg8[%dma_start3A_170, %dma_start3A_171] : memref<64x128xf32, #tpu.memory_space<vmem>> -> memref<8x128xf32, #tpu.memory_space<vmem>>
      %dma_start3A_173 = arith.constant 0 : i32
      %dma_start3A_174 = arith.constant 0 : i32
      %dma_start3A_175 = tpu.memref_slice %arg4[%mul3A_51, %dma_start3A_169, %add3A, %dma_start3A_173, %dma_start3A_174] : memref<50x8x32x8x128xf32, #tpu.memory_space<hbm>> -> memref<1x1x1x8x128xf32, #tpu.memory_space<hbm>>
      %dma_start3A_176 = tpu.memref_squeeze %dma_start3A_175 : memref<1x1x1x8x128xf32, #tpu.memory_space<hbm>> -> memref<8x128xf32, #tpu.memory_space<hbm>>
      %dma_start3A_177 = arith.constant 0 : i32
      %dma_start3A_178 = arith.constant 0 : i32
      %dma_start3A_179 = tpu.memref_slice %arg4[%mul3A_51, %dma_start3A_169, %add3A, %dma_start3A_177, %dma_start3A_178] : memref<50x8x32x8x128xf32, #tpu.memory_space<hbm>> -> memref<1x1x1x8x128xf32, #tpu.memory_space<hbm>>
      %dma_start3A_180 = tpu.memref_squeeze %dma_start3A_179 : memref<1x1x1x8x128xf32, #tpu.memory_space<hbm>> -> memref<8x128xf32, #tpu.memory_space<hbm>>
      %dma_start3A_181 = arith.constant 48 : i32
      %dma_start3A_182 = arith.constant 0 : i32
      %dma_start3A_183 = tpu.memref_slice %arg8[%dma_start3A_181, %dma_start3A_182] : memref<64x128xf32, #tpu.memory_space<vmem>> -> memref<8x128xf32, #tpu.memory_space<vmem>>
      tpu.enqueue_dma source(%dma_start3A_183 : memref<8x128xf32, #tpu.memory_space<vmem>>) target(%dma_start3A_180 : memref<8x128xf32, #tpu.memory_space<hbm>>) target_semaphore(%arg11 : memref<!tpu.dma_semaphore, #tpu.memory_space<semaphore_mem>>)
      %dma_start3A_184 = arith.constant 7 : i32
      %dma_start3A_185 = arith.constant 56 : i32
      %dma_start3A_186 = arith.constant 0 : i32
      %dma_start3A_187 = tpu.memref_slice %arg8[%dma_start3A_185, %dma_start3A_186] : memref<64x128xf32, #tpu.memory_space<vmem>> -> memref<8x128xf32, #tpu.memory_space<vmem>>
      %dma_start3A_188 = arith.constant 0 : i32
      %dma_start3A_189 = arith.constant 0 : i32
      %dma_start3A_190 = tpu.memref_slice %arg4[%mul3A_51, %dma_start3A_184, %add3A, %dma_start3A_188, %dma_start3A_189] : memref<50x8x32x8x128xf32, #tpu.memory_space<hbm>> -> memref<1x1x1x8x128xf32, #tpu.memory_space<hbm>>
      %dma_start3A_191 = tpu.memref_squeeze %dma_start3A_190 : memref<1x1x1x8x128xf32, #tpu.memory_space<hbm>> -> memref<8x128xf32, #tpu.memory_space<hbm>>
      %dma_start3A_192 = arith.constant 0 : i32
      %dma_start3A_193 = arith.constant 0 : i32
      %dma_start3A_194 = tpu.memref_slice %arg4[%mul3A_51, %dma_start3A_184, %add3A, %dma_start3A_192, %dma_start3A_193] : memref<50x8x32x8x128xf32, #tpu.memory_space<hbm>> -> memref<1x1x1x8x128xf32, #tpu.memory_space<hbm>>
      %dma_start3A_195 = tpu.memref_squeeze %dma_start3A_194 : memref<1x1x1x8x128xf32, #tpu.memory_space<hbm>> -> memref<8x128xf32, #tpu.memory_space<hbm>>
      %dma_start3A_196 = arith.constant 56 : i32
      %dma_start3A_197 = arith.constant 0 : i32
      %dma_start3A_198 = tpu.memref_slice %arg8[%dma_start3A_196, %dma_start3A_197] : memref<64x128xf32, #tpu.memory_space<vmem>> -> memref<8x128xf32, #tpu.memory_space<vmem>>
      tpu.enqueue_dma source(%dma_start3A_198 : memref<8x128xf32, #tpu.memory_space<vmem>>) target(%dma_start3A_195 : memref<8x128xf32, #tpu.memory_space<hbm>>) target_semaphore(%arg11 : memref<!tpu.dma_semaphore, #tpu.memory_space<semaphore_mem>>)
      %add3A_199 = arith.constant 1 : i32
      %add3A_200 = arith.addi %scan3A_49, %add3A_199 : i32
      %lt3A = arith.constant 25 : i32
      %lt3A_201 = arith.cmpi slt, %add3A_200, %lt3A : i32
      %convert_element_type3A_202 = arith.extui %lt3A_201 : i1 to i32
      %cond3A_203 = arith.constant 0 : i32
      %cond3A_204 = arith.cmpi ne, %convert_element_type3A_202, %cond3A_203 : i32
      scf.if %cond3A_204 {
        %add3A_350 = arith.constant 2 : i32
        %add3A_351 = arith.addi %mul3A_51, %add3A_350 : i32
        %dma_start3A_352 = arith.constant 0 : i32
        %dma_start3A_353 = tpu.memref_slice %arg5[%add3A_351, %dma_start3A_352] : memref<50x128xi32, #tpu.memory_space<vmem>> -> memref<1x128xi32, #tpu.memory_space<vmem>>
        %dma_start3A_354 = tpu.memref_squeeze %dma_start3A_353 : memref<1x128xi32, #tpu.memory_space<vmem>> -> memref<128xi32, #tpu.memory_space<vmem>>
        %dma_start3A_355 = arith.constant 0 : i32
        %dma_start3A_356 = arith.constant 0 : i32
        %dma_start3A_357 = tpu.memref_slice %arg3[%dma_start3A_355, %dma_start3A_356] : memref<100000x64xf32, #tpu.memory_space<hbm>> -> memref<100000x64xf32, #tpu.memory_space<hbm>>
        tpu.enqueue_indirect_dma source(%dma_start3A_357 : memref<100000x64xf32, #tpu.memory_space<hbm>>) target(%arg6 : memref<128x64xf32, #tpu.memory_space<vmem>>) offsets(%dma_start3A_354 : memref<128xi32, #tpu.memory_space<vmem>>) semaphore(%arg10 : memref<!tpu.dma_semaphore, #tpu.memory_space<semaphore_mem>>)
      } else {
      }
      %ge3A_205 = arith.constant 1 : i32
      %ge3A_206 = arith.cmpi sge, %scan3A_49, %ge3A_205 : i32
      %convert_element_type3A_207 = arith.extui %ge3A_206 : i1 to i32
      %cond3A_208 = arith.constant 0 : i32
      %cond3A_209 = arith.cmpi ne, %convert_element_type3A_207, %cond3A_208 : i32
      scf.if %cond3A_209 {
        %dma_wait3A_350 = arith.constant 0 : i32
        %dma_wait3A_351 = arith.constant 0 : i32
        %dma_wait3A_352 = tpu.memref_slice %arg3[%dma_wait3A_350, %dma_wait3A_351] : memref<100000x64xf32, #tpu.memory_space<hbm>> -> memref<128x64xf32, #tpu.memory_space<hbm>>
        %dma_wait3A_353 = arith.constant 0 : i32
        %dma_wait3A_354 = arith.constant 0 : i32
        %dma_wait3A_355 = tpu.memref_slice %arg3[%dma_wait3A_353, %dma_wait3A_354] : memref<100000x64xf32, #tpu.memory_space<hbm>> -> memref<128x64xf32, #tpu.memory_space<hbm>>
        tpu.wait_dma2 semaphore(%arg11 : memref<!tpu.dma_semaphore, #tpu.memory_space<semaphore_mem>>) src(%dma_wait3A_355 : memref<128x64xf32, #tpu.memory_space<hbm>>) dst(%arg9 : memref<64x128xf32, #tpu.memory_space<vmem>>)
      } else {
      }
      %dma_wait3A_210 = arith.constant 0 : i32
      %dma_wait3A_211 = arith.constant 0 : i32
      %dma_wait3A_212 = tpu.memref_slice %arg3[%dma_wait3A_210, %dma_wait3A_211] : memref<100000x64xf32, #tpu.memory_space<hbm>> -> memref<128x64xf32, #tpu.memory_space<hbm>>
      %dma_wait3A_213 = arith.constant 0 : i32
      %dma_wait3A_214 = arith.constant 0 : i32
      %dma_wait3A_215 = tpu.memref_slice %arg3[%dma_wait3A_213, %dma_wait3A_214] : memref<100000x64xf32, #tpu.memory_space<hbm>> -> memref<128x64xf32, #tpu.memory_space<hbm>>
      tpu.wait_dma2 semaphore(%arg10 : memref<!tpu.dma_semaphore, #tpu.memory_space<semaphore_mem>>) src(%dma_wait3A_215 : memref<128x64xf32, #tpu.memory_space<hbm>>) dst(%arg7 : memref<128x64xf32, #tpu.memory_space<vmem>>)
      %add3A_216 = arith.constant 1 : i32
      %add3A_217 = arith.addi %mul3A_51, %add3A_216 : i32
      %parallel_loop3A_218 = arith.constant 0 : i32
      %parallel_loop3A_219 = arith.constant 16 : i32
      %parallel_loop3A_220 = arith.constant 1 : i32
      scf.for %parallel_loop3A_350 = %parallel_loop3A_218 to %parallel_loop3A_219 step %parallel_loop3A_220  : i32 {
        %parallel_loop3A_351 = vector.broadcast %parallel_loop3A_350 : i32 to vector<16xi32>
        %parallel_loop3A_352 = arith.addi %iota3A, %parallel_loop3A_351 : vector<16xi32>
        %parallel_loop3A_353 = arith.constant 15 : i32
        %parallel_loop3A_354 = vector.broadcast %parallel_loop3A_353 : i32 to vector<16xi32>
        %parallel_loop3A_355 = arith.andi %parallel_loop3A_352, %parallel_loop3A_354 : vector<16xi32>
        %parallel_loop3A_356 = arith.constant 0 : i32
        %parallel_loop3A_357 = vector.broadcast %parallel_loop3A_356 : i32 to vector<16xi32>
        %parallel_loop3A_358 = arith.addi %parallel_loop3A_355, %parallel_loop3A_357 : vector<16xi32>
        %parallel_loop3A_359 = tpu.vector_load_idx %arg7[%add3A_5, %parallel_loop3A_358] : memref<128x64xf32, #tpu.memory_space<vmem>>[vector<16xi32>, vector<16xi32>], vector<16xf32>,
        %parallel_loop3A_360 = arith.constant 8.000000e+00 : f32
        %parallel_loop3A_361 = vector.broadcast %parallel_loop3A_360 : f32 to vector<16xf32>
        %parallel_loop3A_362 = arith.mulf %parallel_loop3A_359, %parallel_loop3A_361 : vector<16xf32>
        tpu.vector_store_idx %arg9[%parallel_loop3A_358, %add3A_5], %parallel_loop3A_362 : memref<64x128xf32, #tpu.memory_space<vmem>>[vector<16xi32>, vector<16xi32>], vector<16xf32>,
        %parallel_loop3A_363 = tpu.vector_load_idx %arg7[%add3A_8, %parallel_loop3A_358] : memref<128x64xf32, #tpu.memory_space<vmem>>[vector<16xi32>, vector<16xi32>], vector<16xf32>,
        %parallel_loop3A_364 = arith.constant 8.000000e+00 : f32
        %parallel_loop3A_365 = vector.broadcast %parallel_loop3A_364 : f32 to vector<16xf32>
        %parallel_loop3A_366 = arith.mulf %parallel_loop3A_363, %parallel_loop3A_365 : vector<16xf32>
        tpu.vector_store_idx %arg9[%parallel_loop3A_358, %add3A_8], %parallel_loop3A_366 : memref<64x128xf32, #tpu.memory_space<vmem>>[vector<16xi32>, vector<16xi32>], vector<16xf32>,
        %parallel_loop3A_367 = tpu.vector_load_idx %arg7[%add3A_11, %parallel_loop3A_358] : memref<128x64xf32, #tpu.memory_space<vmem>>[vector<16xi32>, vector<16xi32>], vector<16xf32>,
        %parallel_loop3A_368 = arith.constant 8.000000e+00 : f32
        %parallel_loop3A_369 = vector.broadcast %parallel_loop3A_368 : f32 to vector<16xf32>
        %parallel_loop3A_370 = arith.mulf %parallel_loop3A_367, %parallel_loop3A_369 : vector<16xf32>
        tpu.vector_store_idx %arg9[%parallel_loop3A_358, %add3A_11], %parallel_loop3A_370 : memref<64x128xf32, #tpu.memory_space<vmem>>[vector<16xi32>, vector<16xi32>], vector<16xf32>,
        %parallel_loop3A_371 = tpu.vector_load_idx %arg7[%add3A_14, %parallel_loop3A_358] : memref<128x64xf32, #tpu.memory_space<vmem>>[vector<16xi32>, vector<16xi32>], vector<16xf32>,
        %parallel_loop3A_372 = arith.constant 8.000000e+00 : f32
        %parallel_loop3A_373 = vector.broadcast %parallel_loop3A_372 : f32 to vector<16xf32>
        %parallel_loop3A_374 = arith.mulf %parallel_loop3A_371, %parallel_loop3A_373 : vector<16xf32>
        tpu.vector_store_idx %arg9[%parallel_loop3A_358, %add3A_14], %parallel_loop3A_374 : memref<64x128xf32, #tpu.memory_space<vmem>>[vector<16xi32>, vector<16xi32>], vector<16xf32>,
        %parallel_loop3A_375 = tpu.vector_load_idx %arg7[%add3A_17, %parallel_loop3A_358] : memref<128x64xf32, #tpu.memory_space<vmem>>[vector<16xi32>, vector<16xi32>], vector<16xf32>,
        %parallel_loop3A_376 = arith.constant 8.000000e+00 : f32
        %parallel_loop3A_377 = vector.broadcast %parallel_loop3A_376 : f32 to vector<16xf32>
        %parallel_loop3A_378 = arith.mulf %parallel_loop3A_375, %parallel_loop3A_377 : vector<16xf32>
        tpu.vector_store_idx %arg9[%parallel_loop3A_358, %add3A_17], %parallel_loop3A_378 : memref<64x128xf32, #tpu.memory_space<vmem>>[vector<16xi32>, vector<16xi32>], vector<16xf32>,
        %parallel_loop3A_379 = tpu.vector_load_idx %arg7[%add3A_20, %parallel_loop3A_358] : memref<128x64xf32, #tpu.memory_space<vmem>>[vector<16xi32>, vector<16xi32>], vector<16xf32>,
        %parallel_loop3A_380 = arith.constant 8.000000e+00 : f32
        %parallel_loop3A_381 = vector.broadcast %parallel_loop3A_380 : f32 to vector<16xf32>
        %parallel_loop3A_382 = arith.mulf %parallel_loop3A_379, %parallel_loop3A_381 : vector<16xf32>
        tpu.vector_store_idx %arg9[%parallel_loop3A_358, %add3A_20], %parallel_loop3A_382 : memref<64x128xf32, #tpu.memory_space<vmem>>[vector<16xi32>, vector<16xi32>], vector<16xf32>,
        %parallel_loop3A_383 = tpu.vector_load_idx %arg7[%add3A_23, %parallel_loop3A_358] : memref<128x64xf32, #tpu.memory_space<vmem>>[vector<16xi32>, vector<16xi32>], vector<16xf32>,
        %parallel_loop3A_384 = arith.constant 8.000000e+00 : f32
        %parallel_loop3A_385 = vector.broadcast %parallel_loop3A_384 : f32 to vector<16xf32>
        %parallel_loop3A_386 = arith.mulf %parallel_loop3A_383, %parallel_loop3A_385 : vector<16xf32>
        tpu.vector_store_idx %arg9[%parallel_loop3A_358, %add3A_23], %parallel_loop3A_386 : memref<64x128xf32, #tpu.memory_space<vmem>>[vector<16xi32>, vector<16xi32>], vector<16xf32>,
        %parallel_loop3A_387 = tpu.vector_load_idx %arg7[%add3A_26, %parallel_loop3A_358] : memref<128x64xf32, #tpu.memory_space<vmem>>[vector<16xi32>, vector<16xi32>], vector<16xf32>,
        %parallel_loop3A_388 = arith.constant 8.000000e+00 : f32
        %parallel_loop3A_389 = vector.broadcast %parallel_loop3A_388 : f32 to vector<16xf32>
        %parallel_loop3A_390 = arith.mulf %parallel_loop3A_387, %parallel_loop3A_389 : vector<16xf32>
        tpu.vector_store_idx %arg9[%parallel_loop3A_358, %add3A_26], %parallel_loop3A_390 : memref<64x128xf32, #tpu.memory_space<vmem>>[vector<16xi32>, vector<16xi32>], vector<16xf32>,
      } {sc.loop_unroll_factor = 2 : i64, sc.parallel_access}
      %parallel_loop3A_221 = arith.constant 0 : i32
      %parallel_loop3A_222 = arith.constant 16 : i32
      %parallel_loop3A_223 = arith.constant 1 : i32
      scf.for %parallel_loop3A_350 = %parallel_loop3A_221 to %parallel_loop3A_222 step %parallel_loop3A_223  : i32 {
        %parallel_loop3A_351 = vector.broadcast %parallel_loop3A_350 : i32 to vector<16xi32>
        %parallel_loop3A_352 = arith.addi %iota3A, %parallel_loop3A_351 : vector<16xi32>
        %parallel_loop3A_353 = arith.constant 15 : i32
        %parallel_loop3A_354 = vector.broadcast %parallel_loop3A_353 : i32 to vector<16xi32>
        %parallel_loop3A_355 = arith.andi %parallel_loop3A_352, %parallel_loop3A_354 : vector<16xi32>
        %parallel_loop3A_356 = arith.constant 16 : i32
        %parallel_loop3A_357 = vector.broadcast %parallel_loop3A_356 : i32 to vector<16xi32>
        %parallel_loop3A_358 = arith.addi %parallel_loop3A_355, %parallel_loop3A_357 : vector<16xi32>
        %parallel_loop3A_359 = tpu.vector_load_idx %arg7[%add3A_5, %parallel_loop3A_358] : memref<128x64xf32, #tpu.memory_space<vmem>>[vector<16xi32>, vector<16xi32>], vector<16xf32>,
        %parallel_loop3A_360 = arith.constant 8.000000e+00 : f32
        %parallel_loop3A_361 = vector.broadcast %parallel_loop3A_360 : f32 to vector<16xf32>
        %parallel_loop3A_362 = arith.mulf %parallel_loop3A_359, %parallel_loop3A_361 : vector<16xf32>
        tpu.vector_store_idx %arg9[%parallel_loop3A_358, %add3A_5], %parallel_loop3A_362 : memref<64x128xf32, #tpu.memory_space<vmem>>[vector<16xi32>, vector<16xi32>], vector<16xf32>,
        %parallel_loop3A_363 = tpu.vector_load_idx %arg7[%add3A_8, %parallel_loop3A_358] : memref<128x64xf32, #tpu.memory_space<vmem>>[vector<16xi32>, vector<16xi32>], vector<16xf32>,
        %parallel_loop3A_364 = arith.constant 8.000000e+00 : f32
        %parallel_loop3A_365 = vector.broadcast %parallel_loop3A_364 : f32 to vector<16xf32>
        %parallel_loop3A_366 = arith.mulf %parallel_loop3A_363, %parallel_loop3A_365 : vector<16xf32>
        tpu.vector_store_idx %arg9[%parallel_loop3A_358, %add3A_8], %parallel_loop3A_366 : memref<64x128xf32, #tpu.memory_space<vmem>>[vector<16xi32>, vector<16xi32>], vector<16xf32>,
        %parallel_loop3A_367 = tpu.vector_load_idx %arg7[%add3A_11, %parallel_loop3A_358] : memref<128x64xf32, #tpu.memory_space<vmem>>[vector<16xi32>, vector<16xi32>], vector<16xf32>,
        %parallel_loop3A_368 = arith.constant 8.000000e+00 : f32
        %parallel_loop3A_369 = vector.broadcast %parallel_loop3A_368 : f32 to vector<16xf32>
        %parallel_loop3A_370 = arith.mulf %parallel_loop3A_367, %parallel_loop3A_369 : vector<16xf32>
        tpu.vector_store_idx %arg9[%parallel_loop3A_358, %add3A_11], %parallel_loop3A_370 : memref<64x128xf32, #tpu.memory_space<vmem>>[vector<16xi32>, vector<16xi32>], vector<16xf32>,
        %parallel_loop3A_371 = tpu.vector_load_idx %arg7[%add3A_14, %parallel_loop3A_358] : memref<128x64xf32, #tpu.memory_space<vmem>>[vector<16xi32>, vector<16xi32>], vector<16xf32>,
        %parallel_loop3A_372 = arith.constant 8.000000e+00 : f32
        %parallel_loop3A_373 = vector.broadcast %parallel_loop3A_372 : f32 to vector<16xf32>
        %parallel_loop3A_374 = arith.mulf %parallel_loop3A_371, %parallel_loop3A_373 : vector<16xf32>
        tpu.vector_store_idx %arg9[%parallel_loop3A_358, %add3A_14], %parallel_loop3A_374 : memref<64x128xf32, #tpu.memory_space<vmem>>[vector<16xi32>, vector<16xi32>], vector<16xf32>,
        %parallel_loop3A_375 = tpu.vector_load_idx %arg7[%add3A_17, %parallel_loop3A_358] : memref<128x64xf32, #tpu.memory_space<vmem>>[vector<16xi32>, vector<16xi32>], vector<16xf32>,
        %parallel_loop3A_376 = arith.constant 8.000000e+00 : f32
        %parallel_loop3A_377 = vector.broadcast %parallel_loop3A_376 : f32 to vector<16xf32>
        %parallel_loop3A_378 = arith.mulf %parallel_loop3A_375, %parallel_loop3A_377 : vector<16xf32>
        tpu.vector_store_idx %arg9[%parallel_loop3A_358, %add3A_17], %parallel_loop3A_378 : memref<64x128xf32, #tpu.memory_space<vmem>>[vector<16xi32>, vector<16xi32>], vector<16xf32>,
        %parallel_loop3A_379 = tpu.vector_load_idx %arg7[%add3A_20, %parallel_loop3A_358] : memref<128x64xf32, #tpu.memory_space<vmem>>[vector<16xi32>, vector<16xi32>], vector<16xf32>,
        %parallel_loop3A_380 = arith.constant 8.000000e+00 : f32
        %parallel_loop3A_381 = vector.broadcast %parallel_loop3A_380 : f32 to vector<16xf32>
        %parallel_loop3A_382 = arith.mulf %parallel_loop3A_379, %parallel_loop3A_381 : vector<16xf32>
        tpu.vector_store_idx %arg9[%parallel_loop3A_358, %add3A_20], %parallel_loop3A_382 : memref<64x128xf32, #tpu.memory_space<vmem>>[vector<16xi32>, vector<16xi32>], vector<16xf32>,
        %parallel_loop3A_383 = tpu.vector_load_idx %arg7[%add3A_23, %parallel_loop3A_358] : memref<128x64xf32, #tpu.memory_space<vmem>>[vector<16xi32>, vector<16xi32>], vector<16xf32>,
        %parallel_loop3A_384 = arith.constant 8.000000e+00 : f32
        %parallel_loop3A_385 = vector.broadcast %parallel_loop3A_384 : f32 to vector<16xf32>
        %parallel_loop3A_386 = arith.mulf %parallel_loop3A_383, %parallel_loop3A_385 : vector<16xf32>
        tpu.vector_store_idx %arg9[%parallel_loop3A_358, %add3A_23], %parallel_loop3A_386 : memref<64x128xf32, #tpu.memory_space<vmem>>[vector<16xi32>, vector<16xi32>], vector<16xf32>,
        %parallel_loop3A_387 = tpu.vector_load_idx %arg7[%add3A_26, %parallel_loop3A_358] : memref<128x64xf32, #tpu.memory_space<vmem>>[vector<16xi32>, vector<16xi32>], vector<16xf32>,
        %parallel_loop3A_388 = arith.constant 8.000000e+00 : f32
        %parallel_loop3A_389 = vector.broadcast %parallel_loop3A_388 : f32 to vector<16xf32>
        %parallel_loop3A_390 = arith.mulf %parallel_loop3A_387, %parallel_loop3A_389 : vector<16xf32>
        tpu.vector_store_idx %arg9[%parallel_loop3A_358, %add3A_26], %parallel_loop3A_390 : memref<64x128xf32, #tpu.memory_space<vmem>>[vector<16xi32>, vector<16xi32>], vector<16xf32>,
      } {sc.loop_unroll_factor = 2 : i64, sc.parallel_access}
      %parallel_loop3A_224 = arith.constant 0 : i32
      %parallel_loop3A_225 = arith.constant 16 : i32
      %parallel_loop3A_226 = arith.constant 1 : i32
      scf.for %parallel_loop3A_350 = %parallel_loop3A_224 to %parallel_loop3A_225 step %parallel_loop3A_226  : i32 {
        %parallel_loop3A_351 = vector.broadcast %parallel_loop3A_350 : i32 to vector<16xi32>
        %parallel_loop3A_352 = arith.addi %iota3A, %parallel_loop3A_351 : vector<16xi32>
        %parallel_loop3A_353 = arith.constant 15 : i32
        %parallel_loop3A_354 = vector.broadcast %parallel_loop3A_353 : i32 to vector<16xi32>
        %parallel_loop3A_355 = arith.andi %parallel_loop3A_352, %parallel_loop3A_354 : vector<16xi32>
        %parallel_loop3A_356 = arith.constant 32 : i32
        %parallel_loop3A_357 = vector.broadcast %parallel_loop3A_356 : i32 to vector<16xi32>
        %parallel_loop3A_358 = arith.addi %parallel_loop3A_355, %parallel_loop3A_357 : vector<16xi32>
        %parallel_loop3A_359 = tpu.vector_load_idx %arg7[%add3A_5, %parallel_loop3A_358] : memref<128x64xf32, #tpu.memory_space<vmem>>[vector<16xi32>, vector<16xi32>], vector<16xf32>,
        %parallel_loop3A_360 = arith.constant 8.000000e+00 : f32
        %parallel_loop3A_361 = vector.broadcast %parallel_loop3A_360 : f32 to vector<16xf32>
        %parallel_loop3A_362 = arith.mulf %parallel_loop3A_359, %parallel_loop3A_361 : vector<16xf32>
        tpu.vector_store_idx %arg9[%parallel_loop3A_358, %add3A_5], %parallel_loop3A_362 : memref<64x128xf32, #tpu.memory_space<vmem>>[vector<16xi32>, vector<16xi32>], vector<16xf32>,
        %parallel_loop3A_363 = tpu.vector_load_idx %arg7[%add3A_8, %parallel_loop3A_358] : memref<128x64xf32, #tpu.memory_space<vmem>>[vector<16xi32>, vector<16xi32>], vector<16xf32>,
        %parallel_loop3A_364 = arith.constant 8.000000e+00 : f32
        %parallel_loop3A_365 = vector.broadcast %parallel_loop3A_364 : f32 to vector<16xf32>
        %parallel_loop3A_366 = arith.mulf %parallel_loop3A_363, %parallel_loop3A_365 : vector<16xf32>
        tpu.vector_store_idx %arg9[%parallel_loop3A_358, %add3A_8], %parallel_loop3A_366 : memref<64x128xf32, #tpu.memory_space<vmem>>[vector<16xi32>, vector<16xi32>], vector<16xf32>,
        %parallel_loop3A_367 = tpu.vector_load_idx %arg7[%add3A_11, %parallel_loop3A_358] : memref<128x64xf32, #tpu.memory_space<vmem>>[vector<16xi32>, vector<16xi32>], vector<16xf32>,
        %parallel_loop3A_368 = arith.constant 8.000000e+00 : f32
        %parallel_loop3A_369 = vector.broadcast %parallel_loop3A_368 : f32 to vector<16xf32>
        %parallel_loop3A_370 = arith.mulf %parallel_loop3A_367, %parallel_loop3A_369 : vector<16xf32>
        tpu.vector_store_idx %arg9[%parallel_loop3A_358, %add3A_11], %parallel_loop3A_370 : memref<64x128xf32, #tpu.memory_space<vmem>>[vector<16xi32>, vector<16xi32>], vector<16xf32>,
        %parallel_loop3A_371 = tpu.vector_load_idx %arg7[%add3A_14, %parallel_loop3A_358] : memref<128x64xf32, #tpu.memory_space<vmem>>[vector<16xi32>, vector<16xi32>], vector<16xf32>,
        %parallel_loop3A_372 = arith.constant 8.000000e+00 : f32
        %parallel_loop3A_373 = vector.broadcast %parallel_loop3A_372 : f32 to vector<16xf32>
        %parallel_loop3A_374 = arith.mulf %parallel_loop3A_371, %parallel_loop3A_373 : vector<16xf32>
        tpu.vector_store_idx %arg9[%parallel_loop3A_358, %add3A_14], %parallel_loop3A_374 : memref<64x128xf32, #tpu.memory_space<vmem>>[vector<16xi32>, vector<16xi32>], vector<16xf32>,
        %parallel_loop3A_375 = tpu.vector_load_idx %arg7[%add3A_17, %parallel_loop3A_358] : memref<128x64xf32, #tpu.memory_space<vmem>>[vector<16xi32>, vector<16xi32>], vector<16xf32>,
        %parallel_loop3A_376 = arith.constant 8.000000e+00 : f32
        %parallel_loop3A_377 = vector.broadcast %parallel_loop3A_376 : f32 to vector<16xf32>
        %parallel_loop3A_378 = arith.mulf %parallel_loop3A_375, %parallel_loop3A_377 : vector<16xf32>
        tpu.vector_store_idx %arg9[%parallel_loop3A_358, %add3A_17], %parallel_loop3A_378 : memref<64x128xf32, #tpu.memory_space<vmem>>[vector<16xi32>, vector<16xi32>], vector<16xf32>,
        %parallel_loop3A_379 = tpu.vector_load_idx %arg7[%add3A_20, %parallel_loop3A_358] : memref<128x64xf32, #tpu.memory_space<vmem>>[vector<16xi32>, vector<16xi32>], vector<16xf32>,
        %parallel_loop3A_380 = arith.constant 8.000000e+00 : f32
        %parallel_loop3A_381 = vector.broadcast %parallel_loop3A_380 : f32 to vector<16xf32>
        %parallel_loop3A_382 = arith.mulf %parallel_loop3A_379, %parallel_loop3A_381 : vector<16xf32>
        tpu.vector_store_idx %arg9[%parallel_loop3A_358, %add3A_20], %parallel_loop3A_382 : memref<64x128xf32, #tpu.memory_space<vmem>>[vector<16xi32>, vector<16xi32>], vector<16xf32>,
        %parallel_loop3A_383 = tpu.vector_load_idx %arg7[%add3A_23, %parallel_loop3A_358] : memref<128x64xf32, #tpu.memory_space<vmem>>[vector<16xi32>, vector<16xi32>], vector<16xf32>,
        %parallel_loop3A_384 = arith.constant 8.000000e+00 : f32
        %parallel_loop3A_385 = vector.broadcast %parallel_loop3A_384 : f32 to vector<16xf32>
        %parallel_loop3A_386 = arith.mulf %parallel_loop3A_383, %parallel_loop3A_385 : vector<16xf32>
        tpu.vector_store_idx %arg9[%parallel_loop3A_358, %add3A_23], %parallel_loop3A_386 : memref<64x128xf32, #tpu.memory_space<vmem>>[vector<16xi32>, vector<16xi32>], vector<16xf32>,
        %parallel_loop3A_387 = tpu.vector_load_idx %arg7[%add3A_26, %parallel_loop3A_358] : memref<128x64xf32, #tpu.memory_space<vmem>>[vector<16xi32>, vector<16xi32>], vector<16xf32>,
        %parallel_loop3A_388 = arith.constant 8.000000e+00 : f32
        %parallel_loop3A_389 = vector.broadcast %parallel_loop3A_388 : f32 to vector<16xf32>
        %parallel_loop3A_390 = arith.mulf %parallel_loop3A_387, %parallel_loop3A_389 : vector<16xf32>
        tpu.vector_store_idx %arg9[%parallel_loop3A_358, %add3A_26], %parallel_loop3A_390 : memref<64x128xf32, #tpu.memory_space<vmem>>[vector<16xi32>, vector<16xi32>], vector<16xf32>,
      } {sc.loop_unroll_factor = 2 : i64, sc.parallel_access}
      %parallel_loop3A_227 = arith.constant 0 : i32
      %parallel_loop3A_228 = arith.constant 16 : i32
      %parallel_loop3A_229 = arith.constant 1 : i32
      scf.for %parallel_loop3A_350 = %parallel_loop3A_227 to %parallel_loop3A_228 step %parallel_loop3A_229  : i32 {
        %parallel_loop3A_351 = vector.broadcast %parallel_loop3A_350 : i32 to vector<16xi32>
        %parallel_loop3A_352 = arith.addi %iota3A, %parallel_loop3A_351 : vector<16xi32>
        %parallel_loop3A_353 = arith.constant 15 : i32
        %parallel_loop3A_354 = vector.broadcast %parallel_loop3A_353 : i32 to vector<16xi32>
        %parallel_loop3A_355 = arith.andi %parallel_loop3A_352, %parallel_loop3A_354 : vector<16xi32>
        %parallel_loop3A_356 = arith.constant 48 : i32
        %parallel_loop3A_357 = vector.broadcast %parallel_loop3A_356 : i32 to vector<16xi32>
        %parallel_loop3A_358 = arith.addi %parallel_loop3A_355, %parallel_loop3A_357 : vector<16xi32>
        %parallel_loop3A_359 = tpu.vector_load_idx %arg7[%add3A_5, %parallel_loop3A_358] : memref<128x64xf32, #tpu.memory_space<vmem>>[vector<16xi32>, vector<16xi32>], vector<16xf32>,
        %parallel_loop3A_360 = arith.constant 8.000000e+00 : f32
        %parallel_loop3A_361 = vector.broadcast %parallel_loop3A_360 : f32 to vector<16xf32>
        %parallel_loop3A_362 = arith.mulf %parallel_loop3A_359, %parallel_loop3A_361 : vector<16xf32>
        tpu.vector_store_idx %arg9[%parallel_loop3A_358, %add3A_5], %parallel_loop3A_362 : memref<64x128xf32, #tpu.memory_space<vmem>>[vector<16xi32>, vector<16xi32>], vector<16xf32>,
        %parallel_loop3A_363 = tpu.vector_load_idx %arg7[%add3A_8, %parallel_loop3A_358] : memref<128x64xf32, #tpu.memory_space<vmem>>[vector<16xi32>, vector<16xi32>], vector<16xf32>,
        %parallel_loop3A_364 = arith.constant 8.000000e+00 : f32
        %parallel_loop3A_365 = vector.broadcast %parallel_loop3A_364 : f32 to vector<16xf32>
        %parallel_loop3A_366 = arith.mulf %parallel_loop3A_363, %parallel_loop3A_365 : vector<16xf32>
        tpu.vector_store_idx %arg9[%parallel_loop3A_358, %add3A_8], %parallel_loop3A_366 : memref<64x128xf32, #tpu.memory_space<vmem>>[vector<16xi32>, vector<16xi32>], vector<16xf32>,
        %parallel_loop3A_367 = tpu.vector_load_idx %arg7[%add3A_11, %parallel_loop3A_358] : memref<128x64xf32, #tpu.memory_space<vmem>>[vector<16xi32>, vector<16xi32>], vector<16xf32>,
        %parallel_loop3A_368 = arith.constant 8.000000e+00 : f32
        %parallel_loop3A_369 = vector.broadcast %parallel_loop3A_368 : f32 to vector<16xf32>
        %parallel_loop3A_370 = arith.mulf %parallel_loop3A_367, %parallel_loop3A_369 : vector<16xf32>
        tpu.vector_store_idx %arg9[%parallel_loop3A_358, %add3A_11], %parallel_loop3A_370 : memref<64x128xf32, #tpu.memory_space<vmem>>[vector<16xi32>, vector<16xi32>], vector<16xf32>,
        %parallel_loop3A_371 = tpu.vector_load_idx %arg7[%add3A_14, %parallel_loop3A_358] : memref<128x64xf32, #tpu.memory_space<vmem>>[vector<16xi32>, vector<16xi32>], vector<16xf32>,
        %parallel_loop3A_372 = arith.constant 8.000000e+00 : f32
        %parallel_loop3A_373 = vector.broadcast %parallel_loop3A_372 : f32 to vector<16xf32>
        %parallel_loop3A_374 = arith.mulf %parallel_loop3A_371, %parallel_loop3A_373 : vector<16xf32>
        tpu.vector_store_idx %arg9[%parallel_loop3A_358, %add3A_14], %parallel_loop3A_374 : memref<64x128xf32, #tpu.memory_space<vmem>>[vector<16xi32>, vector<16xi32>], vector<16xf32>,
        %parallel_loop3A_375 = tpu.vector_load_idx %arg7[%add3A_17, %parallel_loop3A_358] : memref<128x64xf32, #tpu.memory_space<vmem>>[vector<16xi32>, vector<16xi32>], vector<16xf32>,
        %parallel_loop3A_376 = arith.constant 8.000000e+00 : f32
        %parallel_loop3A_377 = vector.broadcast %parallel_loop3A_376 : f32 to vector<16xf32>
        %parallel_loop3A_378 = arith.mulf %parallel_loop3A_375, %parallel_loop3A_377 : vector<16xf32>
        tpu.vector_store_idx %arg9[%parallel_loop3A_358, %add3A_17], %parallel_loop3A_378 : memref<64x128xf32, #tpu.memory_space<vmem>>[vector<16xi32>, vector<16xi32>], vector<16xf32>,
        %parallel_loop3A_379 = tpu.vector_load_idx %arg7[%add3A_20, %parallel_loop3A_358] : memref<128x64xf32, #tpu.memory_space<vmem>>[vector<16xi32>, vector<16xi32>], vector<16xf32>,
        %parallel_loop3A_380 = arith.constant 8.000000e+00 : f32
        %parallel_loop3A_381 = vector.broadcast %parallel_loop3A_380 : f32 to vector<16xf32>
        %parallel_loop3A_382 = arith.mulf %parallel_loop3A_379, %parallel_loop3A_381 : vector<16xf32>
        tpu.vector_store_idx %arg9[%parallel_loop3A_358, %add3A_20], %parallel_loop3A_382 : memref<64x128xf32, #tpu.memory_space<vmem>>[vector<16xi32>, vector<16xi32>], vector<16xf32>,
        %parallel_loop3A_383 = tpu.vector_load_idx %arg7[%add3A_23, %parallel_loop3A_358] : memref<128x64xf32, #tpu.memory_space<vmem>>[vector<16xi32>, vector<16xi32>], vector<16xf32>,
        %parallel_loop3A_384 = arith.constant 8.000000e+00 : f32
        %parallel_loop3A_385 = vector.broadcast %parallel_loop3A_384 : f32 to vector<16xf32>
        %parallel_loop3A_386 = arith.mulf %parallel_loop3A_383, %parallel_loop3A_385 : vector<16xf32>
        tpu.vector_store_idx %arg9[%parallel_loop3A_358, %add3A_23], %parallel_loop3A_386 : memref<64x128xf32, #tpu.memory_space<vmem>>[vector<16xi32>, vector<16xi32>], vector<16xf32>,
        %parallel_loop3A_387 = tpu.vector_load_idx %arg7[%add3A_26, %parallel_loop3A_358] : memref<128x64xf32, #tpu.memory_space<vmem>>[vector<16xi32>, vector<16xi32>], vector<16xf32>,
        %parallel_loop3A_388 = arith.constant 8.000000e+00 : f32
        %parallel_loop3A_389 = vector.broadcast %parallel_loop3A_388 : f32 to vector<16xf32>
        %parallel_loop3A_390 = arith.mulf %parallel_loop3A_387, %parallel_loop3A_389 : vector<16xf32>
        tpu.vector_store_idx %arg9[%parallel_loop3A_358, %add3A_26], %parallel_loop3A_390 : memref<64x128xf32, #tpu.memory_space<vmem>>[vector<16xi32>, vector<16xi32>], vector<16xf32>,
      } {sc.loop_unroll_factor = 2 : i64, sc.parallel_access}
      %dma_start3A_230 = arith.constant 0 : i32
      %dma_start3A_231 = arith.constant 0 : i32
      %dma_start3A_232 = arith.constant 0 : i32
      %dma_start3A_233 = tpu.memref_slice %arg9[%dma_start3A_231, %dma_start3A_232] : memref<64x128xf32, #tpu.memory_space<vmem>> -> memref<8x128xf32, #tpu.memory_space<vmem>>
      %dma_start3A_234 = arith.constant 0 : i32
      %dma_start3A_235 = arith.constant 0 : i32
      %dma_start3A_236 = tpu.memref_slice %arg4[%add3A_217, %dma_start3A_230, %add3A, %dma_start3A_234, %dma_start3A_235] : memref<50x8x32x8x128xf32, #tpu.memory_space<hbm>> -> memref<1x1x1x8x128xf32, #tpu.memory_space<hbm>>
      %dma_start3A_237 = tpu.memref_squeeze %dma_start3A_236 : memref<1x1x1x8x128xf32, #tpu.memory_space<hbm>> -> memref<8x128xf32, #tpu.memory_space<hbm>>
      %dma_start3A_238 = arith.constant 0 : i32
      %dma_start3A_239 = arith.constant 0 : i32
      %dma_start3A_240 = tpu.memref_slice %arg4[%add3A_217, %dma_start3A_230, %add3A, %dma_start3A_238, %dma_start3A_239] : memref<50x8x32x8x128xf32, #tpu.memory_space<hbm>> -> memref<1x1x1x8x128xf32, #tpu.memory_space<hbm>>
      %dma_start3A_241 = tpu.memref_squeeze %dma_start3A_240 : memref<1x1x1x8x128xf32, #tpu.memory_space<hbm>> -> memref<8x128xf32, #tpu.memory_space<hbm>>
      %dma_start3A_242 = arith.constant 0 : i32
      %dma_start3A_243 = arith.constant 0 : i32
      %dma_start3A_244 = tpu.memref_slice %arg9[%dma_start3A_242, %dma_start3A_243] : memref<64x128xf32, #tpu.memory_space<vmem>> -> memref<8x128xf32, #tpu.memory_space<vmem>>
      tpu.enqueue_dma source(%dma_start3A_244 : memref<8x128xf32, #tpu.memory_space<vmem>>) target(%dma_start3A_241 : memref<8x128xf32, #tpu.memory_space<hbm>>) target_semaphore(%arg11 : memref<!tpu.dma_semaphore, #tpu.memory_space<semaphore_mem>>)
      %dma_start3A_245 = arith.constant 1 : i32
      %dma_start3A_246 = arith.constant 8 : i32
      %dma_start3A_247 = arith.constant 0 : i32
      %dma_start3A_248 = tpu.memref_slice %arg9[%dma_start3A_246, %dma_start3A_247] : memref<64x128xf32, #tpu.memory_space<vmem>> -> memref<8x128xf32, #tpu.memory_space<vmem>>
      %dma_start3A_249 = arith.constant 0 : i32
      %dma_start3A_250 = arith.constant 0 : i32
      %dma_start3A_251 = tpu.memref_slice %arg4[%add3A_217, %dma_start3A_245, %add3A, %dma_start3A_249, %dma_start3A_250] : memref<50x8x32x8x128xf32, #tpu.memory_space<hbm>> -> memref<1x1x1x8x128xf32, #tpu.memory_space<hbm>>
      %dma_start3A_252 = tpu.memref_squeeze %dma_start3A_251 : memref<1x1x1x8x128xf32, #tpu.memory_space<hbm>> -> memref<8x128xf32, #tpu.memory_space<hbm>>
      %dma_start3A_253 = arith.constant 0 : i32
      %dma_start3A_254 = arith.constant 0 : i32
      %dma_start3A_255 = tpu.memref_slice %arg4[%add3A_217, %dma_start3A_245, %add3A, %dma_start3A_253, %dma_start3A_254] : memref<50x8x32x8x128xf32, #tpu.memory_space<hbm>> -> memref<1x1x1x8x128xf32, #tpu.memory_space<hbm>>
      %dma_start3A_256 = tpu.memref_squeeze %dma_start3A_255 : memref<1x1x1x8x128xf32, #tpu.memory_space<hbm>> -> memref<8x128xf32, #tpu.memory_space<hbm>>
      %dma_start3A_257 = arith.constant 8 : i32
      %dma_start3A_258 = arith.constant 0 : i32
      %dma_start3A_259 = tpu.memref_slice %arg9[%dma_start3A_257, %dma_start3A_258] : memref<64x128xf32, #tpu.memory_space<vmem>> -> memref<8x128xf32, #tpu.memory_space<vmem>>
      tpu.enqueue_dma source(%dma_start3A_259 : memref<8x128xf32, #tpu.memory_space<vmem>>) target(%dma_start3A_256 : memref<8x128xf32, #tpu.memory_space<hbm>>) target_semaphore(%arg11 : memref<!tpu.dma_semaphore, #tpu.memory_space<semaphore_mem>>)
      %dma_start3A_260 = arith.constant 2 : i32
      %dma_start3A_261 = arith.constant 16 : i32
      %dma_start3A_262 = arith.constant 0 : i32
      %dma_start3A_263 = tpu.memref_slice %arg9[%dma_start3A_261, %dma_start3A_262] : memref<64x128xf32, #tpu.memory_space<vmem>> -> memref<8x128xf32, #tpu.memory_space<vmem>>
      %dma_start3A_264 = arith.constant 0 : i32
      %dma_start3A_265 = arith.constant 0 : i32
      %dma_start3A_266 = tpu.memref_slice %arg4[%add3A_217, %dma_start3A_260, %add3A, %dma_start3A_264, %dma_start3A_265] : memref<50x8x32x8x128xf32, #tpu.memory_space<hbm>> -> memref<1x1x1x8x128xf32, #tpu.memory_space<hbm>>
      %dma_start3A_267 = tpu.memref_squeeze %dma_start3A_266 : memref<1x1x1x8x128xf32, #tpu.memory_space<hbm>> -> memref<8x128xf32, #tpu.memory_space<hbm>>
      %dma_start3A_268 = arith.constant 0 : i32
      %dma_start3A_269 = arith.constant 0 : i32
      %dma_start3A_270 = tpu.memref_slice %arg4[%add3A_217, %dma_start3A_260, %add3A, %dma_start3A_268, %dma_start3A_269] : memref<50x8x32x8x128xf32, #tpu.memory_space<hbm>> -> memref<1x1x1x8x128xf32, #tpu.memory_space<hbm>>
      %dma_start3A_271 = tpu.memref_squeeze %dma_start3A_270 : memref<1x1x1x8x128xf32, #tpu.memory_space<hbm>> -> memref<8x128xf32, #tpu.memory_space<hbm>>
      %dma_start3A_272 = arith.constant 16 : i32
      %dma_start3A_273 = arith.constant 0 : i32
      %dma_start3A_274 = tpu.memref_slice %arg9[%dma_start3A_272, %dma_start3A_273] : memref<64x128xf32, #tpu.memory_space<vmem>> -> memref<8x128xf32, #tpu.memory_space<vmem>>
      tpu.enqueue_dma source(%dma_start3A_274 : memref<8x128xf32, #tpu.memory_space<vmem>>) target(%dma_start3A_271 : memref<8x128xf32, #tpu.memory_space<hbm>>) target_semaphore(%arg11 : memref<!tpu.dma_semaphore, #tpu.memory_space<semaphore_mem>>)
      %dma_start3A_275 = arith.constant 3 : i32
      %dma_start3A_276 = arith.constant 24 : i32
      %dma_start3A_277 = arith.constant 0 : i32
      %dma_start3A_278 = tpu.memref_slice %arg9[%dma_start3A_276, %dma_start3A_277] : memref<64x128xf32, #tpu.memory_space<vmem>> -> memref<8x128xf32, #tpu.memory_space<vmem>>
      %dma_start3A_279 = arith.constant 0 : i32
      %dma_start3A_280 = arith.constant 0 : i32
      %dma_start3A_281 = tpu.memref_slice %arg4[%add3A_217, %dma_start3A_275, %add3A, %dma_start3A_279, %dma_start3A_280] : memref<50x8x32x8x128xf32, #tpu.memory_space<hbm>> -> memref<1x1x1x8x128xf32, #tpu.memory_space<hbm>>
      %dma_start3A_282 = tpu.memref_squeeze %dma_start3A_281 : memref<1x1x1x8x128xf32, #tpu.memory_space<hbm>> -> memref<8x128xf32, #tpu.memory_space<hbm>>
      %dma_start3A_283 = arith.constant 0 : i32
      %dma_start3A_284 = arith.constant 0 : i32
      %dma_start3A_285 = tpu.memref_slice %arg4[%add3A_217, %dma_start3A_275, %add3A, %dma_start3A_283, %dma_start3A_284] : memref<50x8x32x8x128xf32, #tpu.memory_space<hbm>> -> memref<1x1x1x8x128xf32, #tpu.memory_space<hbm>>
      %dma_start3A_286 = tpu.memref_squeeze %dma_start3A_285 : memref<1x1x1x8x128xf32, #tpu.memory_space<hbm>> -> memref<8x128xf32, #tpu.memory_space<hbm>>
      %dma_start3A_287 = arith.constant 24 : i32
      %dma_start3A_288 = arith.constant 0 : i32
      %dma_start3A_289 = tpu.memref_slice %arg9[%dma_start3A_287, %dma_start3A_288] : memref<64x128xf32, #tpu.memory_space<vmem>> -> memref<8x128xf32, #tpu.memory_space<vmem>>
      tpu.enqueue_dma source(%dma_start3A_289 : memref<8x128xf32, #tpu.memory_space<vmem>>) target(%dma_start3A_286 : memref<8x128xf32, #tpu.memory_space<hbm>>) target_semaphore(%arg11 : memref<!tpu.dma_semaphore, #tpu.memory_space<semaphore_mem>>)
      %dma_start3A_290 = arith.constant 4 : i32
      %dma_start3A_291 = arith.constant 32 : i32
      %dma_start3A_292 = arith.constant 0 : i32
      %dma_start3A_293 = tpu.memref_slice %arg9[%dma_start3A_291, %dma_start3A_292] : memref<64x128xf32, #tpu.memory_space<vmem>> -> memref<8x128xf32, #tpu.memory_space<vmem>>
      %dma_start3A_294 = arith.constant 0 : i32
      %dma_start3A_295 = arith.constant 0 : i32
      %dma_start3A_296 = tpu.memref_slice %arg4[%add3A_217, %dma_start3A_290, %add3A, %dma_start3A_294, %dma_start3A_295] : memref<50x8x32x8x128xf32, #tpu.memory_space<hbm>> -> memref<1x1x1x8x128xf32, #tpu.memory_space<hbm>>
      %dma_start3A_297 = tpu.memref_squeeze %dma_start3A_296 : memref<1x1x1x8x128xf32, #tpu.memory_space<hbm>> -> memref<8x128xf32, #tpu.memory_space<hbm>>
      %dma_start3A_298 = arith.constant 0 : i32
      %dma_start3A_299 = arith.constant 0 : i32
      %dma_start3A_300 = tpu.memref_slice %arg4[%add3A_217, %dma_start3A_290, %add3A, %dma_start3A_298, %dma_start3A_299] : memref<50x8x32x8x128xf32, #tpu.memory_space<hbm>> -> memref<1x1x1x8x128xf32, #tpu.memory_space<hbm>>
      %dma_start3A_301 = tpu.memref_squeeze %dma_start3A_300 : memref<1x1x1x8x128xf32, #tpu.memory_space<hbm>> -> memref<8x128xf32, #tpu.memory_space<hbm>>
      %dma_start3A_302 = arith.constant 32 : i32
      %dma_start3A_303 = arith.constant 0 : i32
      %dma_start3A_304 = tpu.memref_slice %arg9[%dma_start3A_302, %dma_start3A_303] : memref<64x128xf32, #tpu.memory_space<vmem>> -> memref<8x128xf32, #tpu.memory_space<vmem>>
      tpu.enqueue_dma source(%dma_start3A_304 : memref<8x128xf32, #tpu.memory_space<vmem>>) target(%dma_start3A_301 : memref<8x128xf32, #tpu.memory_space<hbm>>) target_semaphore(%arg11 : memref<!tpu.dma_semaphore, #tpu.memory_space<semaphore_mem>>)
      %dma_start3A_305 = arith.constant 5 : i32
      %dma_start3A_306 = arith.constant 40 : i32
      %dma_start3A_307 = arith.constant 0 : i32
      %dma_start3A_308 = tpu.memref_slice %arg9[%dma_start3A_306, %dma_start3A_307] : memref<64x128xf32, #tpu.memory_space<vmem>> -> memref<8x128xf32, #tpu.memory_space<vmem>>
      %dma_start3A_309 = arith.constant 0 : i32
      %dma_start3A_310 = arith.constant 0 : i32
      %dma_start3A_311 = tpu.memref_slice %arg4[%add3A_217, %dma_start3A_305, %add3A, %dma_start3A_309, %dma_start3A_310] : memref<50x8x32x8x128xf32, #tpu.memory_space<hbm>> -> memref<1x1x1x8x128xf32, #tpu.memory_space<hbm>>
      %dma_start3A_312 = tpu.memref_squeeze %dma_start3A_311 : memref<1x1x1x8x128xf32, #tpu.memory_space<hbm>> -> memref<8x128xf32, #tpu.memory_space<hbm>>
      %dma_start3A_313 = arith.constant 0 : i32
      %dma_start3A_314 = arith.constant 0 : i32
      %dma_start3A_315 = tpu.memref_slice %arg4[%add3A_217, %dma_start3A_305, %add3A, %dma_start3A_313, %dma_start3A_314] : memref<50x8x32x8x128xf32, #tpu.memory_space<hbm>> -> memref<1x1x1x8x128xf32, #tpu.memory_space<hbm>>
      %dma_start3A_316 = tpu.memref_squeeze %dma_start3A_315 : memref<1x1x1x8x128xf32, #tpu.memory_space<hbm>> -> memref<8x128xf32, #tpu.memory_space<hbm>>
      %dma_start3A_317 = arith.constant 40 : i32
      %dma_start3A_318 = arith.constant 0 : i32
      %dma_start3A_319 = tpu.memref_slice %arg9[%dma_start3A_317, %dma_start3A_318] : memref<64x128xf32, #tpu.memory_space<vmem>> -> memref<8x128xf32, #tpu.memory_space<vmem>>
      tpu.enqueue_dma source(%dma_start3A_319 : memref<8x128xf32, #tpu.memory_space<vmem>>) target(%dma_start3A_316 : memref<8x128xf32, #tpu.memory_space<hbm>>) target_semaphore(%arg11 : memref<!tpu.dma_semaphore, #tpu.memory_space<semaphore_mem>>)
      %dma_start3A_320 = arith.constant 6 : i32
      %dma_start3A_321 = arith.constant 48 : i32
      %dma_start3A_322 = arith.constant 0 : i32
      %dma_start3A_323 = tpu.memref_slice %arg9[%dma_start3A_321, %dma_start3A_322] : memref<64x128xf32, #tpu.memory_space<vmem>> -> memref<8x128xf32, #tpu.memory_space<vmem>>
      %dma_start3A_324 = arith.constant 0 : i32
      %dma_start3A_325 = arith.constant 0 : i32
      %dma_start3A_326 = tpu.memref_slice %arg4[%add3A_217, %dma_start3A_320, %add3A, %dma_start3A_324, %dma_start3A_325] : memref<50x8x32x8x128xf32, #tpu.memory_space<hbm>> -> memref<1x1x1x8x128xf32, #tpu.memory_space<hbm>>
      %dma_start3A_327 = tpu.memref_squeeze %dma_start3A_326 : memref<1x1x1x8x128xf32, #tpu.memory_space<hbm>> -> memref<8x128xf32, #tpu.memory_space<hbm>>
      %dma_start3A_328 = arith.constant 0 : i32
      %dma_start3A_329 = arith.constant 0 : i32
      %dma_start3A_330 = tpu.memref_slice %arg4[%add3A_217, %dma_start3A_320, %add3A, %dma_start3A_328, %dma_start3A_329] : memref<50x8x32x8x128xf32, #tpu.memory_space<hbm>> -> memref<1x1x1x8x128xf32, #tpu.memory_space<hbm>>
      %dma_start3A_331 = tpu.memref_squeeze %dma_start3A_330 : memref<1x1x1x8x128xf32, #tpu.memory_space<hbm>> -> memref<8x128xf32, #tpu.memory_space<hbm>>
      %dma_start3A_332 = arith.constant 48 : i32
      %dma_start3A_333 = arith.constant 0 : i32
      %dma_start3A_334 = tpu.memref_slice %arg9[%dma_start3A_332, %dma_start3A_333] : memref<64x128xf32, #tpu.memory_space<vmem>> -> memref<8x128xf32, #tpu.memory_space<vmem>>
      tpu.enqueue_dma source(%dma_start3A_334 : memref<8x128xf32, #tpu.memory_space<vmem>>) target(%dma_start3A_331 : memref<8x128xf32, #tpu.memory_space<hbm>>) target_semaphore(%arg11 : memref<!tpu.dma_semaphore, #tpu.memory_space<semaphore_mem>>)
      %dma_start3A_335 = arith.constant 7 : i32
      %dma_start3A_336 = arith.constant 56 : i32
      %dma_start3A_337 = arith.constant 0 : i32
      %dma_start3A_338 = tpu.memref_slice %arg9[%dma_start3A_336, %dma_start3A_337] : memref<64x128xf32, #tpu.memory_space<vmem>> -> memref<8x128xf32, #tpu.memory_space<vmem>>
      %dma_start3A_339 = arith.constant 0 : i32
      %dma_start3A_340 = arith.constant 0 : i32
      %dma_start3A_341 = tpu.memref_slice %arg4[%add3A_217, %dma_start3A_335, %add3A, %dma_start3A_339, %dma_start3A_340] : memref<50x8x32x8x128xf32, #tpu.memory_space<hbm>> -> memref<1x1x1x8x128xf32, #tpu.memory_space<hbm>>
      %dma_start3A_342 = tpu.memref_squeeze %dma_start3A_341 : memref<1x1x1x8x128xf32, #tpu.memory_space<hbm>> -> memref<8x128xf32, #tpu.memory_space<hbm>>
      %dma_start3A_343 = arith.constant 0 : i32
      %dma_start3A_344 = arith.constant 0 : i32
      %dma_start3A_345 = tpu.memref_slice %arg4[%add3A_217, %dma_start3A_335, %add3A, %dma_start3A_343, %dma_start3A_344] : memref<50x8x32x8x128xf32, #tpu.memory_space<hbm>> -> memref<1x1x1x8x128xf32, #tpu.memory_space<hbm>>
      %dma_start3A_346 = tpu.memref_squeeze %dma_start3A_345 : memref<1x1x1x8x128xf32, #tpu.memory_space<hbm>> -> memref<8x128xf32, #tpu.memory_space<hbm>>
      %dma_start3A_347 = arith.constant 56 : i32
      %dma_start3A_348 = arith.constant 0 : i32
      %dma_start3A_349 = tpu.memref_slice %arg9[%dma_start3A_347, %dma_start3A_348] : memref<64x128xf32, #tpu.memory_space<vmem>> -> memref<8x128xf32, #tpu.memory_space<vmem>>
      tpu.enqueue_dma source(%dma_start3A_349 : memref<8x128xf32, #tpu.memory_space<vmem>>) target(%dma_start3A_346 : memref<8x128xf32, #tpu.memory_space<hbm>>) target_semaphore(%arg11 : memref<!tpu.dma_semaphore, #tpu.memory_space<semaphore_mem>>)
    }
    %scan3A_37 = arith.constant 25 : i32
    %dma_wait3A = arith.constant 0 : i32
    %dma_wait3A_38 = arith.constant 0 : i32
    %dma_wait3A_39 = tpu.memref_slice %arg3[%dma_wait3A, %dma_wait3A_38] : memref<100000x64xf32, #tpu.memory_space<hbm>> -> memref<128x64xf32, #tpu.memory_space<hbm>>
    %dma_wait3A_40 = arith.constant 0 : i32
    %dma_wait3A_41 = arith.constant 0 : i32
    %dma_wait3A_42 = tpu.memref_slice %arg3[%dma_wait3A_40, %dma_wait3A_41] : memref<100000x64xf32, #tpu.memory_space<hbm>> -> memref<128x64xf32, #tpu.memory_space<hbm>>
    tpu.wait_dma2 semaphore(%arg11 : memref<!tpu.dma_semaphore, #tpu.memory_space<semaphore_mem>>) src(%dma_wait3A_42 : memref<128x64xf32, #tpu.memory_space<hbm>>) dst(%arg8 : memref<64x128xf32, #tpu.memory_space<vmem>>)
    %dma_wait3A_43 = arith.constant 0 : i32
    %dma_wait3A_44 = arith.constant 0 : i32
    %dma_wait3A_45 = tpu.memref_slice %arg3[%dma_wait3A_43, %dma_wait3A_44] : memref<100000x64xf32, #tpu.memory_space<hbm>> -> memref<128x64xf32, #tpu.memory_space<hbm>>
    %dma_wait3A_46 = arith.constant 0 : i32
    %dma_wait3A_47 = arith.constant 0 : i32
    %dma_wait3A_48 = tpu.memref_slice %arg3[%dma_wait3A_46, %dma_wait3A_47] : memref<100000x64xf32, #tpu.memory_space<hbm>> -> memref<128x64xf32, #tpu.memory_space<hbm>>
    tpu.wait_dma2 semaphore(%arg11 : memref<!tpu.dma_semaphore, #tpu.memory_space<semaphore_mem>>) src(%dma_wait3A_48 : memref<128x64xf32, #tpu.memory_space<hbm>>) dst(%arg9 : memref<64x128xf32, #tpu.memory_space<vmem>>)
    return
  }
}

</mosaic_0001>

<sc_bundles>
// kernel: kernel.3.cloned.1.call-start
scs
__scs_entry_jumppad:
0x0: {  	(pc) =	sbr.rel $0x88, $3  }
0x1: {  	(tag) =	ssettag $0x0;
	lr =	simm.s32 $0x1  }
0x2: {  	[smem:$0x3F9F] =	sst lr;
	_ =	strace $0xD0000000  }
0x3: {  	_ = 	snop  }
0x4: {  	_ = 	snop  }
0x5: {  	_ = 	snop  }
0x6: {  	_ = 	snop  }
0x7: {  	_ = 	snop  }
__scs_overlays_trampoline_lowered:
0x8: {  	[smem:$0x3FAE] =	sst s0  }
0x9: {  	[smem:$0x3FAF] =	sst s1  }
0xa: {  	[smem:$0x3FB0] =	sst s2  }
0xb: {  	[smem:$0x3FB1] =	sst s3  }
0xc: {  	[smem:$0x3FB2] =	sst s4  }
0xd: {  	[smem:$0x3FB3] =	sst s5  }
0xe: {  	[smem:$0x3FB4] =	sst s6  }
0xf: {  	[smem:$0x3FB5] =	sst s7  }
0x10: {  	[smem:$0x3FB6] =	sst s8  }
0x11: {  	[smem:$0x3FB7] =	sst s9;
	s0 =	simm.s32 @!p0 $0x0  }
0x12: {  	s1 =	sld [smem:$0x3F9D];
	s0 =	simm.s32 @p0 $0x1  }
0x13: {  	[smem:$0x3FB8] =	sst s0;
	s0 =	simm.s32 @!p1 $0x0  }
0x14: {  	s2 =	sld [smem:$0x3F9C];
	s0 =	simm.s32 @p1 $0x1  }
0x15: {  	[smem:$0x3FB9] =	sst s0;
	s0 =	simm.s32 @!p2 $0x0  }
0x16: {  	s3 =	sld [smem:$0x3FDB];
	s0 =	simm.s32 @p2 $0x1  }
0x17: {  	s4 =	simm.s32 $0x1BF5;
	[smem:$0x3FBB] =	sst s0  }
0x18: {  	s0 =	sld [smem:$0x3F9E];
	_ =	swait.ge [sflag:s4], $0x0  }
0x19: {  	s7 =	sld [smem:$0x3F9F]  }
0x1a: {  	s8 =	sadd.s32 $0xFFFFE003, lr  }
0x1b: {  	s9 =	sadd.s32 $0xFFFFFEF7, lr;
	s5 =	simm.s32 $0xFFFFFFFF;
	p2 =	slt.u32 s8, $0xFFFFF086  }
0x1c: {  	p1 =	slt.u32 s9, $0xF7A;
	s5 =	simm.s32 @!p2 $0x0  }
0x1d: {  	s5 =	simm.s32 @p1 $0x1;
	p0 =	seq.s32 s7, s2  }
0x1e: {  	s7 =	smul.u32 @!p0 $0xF7A, s2;
	p2 =	seq.s32 @!p0 s5, $0x0  }
0x1f: {  	s9 =	smul.u32 $0xF7A, s1;
	s8 =	simm.s32 @!p0 $0x1BF5;
	p2 =	por !p2, p0  }
0x20: {  	[sflag:s8] =	ssyncset.s32 @!p0 $0xFFFFF086;
	s6 =	sadd.s32 @!p0 s3, s7;
	s7 =	simm.s32 @!p0 $0x108  }
0x21: {  	s3 =	sadd.s32 s3, s9;
	s6 =	sadd.s32 @!p0 $0x88, s6;
	s7 =	simm.s32 @p2 $0x1082  }
0x22: {  	[simem:s7], [sflag:s8] =	dma.local @!p0 [hbm:s6], $0xF7A  }
0x23: {  	s9 =	sor.u32 $0xD0000000, s2;
	s6 =	simm.s32 $0x108;
	_ =	swait.ge @!p0 [sflag:s8], $0x0  }
0x24: {  	s3 =	sadd.s32 $0x88, s3;
	s6 =	simm.s32 @!p1 $0x1082;
	[sflag:s4] =	ssyncset.s32 $0xFFFFF086  }
0x25: {  	[simem:s6], [sflag:s4] =	dma.local [hbm:s3], $0xF7A  }
0x26: {  	[smem:$0x3F9F] =	sst s1;
	(tag) =	ssettag s2;
	_ =	strace s9  }
0x27: {  	s1 =	sld [smem:$0x3FAF]  }
0x28: {  	s2 =	sld [smem:$0x3FB0]  }
0x29: {  	s4 =	sld [smem:$0x3FB2]  }
0x2a: {  	p0 =	seq.s32 s5, $0x0;
	s5 =	sld [smem:$0x3FB3]  }
0x2b: {  	s6 =	sld [smem:$0x3FB4]  }
0x2c: {  	s7 =	sld [smem:$0x3FB5]  }
0x2d: {  	s3 =	simm.s32 $0x108;
	s8 =	sld [smem:$0x3FB6]  }
0x2e: {  	s3 =	simm.s32 @!p0 $0x1082;
	s9 =	sld [smem:$0x3FB7]  }
0x2f: {  	lr =	sadd.s32 s0, s3;
	s0 =	sld [smem:$0x3FAE]  }
0x30: {  	s3 =	sld [smem:$0x3FB1]  }
0x31: {  	[smem:$0x3FBA] =	sst s10  }
0x32: {  	s10 =	sld [smem:$0x3FB8];
	_ =	sdelay $0x3  }
0x33: {  	p0 =	seq.s32 s10, $0x1;
	s10 =	sld [smem:$0x3FBA];
	_ =	sdelay $0x3  }
0x34: {  	[smem:$0x3FBA] =	sst s10  }
0x35: {  	s10 =	sld [smem:$0x3FB9];
	_ =	sdelay $0x3  }
0x36: {  	p1 =	seq.s32 s10, $0x1;
	s10 =	sld [smem:$0x3FBA];
	_ =	sdelay $0x3  }
0x37: {  	[smem:$0x3FBA] =	sst s10  }
0x38: {  	s10 =	sld [smem:$0x3FBB]  }
0x39: {  	_ = 	snop;
	(pc) =	sbr.ind lr, $3  }
0x3a: {  	_ = 	snop  }
0x3b: {  	_ = 	snop  }
0x3c: {  	p2 =	seq.s32 s10, $0x1;
	s10 =	sld [smem:$0x3FBA]  }
0x3d: {  	_ =	shalt  }
0x3e: {  	_ =	shalt  }
0x3f: {  	_ =	shalt  }
0x40: {  	_ =	shalt  }
0x41: {  	_ =	shalt  }
0x42: {  	_ =	shalt  }
0x43: {  	_ =	shalt  }
0x44: {  	_ =	shalt  }
0x45: {  	_ =	shalt  }
0x46: {  	_ =	shalt  }
0x47: {  	_ =	shalt  }
0x48: {  	_ =	shalt  }
0x49: {  	_ =	shalt  }
0x4a: {  	_ =	shalt  }
0x4b: {  	_ =	shalt  }
0x4c: {  	_ =	shalt  }
0x4d: {  	_ =	shalt  }
0x4e: {  	_ =	shalt  }
0x4f: {  	_ =	shalt  }
0x50: {  	_ =	shalt  }
0x51: {  	_ =	shalt  }
0x52: {  	_ =	shalt  }
0x53: {  	_ =	shalt  }
0x54: {  	_ =	shalt  }
0x55: {  	_ =	shalt  }
0x56: {  	_ =	shalt  }
0x57: {  	_ =	shalt  }
0x58: {  	_ =	shalt  }
0x59: {  	_ =	shalt  }
0x5a: {  	_ =	shalt  }
0x5b: {  	_ =	shalt  }
0x5c: {  	_ =	shalt  }
0x5d: {  	_ =	shalt  }
0x5e: {  	_ =	shalt  }
0x5f: {  	_ =	shalt  }
0x60: {  	_ =	shalt  }
0x61: {  	_ =	shalt  }
0x62: {  	_ =	shalt  }
0x63: {  	_ =	shalt  }
0x64: {  	_ =	shalt  }
0x65: {  	_ =	shalt  }
0x66: {  	_ =	shalt  }
0x67: {  	_ =	shalt  }
0x68: {  	_ =	shalt  }
0x69: {  	_ =	shalt  }
0x6a: {  	_ =	shalt  }
0x6b: {  	_ =	shalt  }
0x6c: {  	_ =	shalt  }
0x6d: {  	_ =	shalt  }
0x6e: {  	_ =	shalt  }
0x6f: {  	_ =	shalt  }
0x70: {  	_ =	shalt  }
0x71: {  	_ =	shalt  }
0x72: {  	_ =	shalt  }
0x73: {  	_ =	shalt  }
0x74: {  	_ =	shalt  }
0x75: {  	_ =	shalt  }
0x76: {  	_ =	shalt  }
0x77: {  	_ =	shalt  }
0x78: {  	_ =	shalt  }
0x79: {  	_ =	shalt  }
0x7a: {  	_ =	shalt  }
0x7b: {  	_ =	shalt  }
0x7c: {  	_ =	shalt  }
0x7d: {  	_ =	shalt  }
0x7e: {  	_ =	shalt  }
0x7f: {  	_ =	shalt  }
0x80: {  	_ =	shalt  }
0x81: {  	_ =	shalt  }
0x82: {  	_ =	shalt  }
0x83: {  	_ =	shalt  }
0x84: {  	_ =	shalt  }
0x85: {  	_ =	shalt  }
0x86: {  	_ =	shalt  }
0x87: {  	_ =	shalt  }
.Lfunc_end0:
.L_simem_size_0:
called_computation_lowered:
.L_overlay_start_0:
0x88: {  	s2 =	sld [smem:$0x3FD9]  }
0x89: {  	s3 =	sld [smem:$0x3FFE];
	_ =	sdelay $0x1  }
0x8a: {  	s1 =	srdreg.scid  }
0x8b: {  	s0 =	sand.u32 $0x1, s1  }
0x8c: {  	s17 =	sshll.u32 s0, $0xA;
	s2 =	sadd.s32 s3, s2  }
0x8d: {  	s2 =	sadd.s32 s2, s17  }
0x8e: {  	[smem:$0x3FC6] =	sst s2  }
0x8f: {  	_ = 	snop  }
0x90: {  	s2 =	sld [smem:$0x3FD0];
	(tm) =	ssettm $0x1  }
0x91: {  	s18 =	sld [smem:$0x3FFB];
	_ =	sdelay $0x3  }
0x92: {  	_ =	strace s18  }
0x93: {  	s3 =	sld [smem:$0x3FFC];
	_ =	sdelay $0x3  }
0x94: {  	_ =	strace s3  }
0x95: {  	s3 =	sld [smem:$0x3FFD];
	_ =	sdelay $0x3  }
0x96: {  	_ =	strace s3  }
0x97: {  	_ =	strace $0x8FFFFFFF  }
0x98: {  	s19 =	sld [smem:$0x3FDB];
	_ =	sdelay $0x1  }
0x99: {  	s4 =	simm.s32 $_scs_section_size  }
0x9a: {  	s5 =	simm.s32 $_size__tile_overlayer_lowered;
	s6 =	simm.s32 $_tile_overlayer_lowered  }
0x9b: {  	s22 =	simm.s32 $0x1BFF;
	s21 =	sshll.u32 s6, $0x1;
	s3 =	sadd.s32 s4, s19  }
0x9c: {  	s7 =	simm.s32 $0x0;
	s20 =	sshll.u32 s5, $0x1;
	s5 =	sadd.s32 s21, s3  }
0x9d: {  	[timem:s7], [sflag:s22] =	dma.local [hbm:s5], s20  }
0x9e: {  	_ =	swait.ge [sflag:s22], s20  }
0x9f: {  	s4 =	ssub.s32 $0x0, s20;
	[sflag:s22] =	ssyncset.done $0x0  }
0xa0: {  	[sflag:s22] =	ssyncadd.s32 s4;
	_ =	sdelay $0x1  }
0xa1: {  	s23 =	simm.s32 $0x1B8B  }
0xa2: {  	_ =	swait.ge [sflag:s23], $0x1  }
0xa3: {  	[sflag:s23] =	ssyncset.done $0x0  }
0xa4: {  	s25 =	simm.s32 $0x1B8E;
	s24 =	sld [smem:$0x3FFE];
	[sflag:s23] =	ssyncadd.s32 $0xFFFFFFFF  }
0xa5: {  	s26 =	simm.s32 $execute0_lowered;
	[smem:$0x3FD2] =	sst s25  }
0xa6: {  	s5 =	sshll.u32 s26, $0x1;
	_ =	strace $0x80000046;
	[dreg:$0x1] =	wrdreg $0xFFFFFFFF  }
0xa7: {  	s28 =	simm.s32 $_size_execute0_lowered;
	s3 =	sadd.s32 s3, s5;
	[dreg:$0x0] =	wrdreg $0x0  }
0xa8: {  	s5 =	sshll.u32 s28, $0x1;
	[dreg:$0x2] =	wrdreg s3  }
0xa9: {  	[dreg:$0x3] =	wrdreg s5  }
0xaa: {  	[dreg:$0x4] =	wrdreg $0xC0  }
0xab: {  	_ =	task [dreg:s7], $0x5FFFF  }
0xac: {  	[dreg:$0x1] =	wrdreg $0xFFFFFFFF  }
0xad: {  	[dreg:$0x0] =	wrdreg $0x60  }
0xae: {  	[dreg:$0x2] =	wrdreg s24  }
0xaf: {  	[dreg:$0x3] =	wrdreg s2  }
0xb0: {  	[dreg:$0x4] =	wrdreg $0x9  }
0xb1: {  	_ =	task.clear_ibuf [dreg:s7], $0x5FFFF;
	_ =	strace $0x90000046  }
0xb2: {  	s29 =	simm.s32 $0x9;
	_ =	strace $0x80000048  }
0xb3: {  	_ =	swait.ge [sflag:s29], $0x1  }
0xb4: {  	[sflag:s29] =	ssyncadd.s32 $0xFFFFFFFF  }
0xb5: {  	_ =	strace $0x90000048  }
0xb6: {  	_ =	sfence  }
0xb7: {  	s30 =	sld [smem:$0x0];
	_ =	sdelay $0x2  }
0xb8: {  	s31 =	sshll.u32 s1, $0xD;
	s1 =	sshrl.u32 s1, $0x2  }
0xb9: {  	s3 =	sand.u32 $0x4000, s31;
	s1 =	sadd.s32 s1, s30  }
0xba: {  	s0 =	sor.u32 s3, s0;
	s1 =	sshll.u32 s1, $0x11  }
0xbb: {  	s0 =	sor.u32 s1, s0  }
0xbc: {  	s0 =	sadd.s32 $0x8F2B, s0  }
0xbd: {  	[sflag:s0] =	ssyncadd.remote.s32 $0x1  }
0xbe: {  	_ =	sfence.sel $0xFFFF  }
0xbf: {  	[dreg:$0x0] =	wrdreg $0xFFFFFFFF;
	(pc) =	sbr.abs _section_cstart, $3  }
0xc0: {  	[dreg:$0x1] =	wrdreg $0xFFFFFFFF  }
0xc1: {  	_ =	task.clear_ibuf [dreg:s7], $0x2FFFF;
	_ =	strace $0x9FFFFFFF  }
0xc2: {  	(tm) =	ssettm $0x7FFFFFFF  }
0xc3: {  	_ =	shalt  }
tec
execute0_lowered:
.L_overlay_start_1:
0x0: {  	(tag) =	ssettag $0x1  }
0x1: {  	s0 =	rddreg [dreg:$0x0];
	s1 =	srdreg.scid  }
0x2: {  	s3 =	stileid.u32;
	s2 =	rddreg [dreg:$0x1];
	s15 =	simm.s32 $0x80  }
0x3: {  	s18 =	simm.s32 $0x1900;
	s19 =	simm.s32 $0x1;
	s20 =	simm.s32 $0x3900  }
0x4: {  	s21 =	simm.s32 $0x5900;
	s29 =	simm.s32 $0x7500;
	s30 =	simm.s32 $0x7900  }
0x5: {  	s31 =	simm.s32 $0x7D00;
	s16 =	simm.s32 $0x8900;
	s14 =	simm.s32 $0x9100  }
0x6: {  	s17 =	simm.s32 $0x9500;
	s22 =	simm.s32 $0x2;
	s24 =	simm.s32 $0x0  }
0x7: {  	s1 =	sand.u32 $0x1, s1;
	s4 =	sshll.u32 s3, $0x1;
	s3 =	simm.s32 $0x0  }
0x8: {  	s8 =	sadd.s32 $0x2000, s2;
	s9 =	sadd.s32 $0x3000, s2;
	s10 =	sadd.s32 $0x4000, s2  }
0x9: {  	s11 =	sadd.s32 $0x5000, s2;
	s12 =	sadd.s32 $0x6000, s2;
	s13 =	sadd.s32 $0x7000, s2  }
0xa: {  	v0 =	vlaneseq.u32;
	s5 =	sor.u32 s1, s4;
	[smem:$0x7FF] =	sst s3;
	s1 =	ssub.s32 $0x2, s1  }
0xb: {  	v1 =	vmul.u32 $0x40, v0;
	v3 =	vor.u32 $0x10, v0;
	v5 =	vor.u32 $0x20, v0;
	s4 =	sshll.u32 s5, $0x4;
	_ =	strace $0x80000047;
	s7 =	sshrl.u32 s1, $0x1  }
0xc: {  	v7 =	vor.u32 $0x30, v0;
	v9 =	vor.u32 $0x40, v0;
	v11 =	vor.u32 $0x50, v0;
	s6 =	sadd.s32 s4, s0;
	s4 =	sadd.s32 $0x6800, s0;
	s26 =	ssub.s32 s1, s7  }
0xd: {  	v13 =	vor.u32 $0x60, v0;
	v15 =	vor.u32 $0x70, v0;
	v2 =	vor.u32 $0x400, v1;
	s7 =	sadd.s32 $0x1000, s2;
	s1 =	simm.s32 $0x8100;
	s28 =	sadd.s32 $0x400, s6  }
0xe: {  	v4 =	vor.u32 $0x800, v1;
	v6 =	vor.u32 $0xC00, v1;
	v8 =	vor.u32 $0x1000, v1;
	s6 =	sshll.u32 s5, $0xA;
	s0 =	smax.u32 s26, $0x1;
	[dreg:$0x3] =	wrdreg s28  }
0xf: {  	v10 =	vor.u32 $0x1400, v1;
	v12 =	vor.u32 $0x1800, v1;
	v14 =	vor.u32 $0x1C00, v1;
	s5 =	simm.s32 $0x8D00;
	[dreg:$0x4] =	wrdreg s0;
	s0 =	simm.s32 $0x8500  }
.LBB2_1:
0x10: {  	[dreg:$0x5] =	wrdreg s24  }
0x11: {  	s23 =	rddreg [dreg:$0x3];
	s26 =	simm.s32 $0x1000;
	s28 =	simm.s32 $0x3  }
0x12: {  	[tilespmem:s3], [sflag:$0x3] =	stream.strided.gather [hbm4b:s23+s15], $0x1900, s26, s15, $0x38;
	[tilespmem:$0x9900] =	vst v63  }
0x13: {  	_ =	swait.ge [sflag:s28], $0x1900  }
0x14: {  	[sflag:s28] =	ssyncset.done $0x0  }
0x15: {  	s23 =	simm.s32 $0x0;
	[sflag:s28] =	ssyncadd.s32 $0xFFFFE700  }
0x16: {  	[tilespmem:s18], [sflag:$0x1] =	stream.indirect.gather [hbm4b:s4+s15], $0x40, s3, s15, $0xb8;
	[tilespmem:$0x9900] =	vst v63  }
.LBB2_2:
0x17: {  	_ =	swait.ge [sflag:s19], $0x2000;
	s24 =	sshllo.u32 s23, $0x1;
	s26 =	simm.s32 $0x0  }
0x18: {  	p0 =	seq.s32 s23, $0x0;
	[sflag:s19] =	ssyncset.done $0x0;
	s25 =	sshll.u32 s24, $0x7;
	v19 =	vadd.s32 s26, v0  }
0x19: {  	s26 =	simm.s32 $0x1;
	[sflag:s19] =	ssyncadd.s32 $0xFFFFE000;
	s25 =	sand.u32 $0x3FFFFF80, s25;
	v32 =	vand.u32 $0xF, v19  }
0x1a: {  	v16 =	vadd.s32 s26, v0;
	[tilespmem:s20], [sflag:$0x1] =	stream.indirect.gather [hbm4b:s4+s15], $0x40, s25, s15, $0xb8;
	v17 =	vor.u32 v1, v32;
	[tilespmem:$0x9900] =	vst v63  }
0x1b: {  	s25 =	simm.s32 @!p0 $0x2;
	v28 =	vand.u32 $0xF, v16  }
0x1c: {  	_ =	swait.ge @!p0 [sflag:s25], $0x2000;
	v18 =	vor.u32 v1, v28  }
0x1d: {  	[sflag:s25] =	ssyncset.done @!p0 $0x0  }
0x1e: {  	[sflag:s25] =	ssyncadd.s32 @!p0 $0xFFFFE000  }
0x1f: {  	v20 =	vshll.u32 v19, $0x7;
	v17 =	vld.idx.msk [tilespmem:v17+s18+$0x0], $0xffff  }
0x20: {  	v27 =	vand.u32 $0x780, v20  }
0x21: {  	v21 =	vshll.u32 v16, $0x7;
	v20 =	vor.u32 v0, v27;
	v18 =	vld.idx.msk [tilespmem:v18+s18+$0x0], $0xffff  }
0x22: {  	v22 =	vor.u32 v2, v32;
	v23 =	vand.u32 $0x780, v21  }
0x23: {  	v21 =	vor.u32 v0, v23  }
0x24: {  	v24 =	vor.u32 v2, v28;
	v17 =	vmul.f32 $8.000000000e+00, v17;
	_ =	sdelay $0x1  }
0x25: {  	[tilespmem:v20+s21+$0x0] =	vst.idx.msk $0xffff, v17;
	v17 =	vmul.f32 $8.000000000e+00, v18  }
0x26: {  	v18 =	vld.idx.msk [tilespmem:v22+s18+$0x0], $0xffff  }
0x27: {  	s28 =	simm.s32 $0x2;
	[tilespmem:v21+s21+$0x0] =	vst.idx.msk $0xffff, v17  }
0x28: {  	v20 =	vor.u32 v3, v27;
	v17 =	vadd.s32 s28, v0;
	v21 =	vld.idx.msk [tilespmem:v24+s18+$0x0], $0xffff  }
0x29: {  	v22 =	vor.u32 v4, v32;
	v26 =	vand.u32 $0xF, v17  }
0x2a: {  	v25 =	vor.u32 v3, v23;
	v24 =	vor.u32 v1, v26  }
0x2b: {  	s26 =	simm.s32 $0x3;
	v30 =	vor.u32 v4, v28;
	v29 =	vmul.f32 $8.000000000e+00, v18  }
0x2c: {  	v18 =	vadd.s32 s26, v0  }
0x2d: {  	[tilespmem:v20+s21+$0x0] =	vst.idx.msk $0xffff, v29;
	v29 =	vand.u32 $0xF, v18;
	v20 =	vmul.f32 $8.000000000e+00, v21  }
0x2e: {  	v21 =	vor.u32 v1, v29;
	v22 =	vld.idx.msk [tilespmem:v22+s18+$0x0], $0xffff  }
0x2f: {  	v31 =	vshll.u32 v17, $0x7;
	v33 =	vld.idx.msk [tilespmem:v24+s18+$0x0], $0xffff;
	[tilespmem:v25+s21+$0x0] =	vst.idx.msk $0xffff, v20  }
0x30: {  	v24 =	vand.u32 $0x780, v31;
	v20 =	vld.idx.msk [tilespmem:v30+s18+$0x0], $0xffff;
	v30 =	vor.u32 v5, v27  }
0x31: {  	v31 =	vor.u32 v6, v32;
	v34 =	vor.u32 v0, v24  }
0x32: {  	v36 =	vor.u32 v5, v23;
	v35 =	vor.u32 v2, v26  }
0x33: {  	v37 =	vor.u32 v6, v28;
	v25 =	vshll.u32 v18, $0x7;
	v21 =	vld.idx.msk [tilespmem:v21+s18+$0x0], $0xffff;
	v22 =	vmul.f32 $8.000000000e+00, v22  }
0x34: {  	v25 =	vand.u32 $0x780, v25;
	v33 =	vmul.f32 $8.000000000e+00, v33  }
0x35: {  	v38 =	vor.u32 v0, v25;
	[tilespmem:v30+s21+$0x0] =	vst.idx.msk $0xffff, v22;
	v20 =	vmul.f32 $8.000000000e+00, v20  }
0x36: {  	[tilespmem:v34+s21+$0x0] =	vst.idx.msk $0xffff, v33;
	v22 =	vor.u32 v2, v29;
	v30 =	vld.idx.msk [tilespmem:v31+s18+$0x0], $0xffff  }
0x37: {  	v31 =	vld.idx.msk [tilespmem:v35+s18+$0x0], $0xffff;
	[tilespmem:v36+s21+$0x0] =	vst.idx.msk $0xffff, v20  }
0x38: {  	v49 =	vor.u32 v7, v27;
	v20 =	vmul.f32 $8.000000000e+00, v21;
	v21 =	vld.idx.msk [tilespmem:v37+s18+$0x0], $0xffff  }
0x39: {  	v51 =	vor.u32 v8, v32;
	s28 =	simm.s32 $0x4;
	v50 =	vor.u32 v3, v24  }
0x3a: {  	v52 =	vor.u32 v7, v23;
	v39 =	vor.u32 v4, v26;
	[tilespmem:v38+s21+$0x0] =	vst.idx.msk $0xffff, v20;
	v20 =	vadd.s32 s28, v0  }
0x3b: {  	v54 =	vor.u32 v8, v28;
	v22 =	vld.idx.msk [tilespmem:v22+s18+$0x0], $0xffff;
	v53 =	vmul.f32 $8.000000000e+00, v30;
	v30 =	vand.u32 $0xF, v20  }
0x3c: {  	v31 =	vmul.f32 $8.000000000e+00, v31;
	v40 =	vor.u32 v1, v30  }
0x3d: {  	s26 =	simm.s32 $0x5;
	v41 =	vor.u32 v3, v25;
	[tilespmem:v49+s21+$0x0] =	vst.idx.msk $0xffff, v53;
	v55 =	vmul.f32 $8.000000000e+00, v21  }
0x3e: {  	v56 =	vor.u32 v4, v29;
	v21 =	vadd.s32 s26, v0;
	[tilespmem:v50+s21+$0x0] =	vst.idx.msk $0xffff, v31;
	v35 =	vld.idx.msk [tilespmem:v51+s18+$0x0], $0xffff  }
0x3f: {  	v33 =	vand.u32 $0xF, v21;
	v39 =	vld.idx.msk [tilespmem:v39+s18+$0x0], $0xffff;
	[tilespmem:v52+s21+$0x0] =	vst.idx.msk $0xffff, v55  }
0x40: {  	v58 =	vor.u32 v9, v27;
	v57 =	vor.u32 v1, v33;
	v22 =	vmul.f32 $8.000000000e+00, v22;
	v37 =	vld.idx.msk [tilespmem:v54+s18+$0x0], $0xffff  }
0x41: {  	v42 =	vor.u32 v10, v32;
	v43 =	vor.u32 v5, v24;
	v31 =	vshll.u32 v20, $0x7;
	v40 =	vld.idx.msk [tilespmem:v40+s18+$0x0], $0xffff  }
0x42: {  	v45 =	vor.u32 v6, v26;
	v31 =	vand.u32 $0x780, v31;
	[tilespmem:v41+s21+$0x0] =	vst.idx.msk $0xffff, v22;
	v22 =	vor.u32 v9, v23  }
0x43: {  	v60 =	vor.u32 v10, v28;
	v46 =	vor.u32 v0, v31;
	v41 =	vld.idx.msk [tilespmem:v56+s18+$0x0], $0xffff;
	v59 =	vmul.f32 $8.000000000e+00, v35  }
0x44: {  	v44 =	vor.u32 v2, v30;
	v61 =	vmul.f32 $8.000000000e+00, v39  }
0x45: {  	v48 =	vor.u32 v5, v25;
	v47 =	vshll.u32 v21, $0x7;
	v36 =	vld.idx.msk [tilespmem:v57+s18+$0x0], $0xffff;
	[tilespmem:v58+s21+$0x0] =	vst.idx.msk $0xffff, v59;
	v37 =	vmul.f32 $8.000000000e+00, v37  }
0x46: {  	v62 =	vor.u32 v6, v29;
	v34 =	vand.u32 $0x780, v47;
	[tilespmem:v43+s21+$0x0] =	vst.idx.msk $0xffff, v61;
	v42 =	vld.idx.msk [tilespmem:v42+s18+$0x0], $0xffff;
	v40 =	vmul.f32 $8.000000000e+00, v40  }
0x47: {  	v49 =	vor.u32 v11, v27;
	v47 =	vor.u32 v0, v34;
	v57 =	vld.idx.msk [tilespmem:v45+s18+$0x0], $0xffff;
	[tilespmem:v22+s21+$0x0] =	vst.idx.msk $0xffff, v37  }
0x48: {  	v63 =	vor.u32 v2, v33;
	v22 =	vmul.f32 $8.000000000e+00, v41;
	v37 =	vld.idx.msk [tilespmem:v60+s18+$0x0], $0xffff;
	[tilespmem:v46+s21+$0x0] =	vst.idx.msk $0xffff, v40  }
0x49: {  	v51 =	vor.u32 v7, v24;
	v52 =	vor.u32 v12, v28;
	v58 =	vor.u32 v12, v32;
	v50 =	vld.idx.msk [tilespmem:v44+s18+$0x0], $0xffff  }
0x4a: {  	v54 =	vor.u32 v8, v26;
	v60 =	vor.u32 v11, v23;
	v59 =	vmul.f32 $8.000000000e+00, v36;
	[tilespmem:v48+s21+$0x0] =	vst.idx.msk $0xffff, v22  }
0x4b: {  	v53 =	vor.u32 v3, v31;
	v46 =	vor.u32 v4, v30;
	v39 =	vld.idx.msk [tilespmem:v62+s18+$0x0], $0xffff;
	v61 =	vmul.f32 $8.000000000e+00, v42  }
0x4c: {  	s28 =	simm.s32 $0x6;
	v41 =	vor.u32 v8, v29;
	v40 =	vor.u32 v13, v27;
	[tilespmem:v47+s21+$0x0] =	vst.idx.msk $0xffff, v59;
	v62 =	vmul.f32 $8.000000000e+00, v57  }
0x4d: {  	v22 =	vadd.s32 s28, v0;
	v42 =	vor.u32 v7, v25;
	v45 =	vld.idx.msk [tilespmem:v63+s18+$0x0], $0xffff;
	[tilespmem:v49+s21+$0x0] =	vst.idx.msk $0xffff, v61;
	v37 =	vmul.f32 $8.000000000e+00, v37  }
0x4e: {  	v48 =	vor.u32 v3, v34;
	v35 =	vand.u32 $0xF, v22;
	[tilespmem:v51+s21+$0x0] =	vst.idx.msk $0xffff, v62;
	v44 =	vld.idx.msk [tilespmem:v58+s18+$0x0], $0xffff;
	v63 =	vmul.f32 $8.000000000e+00, v50  }
0x4f: {  	s25 =	simm.s32 $0x7;
	v36 =	vor.u32 v1, v35;
	v49 =	vor.u32 v4, v33;
	v43 =	vld.idx.msk [tilespmem:v54+s18+$0x0], $0xffff;
	[tilespmem:v60+s21+$0x0] =	vst.idx.msk $0xffff, v37  }
0x50: {  	s26 =	simm.s32 $0x8;
	v50 =	vshll.u32 v22, $0x7;
	v37 =	vadd.s32 s25, v0;
	v47 =	vmul.f32 $8.000000000e+00, v39;
	v39 =	vld.idx.msk [tilespmem:v52+s18+$0x0], $0xffff;
	[tilespmem:v53+s21+$0x0] =	vst.idx.msk $0xffff, v63  }
.LBB2_3:
0x51: {  	v38 =	vand.u32 $0xF, v37;
	v51 =	vor.u32 v10, v26  }
0x52: {  	p0 =	slt.u32 s26, $0xE;
	[tilespmem:v42+s21+$0x0] =	vst.idx.msk $0xffff, v47;
	v42 =	vor.u32 v14, v32;
	v32 =	vmovc v26;
	v26 =	vmov v30;
	v30 =	vmov v35  }
0x53: {  	v45 =	vmul.f32 $8.000000000e+00, v45;
	v47 =	vor.u32 v13, v23;
	v35 =	vor.u32 v1, v38;
	v41 =	vld.idx.msk [tilespmem:v41+s18+$0x0], $0xffff  }
0x54: {  	v52 =	vor.u32 v9, v24;
	v53 =	vor.u32 v14, v28;
	v28 =	vmovc v29;
	v44 =	vmul.f32 $8.000000000e+00, v44;
	v46 =	vld.idx.msk [tilespmem:v46+s18+$0x0], $0xffff  }
0x55: {  	v54 =	vor.u32 v2, v30;
	v55 =	vor.u32 v6, v26;
	v36 =	vld.idx.msk [tilespmem:v36+s18+$0x0], $0xffff;
	[tilespmem:v48+s21+$0x0] =	vst.idx.msk $0xffff, v45  }
0x56: {  	v45 =	vand.u32 $0x780, v50;
	v39 =	vmul.f32 $8.000000000e+00, v39;
	v48 =	vld.idx.msk [tilespmem:v49+s18+$0x0], $0xffff;
	v49 =	vor.u32 v9, v25;
	[tilespmem:v40+s21+$0x0] =	vst.idx.msk $0xffff, v44  }
0x57: {  	v29 =	vmovc v33;
	v40 =	vor.u32 v5, v31;
	v43 =	vmul.f32 $8.000000000e+00, v43;
	v44 =	vor.u32 v10, v28;
	v42 =	vld.idx.msk [tilespmem:v42+s18+$0x0], $0xffff  }
0x58: {  	v56 =	vor.u32 v15, v27;
	v50 =	vor.u32 v0, v45;
	v35 =	vld.idx.msk [tilespmem:v35+s18+$0x0], $0xffff;
	[tilespmem:v47+s21+$0x0] =	vst.idx.msk $0xffff, v39  }
0x59: {  	v57 =	vshll.u32 v37, $0x7;
	v37 =	vor.u32 v5, v34;
	v39 =	vmul.f32 $8.000000000e+00, v41;
	[tilespmem:v52+s21+$0x0] =	vst.idx.msk $0xffff, v43;
	v41 =	vld.idx.msk [tilespmem:v53+s18+$0x0], $0xffff  }
0x5a: {  	v27 =	vmovc v24;
	v33 =	vmovc v38;
	v47 =	vor.u32 v6, v29;
	v43 =	vand.u32 $0x780, v57;
	v46 =	vmul.f32 $8.000000000e+00, v46;
	v51 =	vld.idx.msk [tilespmem:v51+s18+$0x0], $0xffff  }
0x5b: {  	v52 =	vor.u32 v11, v27;
	v36 =	vmul.f32 $8.000000000e+00, v36;
	v38 =	vor.u32 v0, v43;
	[tilespmem:v49+s21+$0x0] =	vst.idx.msk $0xffff, v39  }
0x5c: {  	v24 =	vmov v31;
	v39 =	vmul.f32 $8.000000000e+00, v48;
	[tilespmem:v40+s21+$0x0] =	vst.idx.msk $0xffff, v46;
	v40 =	vld.idx.msk [tilespmem:v44+s18+$0x0], $0xffff;
	v44 =	vor.u32 v15, v23  }
0x5d: {  	v31 =	vmov v45;
	v42 =	vmul.f32 $8.000000000e+00, v42;
	[tilespmem:v50+s21+$0x0] =	vst.idx.msk $0xffff, v36;
	v36 =	vor.u32 v2, v33;
	v48 =	vld.idx.msk [tilespmem:v55+s18+$0x0], $0xffff  }
0x5e: {  	v23 =	vmov v25;
	v35 =	vmul.f32 $8.000000000e+00, v35;
	v49 =	vld.idx.msk [tilespmem:v54+s18+$0x0], $0xffff;
	[tilespmem:v37+s21+$0x0] =	vst.idx.msk $0xffff, v39;
	v37 =	vor.u32 v12, v32  }
0x5f: {  	v25 =	vmov v34;
	v41 =	vmul.f32 $8.000000000e+00, v41;
	v39 =	vld.idx.msk [tilespmem:v47+s18+$0x0], $0xffff;
	v47 =	vor.u32 v11, v23;
	[tilespmem:v56+s21+$0x0] =	vst.idx.msk $0xffff, v42  }
0x60: {  	v50 =	vor.u32 v12, v28;
	v56 =	vmul.f32 $8.000000000e+00, v51;
	[tilespmem:v38+s21+$0x0] =	vst.idx.msk $0xffff, v35;
	v38 =	vor.u32 v7, v24  }
0x61: {  	v53 =	vor.u32 v3, v31;
	v54 =	vor.u32 v8, v26;
	v51 =	vadd.s32 s26, v0;
	[tilespmem:v44+s21+$0x0] =	vst.idx.msk $0xffff, v41  }
.Ltmp0:
0x62: {  	v42 =	vor.u32 v7, v25;
	v35 =	vand.u32 $0xF, v51;
	v45 =	vld.idx.msk [tilespmem:v36+s18+$0x0], $0xffff;
	[tilespmem:v52+s21+$0x0] =	vst.idx.msk $0xffff, v56;
	v52 =	vmul.f32 $8.000000000e+00, v40;
	(pc) =	sbr.rel @p0 .LBB2_3-.Ltmp0, $4  }
0x63: {  	v46 =	vor.u32 v4, v30;
	v34 =	vmovc v43;
	v41 =	vor.u32 v8, v29;
	v55 =	vmul.f32 $8.000000000e+00, v48;
	v44 =	vld.idx.msk [tilespmem:v37+s18+$0x0], $0xffff  }
0x64: {  	v36 =	vor.u32 v1, v35;
	v40 =	vor.u32 v13, v27;
	v43 =	vmul.f32 $8.000000000e+00, v49;
	[tilespmem:v47+s21+$0x0] =	vst.idx.msk $0xffff, v52  }
0x65: {  	s28 =	sadd.s32 $0x1, s26;
	v48 =	vor.u32 v3, v34;
	v47 =	vmul.f32 $8.000000000e+00, v39;
	[tilespmem:v38+s21+$0x0] =	vst.idx.msk $0xffff, v55;
	v39 =	vld.idx.msk [tilespmem:v50+s18+$0x0], $0xffff  }
0x66: {  	s26 =	sadd.s32 $0x2, s26;
	v37 =	vadd.s32 s28, v0;
	v49 =	vor.u32 v4, v33;
	v50 =	vshll.u32 v51, $0x7;
	[tilespmem:v53+s21+$0x0] =	vst.idx.msk $0xffff, v43;
	v43 =	vld.idx.msk [tilespmem:v54+s18+$0x0], $0xffff  }
0x67: {  	v38 =	vand.u32 $0xF, v37  }
0x68: {  	v51 =	vor.u32 v1, v38;
	_ =	sdelay $0x3  }
0x69: {  	v52 =	vld.idx.msk [tilespmem:v36+s18+$0x0], $0xffff  }
0x6a: {  	v36 =	vand.u32 $0x780, v50;
	v60 =	vshll.u32 v37, $0x7;
	v59 =	vld.idx.msk [tilespmem:v51+s18+$0x0], $0xffff  }
0x6b: {  	v61 =	vor.u32 v0, v36;
	v37 =	vand.u32 $0x780, v60  }
0x6c: {  	v53 =	vor.u32 v2, v35;
	v54 =	vor.u32 v0, v37  }
0x6d: {  	v55 =	vor.u32 v2, v38  }
0x6e: {  	v52 =	vmul.f32 $8.000000000e+00, v52  }
0x6f: {  	v50 =	vmul.f32 $8.000000000e+00, v59  }
0x70: {  	[tilespmem:v61+s21+$0x0] =	vst.idx.msk $0xffff, v52  }
0x71: {  	v51 =	vld.idx.msk [tilespmem:v53+s18+$0x0], $0xffff;
	[tilespmem:v54+s21+$0x0] =	vst.idx.msk $0xffff, v50  }
0x72: {  	v50 =	vld.idx.msk [tilespmem:v55+s18+$0x0], $0xffff  }
0x73: {  	v62 =	vor.u32 v3, v36  }
0x74: {  	v63 =	vor.u32 v4, v35;
	v57 =	vor.u32 v3, v37  }
0x75: {  	v45 =	vmul.f32 $8.000000000e+00, v45;
	v58 =	vor.u32 v4, v38  }
0x76: {  	v51 =	vmul.f32 $8.000000000e+00, v51  }
0x77: {  	v46 =	vld.idx.msk [tilespmem:v46+s18+$0x0], $0xffff;
	[tilespmem:v48+s21+$0x0] =	vst.idx.msk $0xffff, v45;
	v59 =	vmul.f32 $8.000000000e+00, v50  }
0x78: {  	v48 =	vld.idx.msk [tilespmem:v49+s18+$0x0], $0xffff;
	[tilespmem:v62+s21+$0x0] =	vst.idx.msk $0xffff, v51  }
0x79: {  	v49 =	vor.u32 v5, v31;
	v50 =	vld.idx.msk [tilespmem:v63+s18+$0x0], $0xffff;
	[tilespmem:v57+s21+$0x0] =	vst.idx.msk $0xffff, v59  }
0x7a: {  	v45 =	vor.u32 v6, v30;
	v51 =	vor.u32 v5, v34;
	v60 =	vld.idx.msk [tilespmem:v58+s18+$0x0], $0xffff  }
0x7b: {  	v61 =	vor.u32 v6, v33;
	v62 =	vor.u32 v5, v36  }
0x7c: {  	v56 =	vor.u32 v5, v37;
	v46 =	vmul.f32 $8.000000000e+00, v46;
	v63 =	vor.u32 v6, v35  }
0x7d: {  	v48 =	vmul.f32 $8.000000000e+00, v48;
	v57 =	vor.u32 v6, v38  }
0x7e: {  	[tilespmem:v49+s21+$0x0] =	vst.idx.msk $0xffff, v46;
	v58 =	vmul.f32 $8.000000000e+00, v50  }
0x7f: {  	v45 =	vld.idx.msk [tilespmem:v45+s18+$0x0], $0xffff;
	[tilespmem:v51+s21+$0x0] =	vst.idx.msk $0xffff, v48;
	v59 =	vmul.f32 $8.000000000e+00, v60  }
0x80: {  	[tilespmem:v62+s21+$0x0] =	vst.idx.msk $0xffff, v58;
	v60 =	vld.idx.msk [tilespmem:v61+s18+$0x0], $0xffff  }
0x81: {  	v61 =	vor.u32 v7, v31;
	v62 =	vld.idx.msk [tilespmem:v63+s18+$0x0], $0xffff;
	[tilespmem:v56+s21+$0x0] =	vst.idx.msk $0xffff, v59  }
0x82: {  	v48 =	vor.u32 v8, v30;
	v51 =	vor.u32 v7, v34;
	v63 =	vld.idx.msk [tilespmem:v57+s18+$0x0], $0xffff  }
0x83: {  	v44 =	vmul.f32 $8.000000000e+00, v44;
	v53 =	vor.u32 v8, v33;
	v54 =	vor.u32 v7, v36  }
0x84: {  	[tilespmem:v42+s21+$0x0] =	vst.idx.msk $0xffff, v47;
	v58 =	vor.u32 v8, v35;
	v59 =	vor.u32 v7, v37;
	v57 =	vmul.f32 $8.000000000e+00, v45  }
0x85: {  	v41 =	vld.idx.msk [tilespmem:v41+s18+$0x0], $0xffff;
	[tilespmem:v40+s21+$0x0] =	vst.idx.msk $0xffff, v44;
	v44 =	vor.u32 v8, v38;
	v60 =	vmul.f32 $8.000000000e+00, v60  }
0x86: {  	v32 =	vor.u32 v14, v32;
	v49 =	vor.u32 v9, v24;
	[tilespmem:v61+s21+$0x0] =	vst.idx.msk $0xffff, v57;
	v61 =	vmul.f32 $8.000000000e+00, v62  }
0x87: {  	v62 =	vor.u32 v9, v25;
	v48 =	vld.idx.msk [tilespmem:v48+s18+$0x0], $0xffff;
	[tilespmem:v51+s21+$0x0] =	vst.idx.msk $0xffff, v60;
	v63 =	vmul.f32 $8.000000000e+00, v63  }
0x88: {  	v42 =	vor.u32 v10, v29;
	v56 =	vor.u32 v10, v26;
	[tilespmem:v54+s21+$0x0] =	vst.idx.msk $0xffff, v61;
	v51 =	vld.idx.msk [tilespmem:v53+s18+$0x0], $0xffff  }
0x89: {  	v43 =	vmul.f32 $8.000000000e+00, v43;
	v57 =	vor.u32 v9, v31;
	v45 =	vld.idx.msk [tilespmem:v58+s18+$0x0], $0xffff;
	[tilespmem:v59+s21+$0x0] =	vst.idx.msk $0xffff, v63  }
0x8a: {  	v60 =	vor.u32 v9, v34;
	v58 =	vmul.f32 $8.000000000e+00, v41;
	v59 =	vor.u32 v10, v30;
	v44 =	vld.idx.msk [tilespmem:v44+s18+$0x0], $0xffff  }
0x8b: {  	v32 =	vld.idx.msk [tilespmem:v32+s18+$0x0], $0xffff;
	[tilespmem:v49+s21+$0x0] =	vst.idx.msk $0xffff, v43;
	v43 =	vor.u32 v10, v33;
	v49 =	vor.u32 v9, v36  }
0x8c: {  	v46 =	vor.u32 v10, v35;
	[tilespmem:v62+s21+$0x0] =	vst.idx.msk $0xffff, v58;
	v62 =	vor.u32 v9, v37;
	v61 =	vmul.f32 $8.000000000e+00, v48  }
0x8d: {  	v28 =	vor.u32 v14, v28;
	v50 =	vld.idx.msk [tilespmem:v56+s18+$0x0], $0xffff;
	v63 =	vor.u32 v10, v38;
	v51 =	vmul.f32 $8.000000000e+00, v51  }
0x8e: {  	v53 =	vor.u32 v13, v23;
	v42 =	vld.idx.msk [tilespmem:v42+s18+$0x0], $0xffff;
	[tilespmem:v57+s21+$0x0] =	vst.idx.msk $0xffff, v61;
	v57 =	vmul.f32 $8.000000000e+00, v45  }
0x8f: {  	v39 =	vmul.f32 $8.000000000e+00, v39;
	v58 =	vor.u32 v11, v24;
	v41 =	vld.idx.msk [tilespmem:v59+s18+$0x0], $0xffff;
	[tilespmem:v60+s21+$0x0] =	vst.idx.msk $0xffff, v51;
	v44 =	vmul.f32 $8.000000000e+00, v44  }
0x90: {  	v59 =	vor.u32 v12, v26;
	v60 =	vor.u32 v11, v25;
	[tilespmem:v49+s21+$0x0] =	vst.idx.msk $0xffff, v57;
	v43 =	vld.idx.msk [tilespmem:v43+s18+$0x0], $0xffff  }
0x91: {  	v40 =	vor.u32 v12, v29;
	v61 =	vor.u32 v11, v31;
	v46 =	vld.idx.msk [tilespmem:v46+s18+$0x0], $0xffff;
	[tilespmem:v62+s21+$0x0] =	vst.idx.msk $0xffff, v44  }
0x92: {  	v48 =	vor.u32 v12, v30;
	v62 =	vmul.f32 $8.000000000e+00, v50;
	v50 =	vor.u32 v11, v34;
	v52 =	vld.idx.msk [tilespmem:v63+s18+$0x0], $0xffff  }
0x93: {  	v56 =	vor.u32 v11, v36;
	[tilespmem:v53+s21+$0x0] =	vst.idx.msk $0xffff, v39;
	v63 =	vmul.f32 $8.000000000e+00, v42;
	v42 =	vor.u32 v12, v33  }
0x94: {  	v57 =	vor.u32 v12, v35;
	[tilespmem:v58+s21+$0x0] =	vst.idx.msk $0xffff, v62;
	v41 =	vmul.f32 $8.000000000e+00, v41;
	v58 =	vor.u32 v11, v37  }
0x95: {  	v47 =	vld.idx.msk [tilespmem:v59+s18+$0x0], $0xffff;
	[tilespmem:v60+s21+$0x0] =	vst.idx.msk $0xffff, v63;
	v59 =	vmul.f32 $8.000000000e+00, v43;
	v60 =	vor.u32 v12, v38  }
0x96: {  	v27 =	vor.u32 v15, v27;
	v40 =	vld.idx.msk [tilespmem:v40+s18+$0x0], $0xffff;
	[tilespmem:v61+s21+$0x0] =	vst.idx.msk $0xffff, v41;
	v61 =	vmul.f32 $8.000000000e+00, v46  }
0x97: {  	v62 =	vor.u32 v13, v24;
	v48 =	vld.idx.msk [tilespmem:v48+s18+$0x0], $0xffff;
	[tilespmem:v50+s21+$0x0] =	vst.idx.msk $0xffff, v59;
	v63 =	vmul.f32 $8.000000000e+00, v52  }
0x98: {  	v26 =	vor.u32 v14, v26;
	v52 =	vor.u32 v13, v25;
	v42 =	vld.idx.msk [tilespmem:v42+s18+$0x0], $0xffff;
	[tilespmem:v56+s21+$0x0] =	vst.idx.msk $0xffff, v61  }
0x99: {  	v29 =	vor.u32 v14, v29;
	v53 =	vor.u32 v13, v31;
	v44 =	vld.idx.msk [tilespmem:v57+s18+$0x0], $0xffff;
	[tilespmem:v58+s21+$0x0] =	vst.idx.msk $0xffff, v63  }
0x9a: {  	v55 =	vor.u32 v13, v34;
	v30 =	vor.u32 v14, v30;
	v54 =	vmul.f32 $8.000000000e+00, v47;
	v43 =	vld.idx.msk [tilespmem:v60+s18+$0x0], $0xffff  }
0x9b: {  	v28 =	vld.idx.msk [tilespmem:v28+s18+$0x0], $0xffff;
	v56 =	vor.u32 v14, v33;
	v57 =	vor.u32 v13, v36;
	v40 =	vmul.f32 $8.000000000e+00, v40  }
0x9c: {  	v59 =	vor.u32 v14, v35;
	v60 =	vor.u32 v13, v37;
	[tilespmem:v62+s21+$0x0] =	vst.idx.msk $0xffff, v54;
	v58 =	vmul.f32 $8.000000000e+00, v48  }
0x9d: {  	v38 =	vor.u32 v14, v38;
	v26 =	vld.idx.msk [tilespmem:v26+s18+$0x0], $0xffff;
	[tilespmem:v52+s21+$0x0] =	vst.idx.msk $0xffff, v40;
	v61 =	vmul.f32 $8.000000000e+00, v42  }
0x9e: {  	v23 =	vor.u32 v15, v23;
	v29 =	vld.idx.msk [tilespmem:v29+s18+$0x0], $0xffff;
	[tilespmem:v53+s21+$0x0] =	vst.idx.msk $0xffff, v58;
	v62 =	vmul.f32 $8.000000000e+00, v44  }
0x9f: {  	v24 =	vor.u32 v15, v24;
	v30 =	vld.idx.msk [tilespmem:v30+s18+$0x0], $0xffff;
	[tilespmem:v55+s21+$0x0] =	vst.idx.msk $0xffff, v61;
	v63 =	vmul.f32 $8.000000000e+00, v43  }
0xa0: {  	v32 =	vmul.f32 $8.000000000e+00, v32;
	v25 =	vor.u32 v15, v25;
	v33 =	vld.idx.msk [tilespmem:v56+s18+$0x0], $0xffff;
	[tilespmem:v57+s21+$0x0] =	vst.idx.msk $0xffff, v62  }
0xa1: {  	v31 =	vor.u32 v15, v31;
	v28 =	vmul.f32 $8.000000000e+00, v28;
	v35 =	vld.idx.msk [tilespmem:v59+s18+$0x0], $0xffff;
	[tilespmem:v60+s21+$0x0] =	vst.idx.msk $0xffff, v63  }
0xa2: {  	[tilespmem:v27+s21+$0x0] =	vst.idx.msk $0xffff, v32;
	v27 =	vor.u32 v15, v34;
	v26 =	vmul.f32 $8.000000000e+00, v26;
	v41 =	vld.idx.msk [tilespmem:v38+s18+$0x0], $0xffff  }
0xa3: {  	v19 =	vor.u32 $0x10, v19;
	[tilespmem:v23+s21+$0x0] =	vst.idx.msk $0xffff, v28;
	v23 =	vmul.f32 $8.000000000e+00, v29;
	v29 =	vor.u32 v15, v36  }
0xa4: {  	v28 =	vand.u32 $0x1F, v19;
	[tilespmem:v24+s21+$0x0] =	vst.idx.msk $0xffff, v26;
	v24 =	vmul.f32 $8.000000000e+00, v30;
	v26 =	vor.u32 v15, v37  }
0xa5: {  	v16 =	vor.u32 $0x10, v16;
	v30 =	vor.u32 v1, v28;
	[tilespmem:v25+s21+$0x0] =	vst.idx.msk $0xffff, v23;
	v25 =	vmul.f32 $8.000000000e+00, v33  }
0xa6: {  	v23 =	vand.u32 $0x1F, v16;
	[tilespmem:v31+s21+$0x0] =	vst.idx.msk $0xffff, v24;
	v24 =	vmul.f32 $8.000000000e+00, v35  }
0xa7: {  	[tilespmem:v27+s21+$0x0] =	vst.idx.msk $0xffff, v25;
	v27 =	vor.u32 v1, v23;
	v25 =	vmul.f32 $8.000000000e+00, v41  }
0xa8: {  	[tilespmem:v29+s21+$0x0] =	vst.idx.msk $0xffff, v24  }
0xa9: {  	[tilespmem:v26+s21+$0x0] =	vst.idx.msk $0xffff, v25  }
0xaa: {  	v24 =	vld.idx.msk [tilespmem:v30+s18+$0x0], $0xffff  }
0xab: {  	v19 =	vshll.u32 v19, $0x7  }
0xac: {  	v25 =	vor.u32 v0, v19;
	v26 =	vld.idx.msk [tilespmem:v27+s18+$0x0], $0xffff  }
0xad: {  	v16 =	vshll.u32 v16, $0x7;
	v27 =	vor.u32 v2, v28  }
0xae: {  	v29 =	vor.u32 v0, v16  }
0xaf: {  	v30 =	vor.u32 v2, v23;
	v24 =	vmul.f32 $8.000000000e+00, v24;
	_ =	sdelay $0x1  }
0xb0: {  	[tilespmem:v25+s21+$0x0] =	vst.idx.msk $0xffff, v24;
	v24 =	vmul.f32 $8.000000000e+00, v26  }
0xb1: {  	v25 =	vld.idx.msk [tilespmem:v27+s18+$0x0], $0xffff  }
0xb2: {  	[tilespmem:v29+s21+$0x0] =	vst.idx.msk $0xffff, v24  }
0xb3: {  	v17 =	vor.u32 $0x10, v17;
	v26 =	vor.u32 v3, v19;
	v27 =	vld.idx.msk [tilespmem:v30+s18+$0x0], $0xffff  }
0xb4: {  	v24 =	vand.u32 $0x1F, v17;
	v29 =	vor.u32 v4, v28  }
0xb5: {  	v31 =	vor.u32 v3, v16;
	v30 =	vor.u32 v1, v24  }
0xb6: {  	v42 =	vor.u32 v4, v23;
	v25 =	vmul.f32 $8.000000000e+00, v25  }
0xb7: {  	v43 =	vor.u32 $0x10, v18  }
0xb8: {  	[tilespmem:v26+s21+$0x0] =	vst.idx.msk $0xffff, v25;
	v25 =	vand.u32 $0x1F, v43;
	v18 =	vmul.f32 $8.000000000e+00, v27  }
0xb9: {  	v26 =	vor.u32 v1, v25;
	v27 =	vld.idx.msk [tilespmem:v29+s18+$0x0], $0xffff  }
0xba: {  	v29 =	vld.idx.msk [tilespmem:v30+s18+$0x0], $0xffff;
	[tilespmem:v31+s21+$0x0] =	vst.idx.msk $0xffff, v18  }
0xbb: {  	v18 =	vshll.u32 v17, $0x7;
	v31 =	vor.u32 v5, v19;
	v30 =	vld.idx.msk [tilespmem:v42+s18+$0x0], $0xffff  }
0xbc: {  	v44 =	vor.u32 v6, v28;
	v45 =	vor.u32 v0, v18  }
0xbd: {  	v47 =	vor.u32 v5, v16;
	v46 =	vor.u32 v2, v24  }
0xbe: {  	v48 =	vor.u32 v6, v23;
	v26 =	vld.idx.msk [tilespmem:v26+s18+$0x0], $0xffff;
	v27 =	vmul.f32 $8.000000000e+00, v27  }
0xbf: {  	v17 =	vshll.u32 v43, $0x7;
	v29 =	vmul.f32 $8.000000000e+00, v29  }
0xc0: {  	v33 =	vor.u32 v0, v17;
	[tilespmem:v31+s21+$0x0] =	vst.idx.msk $0xffff, v27;
	v27 =	vmul.f32 $8.000000000e+00, v30  }
0xc1: {  	[tilespmem:v45+s21+$0x0] =	vst.idx.msk $0xffff, v29;
	v29 =	vor.u32 v2, v25;
	v30 =	vld.idx.msk [tilespmem:v44+s18+$0x0], $0xffff  }
0xc2: {  	v31 =	vld.idx.msk [tilespmem:v46+s18+$0x0], $0xffff;
	[tilespmem:v47+s21+$0x0] =	vst.idx.msk $0xffff, v27  }
0xc3: {  	v49 =	vor.u32 v7, v19;
	v26 =	vmul.f32 $8.000000000e+00, v26;
	v27 =	vld.idx.msk [tilespmem:v48+s18+$0x0], $0xffff  }
0xc4: {  	v50 =	vor.u32 v3, v18  }
0xc5: {  	v51 =	vor.u32 v8, v28;
	v52 =	vor.u32 v7, v16;
	[tilespmem:v33+s21+$0x0] =	vst.idx.msk $0xffff, v26  }
0xc6: {  	v20 =	vor.u32 $0x10, v20;
	v53 =	vor.u32 v8, v23;
	v29 =	vld.idx.msk [tilespmem:v29+s18+$0x0], $0xffff;
	v30 =	vmul.f32 $8.000000000e+00, v30  }
0xc7: {  	v54 =	vor.u32 v4, v24;
	v26 =	vand.u32 $0x1F, v20;
	v31 =	vmul.f32 $8.000000000e+00, v31  }
0xc8: {  	v56 =	vor.u32 v3, v17;
	v55 =	vor.u32 v1, v26;
	[tilespmem:v49+s21+$0x0] =	vst.idx.msk $0xffff, v30;
	v27 =	vmul.f32 $8.000000000e+00, v27  }
0xc9: {  	v30 =	vor.u32 $0x10, v21;
	[tilespmem:v50+s21+$0x0] =	vst.idx.msk $0xffff, v31;
	v31 =	vor.u32 v4, v25  }
0xca: {  	v32 =	vld.idx.msk [tilespmem:v51+s18+$0x0], $0xffff;
	v21 =	vand.u32 $0x1F, v30;
	[tilespmem:v52+s21+$0x0] =	vst.idx.msk $0xffff, v27  }
0xcb: {  	v27 =	vor.u32 v1, v21;
	v29 =	vmul.f32 $8.000000000e+00, v29;
	v33 =	vld.idx.msk [tilespmem:v53+s18+$0x0], $0xffff  }
0xcc: {  	v57 =	vor.u32 v9, v19;
	v58 =	vld.idx.msk [tilespmem:v54+s18+$0x0], $0xffff  }
0xcd: {  	v59 =	vor.u32 v10, v28;
	v60 =	vld.idx.msk [tilespmem:v55+s18+$0x0], $0xffff;
	[tilespmem:v56+s21+$0x0] =	vst.idx.msk $0xffff, v29;
	v29 =	vor.u32 v9, v16  }
0xce: {  	v62 =	vor.u32 v10, v23;
	v61 =	vor.u32 v5, v18;
	v20 =	vshll.u32 v20, $0x7;
	v31 =	vld.idx.msk [tilespmem:v31+s18+$0x0], $0xffff  }
0xcf: {  	v63 =	vor.u32 v6, v24;
	v48 =	vor.u32 v0, v20;
	v32 =	vmul.f32 $8.000000000e+00, v32  }
0xd0: {  	v49 =	vor.u32 v2, v26;
	v51 =	vor.u32 v5, v17;
	v50 =	vld.idx.msk [tilespmem:v27+s18+$0x0], $0xffff;
	v52 =	vmul.f32 $8.000000000e+00, v33  }
0xd1: {  	v53 =	vor.u32 v6, v25;
	v27 =	vshll.u32 v30, $0x7;
	v30 =	vmul.f32 $8.000000000e+00, v58;
	[tilespmem:v57+s21+$0x0] =	vst.idx.msk $0xffff, v32  }
0xd2: {  	v54 =	vmul.f32 $8.000000000e+00, v60;
	v55 =	vor.u32 v0, v27;
	v34 =	vld.idx.msk [tilespmem:v59+s18+$0x0], $0xffff;
	[tilespmem:v29+s21+$0x0] =	vst.idx.msk $0xffff, v52  }
0xd3: {  	[tilespmem:v61+s21+$0x0] =	vst.idx.msk $0xffff, v30;
	v29 =	vmul.f32 $8.000000000e+00, v31;
	v30 =	vld.idx.msk [tilespmem:v62+s18+$0x0], $0xffff;
	v31 =	vor.u32 v2, v21  }
0xd4: {  	v56 =	vor.u32 v11, v19;
	v58 =	vor.u32 v12, v28;
	[tilespmem:v48+s21+$0x0] =	vst.idx.msk $0xffff, v54;
	v57 =	vld.idx.msk [tilespmem:v63+s18+$0x0], $0xffff  }
0xd5: {  	v60 =	vor.u32 v11, v16;
	v41 =	vld.idx.msk [tilespmem:v49+s18+$0x0], $0xffff;
	v59 =	vmul.f32 $8.000000000e+00, v50;
	[tilespmem:v51+s21+$0x0] =	vst.idx.msk $0xffff, v29  }
0xd6: {  	v35 =	vor.u32 v8, v25;
	v61 =	vor.u32 v7, v18;
	v63 =	vor.u32 v12, v23;
	v45 =	vld.idx.msk [tilespmem:v53+s18+$0x0], $0xffff  }
0xd7: {  	v36 =	vor.u32 v7, v17;
	v39 =	vor.u32 v3, v20;
	v62 =	vmul.f32 $8.000000000e+00, v34;
	[tilespmem:v55+s21+$0x0] =	vst.idx.msk $0xffff, v59  }
0xd8: {  	v42 =	vor.u32 v4, v26;
	v34 =	vor.u32 v8, v24;
	v38 =	vld.idx.msk [tilespmem:v31+s18+$0x0], $0xffff;
	v31 =	vmul.f32 $8.000000000e+00, v30  }
0xd9: {  	v33 =	vor.u32 v13, v19;
	v29 =	vor.u32 $0x10, v22;
	v32 =	vmul.f32 $8.000000000e+00, v57;
	[tilespmem:v56+s21+$0x0] =	vst.idx.msk $0xffff, v62  }
0xda: {  	v40 =	vor.u32 v3, v27;
	v22 =	vand.u32 $0x1F, v29;
	v43 =	vmul.f32 $8.000000000e+00, v41;
	v37 =	vld.idx.msk [tilespmem:v58+s18+$0x0], $0xffff;
	[tilespmem:v60+s21+$0x0] =	vst.idx.msk $0xffff, v31  }
0xdb: {  	v30 =	vor.u32 v1, v22;
	[tilespmem:v61+s21+$0x0] =	vst.idx.msk $0xffff, v32;
	v31 =	vadd.s32 s25, v0;
	s25 =	simm.s32 $0x8;
	v41 =	vmul.f32 $8.000000000e+00, v45;
	v32 =	vld.idx.msk [tilespmem:v63+s18+$0x0], $0xffff  }
.LBB2_5:
0xdc: {  	[tilespmem:v39+s21+$0x0] =	vst.idx.msk $0xffff, v43  }
0xdd: {  	p0 =	slt.u32 s25, $0xE;
	v31 =	vor.u32 $0x10, v31;
	v39 =	vor.u32 v4, v21;
	v34 =	vld.idx.msk [tilespmem:v34+s18+$0x0], $0xffff;
	v43 =	vmovc v24;
	v24 =	vmovc v26;
	v26 =	vmov v22  }
0xde: {  	v28 =	vor.u32 v14, v28;
	v22 =	vand.u32 $0x1F, v31;
	[tilespmem:v36+s21+$0x0] =	vst.idx.msk $0xffff, v41;
	v36 =	vor.u32 v15, v19  }
0xdf: {  	v44 =	vor.u32 v13, v16;
	v38 =	vmul.f32 $8.000000000e+00, v38;
	v19 =	vmovc v18;
	v41 =	vor.u32 v1, v22;
	v35 =	vld.idx.msk [tilespmem:v35+s18+$0x0], $0xffff  }
0xe0: {  	v45 =	vor.u32 v14, v23;
	v23 =	vmovc v25;
	v37 =	vmul.f32 $8.000000000e+00, v37;
	v18 =	vld.idx.msk [tilespmem:v42+s18+$0x0], $0xffff;
	v42 =	vor.u32 v9, v19  }
0xe1: {  	v46 =	vor.u32 v6, v24;
	v30 =	vld.idx.msk [tilespmem:v30+s18+$0x0], $0xffff;
	[tilespmem:v40+s21+$0x0] =	vst.idx.msk $0xffff, v38;
	v38 =	vor.u32 v10, v43  }
0xe2: {  	v29 =	vshll.u32 v29, $0x7;
	v40 =	vor.u32 v9, v17;
	v32 =	vmul.f32 $8.000000000e+00, v32;
	v39 =	vld.idx.msk [tilespmem:v39+s18+$0x0], $0xffff;
	[tilespmem:v33+s21+$0x0] =	vst.idx.msk $0xffff, v37  }
0xe3: {  	v25 =	vmovc v21;
	v33 =	vor.u32 v5, v20;
	v34 =	vmul.f32 $8.000000000e+00, v34;
	v37 =	vor.u32 v10, v23;
	v28 =	vld.idx.msk [tilespmem:v28+s18+$0x0], $0xffff  }
0xe4: {  	v47 =	vor.u32 v0, v29;
	v48 =	vor.u32 v2, v26;
	v41 =	vld.idx.msk [tilespmem:v41+s18+$0x0], $0xffff;
	[tilespmem:v44+s21+$0x0] =	vst.idx.msk $0xffff, v32  }
0xe5: {  	v21 =	vmov v22;
	v32 =	vor.u32 v5, v27;
	[tilespmem:v42+s21+$0x0] =	vst.idx.msk $0xffff, v34;
	v34 =	vmul.f32 $8.000000000e+00, v35;
	v35 =	vld.idx.msk [tilespmem:v45+s18+$0x0], $0xffff  }
0xe6: {  	v22 =	vshll.u32 v31, $0x7;
	v31 =	vmul.f32 $8.000000000e+00, v18;
	v42 =	vor.u32 v6, v25;
	v18 =	vmovc v20;
	v20 =	vmovc v29;
	v38 =	vld.idx.msk [tilespmem:v38+s18+$0x0], $0xffff  }
0xe7: {  	v44 =	vor.u32 v11, v19;
	v29 =	vmul.f32 $8.000000000e+00, v30;
	v30 =	vor.u32 v0, v22;
	[tilespmem:v40+s21+$0x0] =	vst.idx.msk $0xffff, v34  }
0xe8: {  	[tilespmem:v33+s21+$0x0] =	vst.idx.msk $0xffff, v31;
	v31 =	vmul.f32 $8.000000000e+00, v39;
	v33 =	vld.idx.msk [tilespmem:v37+s18+$0x0], $0xffff;
	v37 =	vor.u32 v15, v16;
	v16 =	vmov v17  }
0xe9: {  	v40 =	vor.u32 v2, v21;
	v28 =	vmul.f32 $8.000000000e+00, v28;
	v17 =	vmov v27;
	[tilespmem:v47+s21+$0x0] =	vst.idx.msk $0xffff, v29;
	v45 =	vld.idx.msk [tilespmem:v46+s18+$0x0], $0xffff  }
0xea: {  	v27 =	vmov v22;
	v29 =	vmul.f32 $8.000000000e+00, v41;
	v46 =	vld.idx.msk [tilespmem:v48+s18+$0x0], $0xffff;
	[tilespmem:v32+s21+$0x0] =	vst.idx.msk $0xffff, v31;
	v31 =	vor.u32 v12, v43  }
0xeb: {  	v22 =	vadd.s32 s25, v0;
	v41 =	vor.u32 v11, v16;
	v32 =	vld.idx.msk [tilespmem:v42+s18+$0x0], $0xffff;
	[tilespmem:v36+s21+$0x0] =	vst.idx.msk $0xffff, v28;
	v28 =	vmul.f32 $8.000000000e+00, v35  }
0xec: {  	v47 =	vor.u32 v7, v18;
	v48 =	vor.u32 v12, v23;
	[tilespmem:v30+s21+$0x0] =	vst.idx.msk $0xffff, v29;
	v30 =	vmul.f32 $8.000000000e+00, v38  }
.Ltmp1:
0xed: {  	v34 =	vor.u32 v8, v24;
	v39 =	vor.u32 v3, v20;
	v29 =	vor.u32 $0x10, v22;
	[tilespmem:v37+s21+$0x0] =	vst.idx.msk $0xffff, v28;
	(pc) =	sbr.rel @p0 .LBB2_5-.Ltmp1, $4  }
0xee: {  	v36 =	vor.u32 v7, v17;
	v22 =	vand.u32 $0x1F, v29;
	v38 =	vld.idx.msk [tilespmem:v40+s18+$0x0], $0xffff;
	[tilespmem:v44+s21+$0x0] =	vst.idx.msk $0xffff, v30;
	v40 =	vmul.f32 $8.000000000e+00, v33  }
0xef: {  	v35 =	vor.u32 v8, v25;
	v44 =	vmul.f32 $8.000000000e+00, v45;
	v33 =	vor.u32 v13, v19;
	v37 =	vld.idx.msk [tilespmem:v31+s18+$0x0], $0xffff;
	v28 =	vmovc v43  }
0xf0: {  	s26 =	sadd.s32 $0x1, s25;
	v42 =	vor.u32 v4, v26;
	v30 =	vor.u32 v1, v22;
	v43 =	vmul.f32 $8.000000000e+00, v46;
	[tilespmem:v41+s21+$0x0] =	vst.idx.msk $0xffff, v40  }
0xf1: {  	s25 =	sadd.s32 $0x2, s25;
	v31 =	vadd.s32 s26, v0;
	v40 =	vor.u32 v3, v27;
	v41 =	vmul.f32 $8.000000000e+00, v32;
	[tilespmem:v47+s21+$0x0] =	vst.idx.msk $0xffff, v44;
	v32 =	vld.idx.msk [tilespmem:v48+s18+$0x0], $0xffff  }
0xf2: {  	v44 =	vor.u32 $0x10, v31  }
0xf3: {  	v31 =	vand.u32 $0x1F, v44  }
0xf4: {  	v45 =	vor.u32 v1, v31;
	_ =	sdelay $0x3  }
0xf5: {  	v46 =	vld.idx.msk [tilespmem:v30+s18+$0x0], $0xffff  }
0xf6: {  	v30 =	vshll.u32 v29, $0x7;
	v45 =	vld.idx.msk [tilespmem:v45+s18+$0x0], $0xffff  }
0xf7: {  	v47 =	vor.u32 v0, v30;
	v29 =	vshll.u32 v44, $0x7  }
0xf8: {  	v52 =	vor.u32 v2, v22;
	v48 =	vor.u32 v0, v29  }
0xf9: {  	v49 =	vor.u32 v2, v31  }
0xfa: {  	v46 =	vmul.f32 $8.000000000e+00, v46  }
0xfb: {  	v45 =	vmul.f32 $8.000000000e+00, v45  }
0xfc: {  	[tilespmem:v47+s21+$0x0] =	vst.idx.msk $0xffff, v46  }
0xfd: {  	v44 =	vld.idx.msk [tilespmem:v52+s18+$0x0], $0xffff;
	[tilespmem:v48+s21+$0x0] =	vst.idx.msk $0xffff, v45  }
0xfe: {  	v53 =	vld.idx.msk [tilespmem:v49+s18+$0x0], $0xffff  }
0xff: {  	v54 =	vor.u32 v4, v21;
	v55 =	vor.u32 v3, v30  }
0x100: {  	[tilespmem:v39+s21+$0x0] =	vst.idx.msk $0xffff, v43;
	v56 =	vor.u32 v4, v22;
	v57 =	vor.u32 v3, v29  }
0x101: {  	v42 =	vld.idx.msk [tilespmem:v42+s18+$0x0], $0xffff;
	v38 =	vmul.f32 $8.000000000e+00, v38;
	v59 =	vor.u32 v4, v31  }
0x102: {  	v44 =	vmul.f32 $8.000000000e+00, v44  }
0x103: {  	v58 =	vor.u32 v5, v20;
	[tilespmem:v40+s21+$0x0] =	vst.idx.msk $0xffff, v38;
	v60 =	vmul.f32 $8.000000000e+00, v53  }
0x104: {  	v50 =	vor.u32 v6, v26;
	v61 =	vld.idx.msk [tilespmem:v54+s18+$0x0], $0xffff;
	[tilespmem:v55+s21+$0x0] =	vst.idx.msk $0xffff, v44  }
0x105: {  	v63 =	vld.idx.msk [tilespmem:v56+s18+$0x0], $0xffff;
	[tilespmem:v57+s21+$0x0] =	vst.idx.msk $0xffff, v60  }
0x106: {  	v51 =	vor.u32 v5, v27;
	v62 =	vmul.f32 $8.000000000e+00, v42;
	v52 =	vld.idx.msk [tilespmem:v59+s18+$0x0], $0xffff  }
0x107: {  	v55 =	vor.u32 v5, v30;
	v53 =	vor.u32 v6, v21  }
0x108: {  	[tilespmem:v58+s21+$0x0] =	vst.idx.msk $0xffff, v62;
	v56 =	vor.u32 v6, v22;
	v57 =	vor.u32 v5, v29  }
0x109: {  	v54 =	vld.idx.msk [tilespmem:v50+s18+$0x0], $0xffff;
	v58 =	vmul.f32 $8.000000000e+00, v61;
	v60 =	vor.u32 v6, v31  }
0x10a: {  	v34 =	vld.idx.msk [tilespmem:v34+s18+$0x0], $0xffff;
	[tilespmem:v36+s21+$0x0] =	vst.idx.msk $0xffff, v41;
	v62 =	vmul.f32 $8.000000000e+00, v63  }
0x10b: {  	v37 =	vmul.f32 $8.000000000e+00, v37;
	v35 =	vld.idx.msk [tilespmem:v35+s18+$0x0], $0xffff;
	[tilespmem:v51+s21+$0x0] =	vst.idx.msk $0xffff, v58;
	v59 =	vor.u32 v7, v20;
	v63 =	vmul.f32 $8.000000000e+00, v52  }
0x10c: {  	v61 =	vor.u32 v8, v26;
	v48 =	vor.u32 v9, v18;
	[tilespmem:v55+s21+$0x0] =	vst.idx.msk $0xffff, v62;
	v49 =	vld.idx.msk [tilespmem:v53+s18+$0x0], $0xffff  }
0x10d: {  	v51 =	vor.u32 v10, v24;
	v53 =	vld.idx.msk [tilespmem:v56+s18+$0x0], $0xffff;
	v52 =	vor.u32 v9, v17;
	[tilespmem:v57+s21+$0x0] =	vst.idx.msk $0xffff, v63  }
0x10e: {  	v50 =	vmul.f32 $8.000000000e+00, v54;
	v54 =	vor.u32 v10, v25;
	v55 =	vor.u32 v7, v27;
	v56 =	vld.idx.msk [tilespmem:v60+s18+$0x0], $0xffff  }
0x10f: {  	[tilespmem:v33+s21+$0x0] =	vst.idx.msk $0xffff, v37;
	v34 =	vmul.f32 $8.000000000e+00, v34;
	v58 =	vor.u32 v7, v30;
	v57 =	vor.u32 v8, v21  }
0x110: {  	v35 =	vmul.f32 $8.000000000e+00, v35;
	[tilespmem:v59+s21+$0x0] =	vst.idx.msk $0xffff, v50;
	v59 =	vor.u32 v8, v22;
	v60 =	vor.u32 v7, v29  }
0x111: {  	[tilespmem:v48+s21+$0x0] =	vst.idx.msk $0xffff, v34;
	v33 =	vld.idx.msk [tilespmem:v61+s18+$0x0], $0xffff;
	v61 =	vmul.f32 $8.000000000e+00, v49;
	v63 =	vor.u32 v8, v31  }
0x112: {  	v37 =	vld.idx.msk [tilespmem:v51+s18+$0x0], $0xffff;
	v50 =	vor.u32 v13, v16;
	v49 =	vmul.f32 $8.000000000e+00, v53;
	[tilespmem:v52+s21+$0x0] =	vst.idx.msk $0xffff, v35  }
0x113: {  	v32 =	vmul.f32 $8.000000000e+00, v32;
	v62 =	vor.u32 v9, v20;
	[tilespmem:v55+s21+$0x0] =	vst.idx.msk $0xffff, v61;
	v36 =	vld.idx.msk [tilespmem:v54+s18+$0x0], $0xffff;
	v51 =	vmul.f32 $8.000000000e+00, v56  }
0x114: {  	v48 =	vor.u32 v10, v26;
	[tilespmem:v58+s21+$0x0] =	vst.idx.msk $0xffff, v49;
	v52 =	vor.u32 v11, v18;
	v41 =	vld.idx.msk [tilespmem:v57+s18+$0x0], $0xffff  }
0x115: {  	v53 =	vor.u32 v12, v24;
	v55 =	vld.idx.msk [tilespmem:v59+s18+$0x0], $0xffff;
	v54 =	vor.u32 v11, v17;
	[tilespmem:v60+s21+$0x0] =	vst.idx.msk $0xffff, v51  }
0x116: {  	v33 =	vmul.f32 $8.000000000e+00, v33;
	v57 =	vor.u32 v9, v27;
	v56 =	vor.u32 v12, v25;
	v58 =	vld.idx.msk [tilespmem:v63+s18+$0x0], $0xffff  }
0x117: {  	v37 =	vmul.f32 $8.000000000e+00, v37;
	v59 =	vor.u32 v10, v21;
	[tilespmem:v50+s21+$0x0] =	vst.idx.msk $0xffff, v32;
	v60 =	vor.u32 v9, v30  }
0x118: {  	[tilespmem:v62+s21+$0x0] =	vst.idx.msk $0xffff, v33;
	v62 =	vor.u32 v10, v22;
	v61 =	vmul.f32 $8.000000000e+00, v36;
	v63 =	vor.u32 v9, v29  }
0x119: {  	v49 =	vor.u32 v10, v31;
	v35 =	vld.idx.msk [tilespmem:v48+s18+$0x0], $0xffff;
	[tilespmem:v52+s21+$0x0] =	vst.idx.msk $0xffff, v37;
	v47 =	vmul.f32 $8.000000000e+00, v41  }
0x11a: {  	v28 =	vor.u32 v14, v28;
	v51 =	vmul.f32 $8.000000000e+00, v55;
	v42 =	vld.idx.msk [tilespmem:v53+s18+$0x0], $0xffff;
	[tilespmem:v54+s21+$0x0] =	vst.idx.msk $0xffff, v61  }
0x11b: {  	v48 =	vor.u32 v11, v20;
	v34 =	vld.idx.msk [tilespmem:v56+s18+$0x0], $0xffff;
	[tilespmem:v57+s21+$0x0] =	vst.idx.msk $0xffff, v47;
	v33 =	vmul.f32 $8.000000000e+00, v58  }
0x11c: {  	v50 =	vor.u32 v12, v26;
	v38 =	vld.idx.msk [tilespmem:v59+s18+$0x0], $0xffff;
	[tilespmem:v60+s21+$0x0] =	vst.idx.msk $0xffff, v51  }
0x11d: {  	v23 =	vor.u32 v14, v23;
	v53 =	vor.u32 v13, v17;
	v36 =	vld.idx.msk [tilespmem:v62+s18+$0x0], $0xffff;
	[tilespmem:v63+s21+$0x0] =	vst.idx.msk $0xffff, v33  }
0x11e: {  	v19 =	vor.u32 v15, v19;
	v54 =	vor.u32 v11, v27;
	v35 =	vmul.f32 $8.000000000e+00, v35;
	v55 =	vld.idx.msk [tilespmem:v49+s18+$0x0], $0xffff  }
0x11f: {  	v43 =	vor.u32 v13, v30;
	v28 =	vld.idx.msk [tilespmem:v28+s18+$0x0], $0xffff;
	v57 =	vor.u32 v12, v21;
	v58 =	vor.u32 v11, v30  }
0x120: {  	v59 =	vor.u32 v12, v22;
	v60 =	vor.u32 v11, v29;
	[tilespmem:v48+s21+$0x0] =	vst.idx.msk $0xffff, v35;
	v34 =	vmul.f32 $8.000000000e+00, v34  }
0x121: {  	v52 =	vor.u32 v13, v18;
	v32 =	vld.idx.msk [tilespmem:v50+s18+$0x0], $0xffff;
	v63 =	vor.u32 v12, v31;
	v61 =	vmul.f32 $8.000000000e+00, v38  }
0x122: {  	v24 =	vor.u32 v14, v24;
	v23 =	vld.idx.msk [tilespmem:v23+s18+$0x0], $0xffff;
	[tilespmem:v53+s21+$0x0] =	vst.idx.msk $0xffff, v34;
	v36 =	vmul.f32 $8.000000000e+00, v36  }
0x123: {  	v25 =	vor.u32 v14, v25;
	v62 =	vor.u32 v13, v20;
	[tilespmem:v54+s21+$0x0] =	vst.idx.msk $0xffff, v61;
	v37 =	vmul.f32 $8.000000000e+00, v55  }
0x124: {  	v26 =	vor.u32 v14, v26;
	v56 =	vmul.f32 $8.000000000e+00, v42;
	v40 =	vld.idx.msk [tilespmem:v57+s18+$0x0], $0xffff;
	[tilespmem:v58+s21+$0x0] =	vst.idx.msk $0xffff, v36  }
0x125: {  	v28 =	vmul.f32 $8.000000000e+00, v28;
	v41 =	vor.u32 v15, v16;
	v34 =	vld.idx.msk [tilespmem:v59+s18+$0x0], $0xffff;
	[tilespmem:v60+s21+$0x0] =	vst.idx.msk $0xffff, v37  }
0x126: {  	v16 =	vor.u32 v13, v27;
	[tilespmem:v52+s21+$0x0] =	vst.idx.msk $0xffff, v56;
	v32 =	vmul.f32 $8.000000000e+00, v32;
	v42 =	vld.idx.msk [tilespmem:v63+s18+$0x0], $0xffff  }
0x127: {  	[tilespmem:v19+s21+$0x0] =	vst.idx.msk $0xffff, v28;
	v28 =	vor.u32 v15, v29;
	v21 =	vor.u32 v14, v21;
	v24 =	vld.idx.msk [tilespmem:v24+s18+$0x0], $0xffff  }
0x128: {  	v44 =	vor.u32 v13, v29;
	v22 =	vor.u32 v14, v22;
	v25 =	vld.idx.msk [tilespmem:v25+s18+$0x0], $0xffff;
	[tilespmem:v62+s21+$0x0] =	vst.idx.msk $0xffff, v32  }
0x129: {  	v45 =	vor.u32 v15, v17;
	v31 =	vor.u32 v14, v31;
	v26 =	vld.idx.msk [tilespmem:v26+s18+$0x0], $0xffff;
	v35 =	vmul.f32 $8.000000000e+00, v40  }
0x12a: {  	v18 =	vor.u32 v15, v18;
	v23 =	vmul.f32 $8.000000000e+00, v23;
	v17 =	vmul.f32 $8.000000000e+00, v34  }
0x12b: {  	s25 =	simm.s32 $0x0;
	v27 =	vor.u32 v15, v27;
	v20 =	vor.u32 v15, v20;
	[tilespmem:v16+s21+$0x0] =	vst.idx.msk $0xffff, v35;
	v16 =	vmul.f32 $8.000000000e+00, v42  }
0x12c: {  	s26 =	simm.s32 $0x1;
	v30 =	vor.u32 v15, v30;
	v24 =	vmul.f32 $8.000000000e+00, v24;
	v21 =	vld.idx.msk [tilespmem:v21+s18+$0x0], $0xffff;
	[tilespmem:v43+s21+$0x0] =	vst.idx.msk $0xffff, v17;
	v17 =	vadd.s32 s25, v0  }
0x12d: {  	v25 =	vmul.f32 $8.000000000e+00, v25;
	v22 =	vld.idx.msk [tilespmem:v22+s18+$0x0], $0xffff;
	v46 =	vand.u32 $0xF, v17;
	[tilespmem:v44+s21+$0x0] =	vst.idx.msk $0xffff, v16;
	v16 =	vadd.s32 s26, v0  }
0x12e: {  	v26 =	vmul.f32 $8.000000000e+00, v26;
	v29 =	vor.u32 $0x20, v46;
	v19 =	vld.idx.msk [tilespmem:v31+s18+$0x0], $0xffff;
	v31 =	vand.u32 $0xF, v16  }
0x12f: {  	[tilespmem:v41+s21+$0x0] =	vst.idx.msk $0xffff, v23;
	v23 =	vand.u32 $0x7, v17;
	v32 =	vand.u32 $0x28, v29;
	v31 =	vor.u32 $0x20, v31  }
0x130: {  	[tilespmem:v18+s21+$0x0] =	vst.idx.msk $0xffff, v24;
	v35 =	vor.u32 v23, v32;
	v23 =	vand.u32 $0x7, v16;
	v18 =	vand.u32 $0x28, v31  }
0x131: {  	[tilespmem:v45+s21+$0x0] =	vst.idx.msk $0xffff, v25;
	v21 =	vmul.f32 $8.000000000e+00, v21;
	v24 =	vor.u32 v1, v35;
	v34 =	vor.u32 v23, v18  }
0x132: {  	[tilespmem:v20+s21+$0x0] =	vst.idx.msk $0xffff, v26;
	v18 =	vmul.f32 $8.000000000e+00, v22;
	v20 =	vor.u32 v1, v34  }
0x133: {  	[tilespmem:v27+s21+$0x0] =	vst.idx.msk $0xffff, v21;
	v19 =	vmul.f32 $8.000000000e+00, v19  }
0x134: {  	[tilespmem:v30+s21+$0x0] =	vst.idx.msk $0xffff, v18  }
0x135: {  	[tilespmem:v28+s21+$0x0] =	vst.idx.msk $0xffff, v19  }
0x136: {  	v18 =	vld.idx.msk [tilespmem:v24+s18+$0x0], $0xffff  }
0x137: {  	v24 =	vshll.u32 v29, $0x7;
	v19 =	vld.idx.msk [tilespmem:v20+s18+$0x0], $0xffff  }
0x138: {  	v23 =	vshll.u32 v31, $0x7;
	v20 =	vor.u32 v0, v24  }
0x139: {  	v21 =	vor.u32 v2, v35;
	v22 =	vor.u32 v0, v23  }
0x13a: {  	v25 =	vor.u32 v2, v34  }
0x13b: {  	v26 =	vmul.f32 $8.000000000e+00, v18  }
0x13c: {  	v19 =	vmul.f32 $8.000000000e+00, v19  }
0x13d: {  	s28 =	simm.s32 $0x2;
	[tilespmem:v20+s21+$0x0] =	vst.idx.msk $0xffff, v26  }
0x13e: {  	v18 =	vadd.s32 s28, v0;
	v21 =	vld.idx.msk [tilespmem:v21+s18+$0x0], $0xffff;
	[tilespmem:v22+s21+$0x0] =	vst.idx.msk $0xffff, v19  }
0x13f: {  	v30 =	vor.u32 v3, v23;
	v20 =	vand.u32 $0xF, v18;
	v22 =	vld.idx.msk [tilespmem:v25+s18+$0x0], $0xffff  }
0x140: {  	s26 =	simm.s32 $0x3;
	v29 =	vor.u32 v4, v35;
	v27 =	vor.u32 v3, v24;
	v19 =	vor.u32 $0x20, v20  }
0x141: {  	v20 =	vadd.s32 s26, v0;
	v25 =	vand.u32 $0x7, v18;
	v26 =	vand.u32 $0x28, v19  }
0x142: {  	v28 =	vor.u32 v25, v26;
	v25 =	vor.u32 v4, v34;
	v26 =	vand.u32 $0xF, v20  }
0x143: {  	v48 =	vand.u32 $0x7, v20;
	v26 =	vor.u32 $0x20, v26;
	v21 =	vmul.f32 $8.000000000e+00, v21  }
0x144: {  	v31 =	vor.u32 v1, v28;
	v47 =	vand.u32 $0x28, v26;
	v22 =	vmul.f32 $8.000000000e+00, v22  }
0x145: {  	[tilespmem:v27+s21+$0x0] =	vst.idx.msk $0xffff, v21;
	v27 =	vor.u32 v48, v47  }
0x146: {  	v21 =	vld.idx.msk [tilespmem:v29+s18+$0x0], $0xffff;
	[tilespmem:v30+s21+$0x0] =	vst.idx.msk $0xffff, v22;
	v22 =	vor.u32 v1, v27  }
0x147: {  	v29 =	vld.idx.msk [tilespmem:v25+s18+$0x0], $0xffff  }
0x148: {  	v30 =	vor.u32 v5, v24  }
0x149: {  	v49 =	vor.u32 v6, v35;
	v50 =	vor.u32 v5, v23;
	v31 =	vld.idx.msk [tilespmem:v31+s18+$0x0], $0xffff  }
0x14a: {  	v25 =	vshll.u32 v19, $0x7;
	v19 =	vor.u32 v6, v34  }
0x14b: {  	v51 =	vor.u32 v0, v25;
	v21 =	vmul.f32 $8.000000000e+00, v21;
	v22 =	vld.idx.msk [tilespmem:v22+s18+$0x0], $0xffff  }
0x14c: {  	v52 =	vor.u32 v2, v28;
	v26 =	vshll.u32 v26, $0x7;
	v29 =	vmul.f32 $8.000000000e+00, v29  }
0x14d: {  	[tilespmem:v30+s21+$0x0] =	vst.idx.msk $0xffff, v21;
	v30 =	vor.u32 v0, v26  }
0x14e: {  	v31 =	vmul.f32 $8.000000000e+00, v31;
	v32 =	vld.idx.msk [tilespmem:v49+s18+$0x0], $0xffff;
	[tilespmem:v50+s21+$0x0] =	vst.idx.msk $0xffff, v29;
	v29 =	vor.u32 v2, v27  }
0x14f: {  	s28 =	simm.s32 $0x4;
	v19 =	vld.idx.msk [tilespmem:v19+s18+$0x0], $0xffff  }
0x150: {  	v21 =	vadd.s32 s28, v0;
	[tilespmem:v51+s21+$0x0] =	vst.idx.msk $0xffff, v31;
	v31 =	vor.u32 v7, v24;
	v22 =	vmul.f32 $8.000000000e+00, v22  }
0x151: {  	v54 =	vor.u32 v8, v35;
	v55 =	vor.u32 v7, v23;
	v53 =	vand.u32 $0xF, v21;
	v36 =	vld.idx.msk [tilespmem:v52+s18+$0x0], $0xffff  }
0x152: {  	v57 =	vor.u32 v3, v25;
	v33 =	vor.u32 $0x20, v53;
	[tilespmem:v30+s21+$0x0] =	vst.idx.msk $0xffff, v22;
	v30 =	vor.u32 v8, v34  }
0x153: {  	v56 =	vand.u32 $0x28, v33;
	v22 =	vand.u32 $0x7, v21;
	v40 =	vld.idx.msk [tilespmem:v29+s18+$0x0], $0xffff;
	v32 =	vmul.f32 $8.000000000e+00, v32  }
0x154: {  	v59 =	vor.u32 v4, v28;
	v29 =	vor.u32 v22, v56;
	v19 =	vmul.f32 $8.000000000e+00, v19  }
0x155: {  	s26 =	simm.s32 $0x5;
	v60 =	vor.u32 v3, v26;
	v61 =	vor.u32 v1, v29;
	[tilespmem:v31+s21+$0x0] =	vst.idx.msk $0xffff, v32  }
0x156: {  	v22 =	vadd.s32 s26, v0;
	v31 =	vmul.f32 $8.000000000e+00, v36;
	v37 =	vld.idx.msk [tilespmem:v54+s18+$0x0], $0xffff;
	[tilespmem:v55+s21+$0x0] =	vst.idx.msk $0xffff, v19;
	v19 =	vor.u32 v4, v27  }
0x157: {  	v41 =	vor.u32 v14, v35;
	v58 =	vor.u32 v9, v24;
	v62 =	vand.u32 $0xF, v22;
	v30 =	vld.idx.msk [tilespmem:v30+s18+$0x0], $0xffff  }
0x158: {  	v50 =	vor.u32 v10, v35;
	v63 =	vor.u32 $0x20, v62;
	[tilespmem:v57+s21+$0x0] =	vst.idx.msk $0xffff, v31;
	v40 =	vmul.f32 $8.000000000e+00, v40  }
0x159: {  	v52 =	vor.u32 v9, v23;
	v51 =	vand.u32 $0x7, v22;
	v31 =	vand.u32 $0x28, v63;
	v39 =	vld.idx.msk [tilespmem:v59+s18+$0x0], $0xffff  }
0x15a: {  	v32 =	vor.u32 v51, v31;
	v31 =	vor.u32 v10, v34;
	v38 =	vld.idx.msk [tilespmem:v61+s18+$0x0], $0xffff;
	[tilespmem:v60+s21+$0x0] =	vst.idx.msk $0xffff, v40  }
0x15b: {  	v42 =	vor.u32 v13, v24;
	v53 =	vor.u32 v1, v32;
	v37 =	vmul.f32 $8.000000000e+00, v37;
	v40 =	vld.idx.msk [tilespmem:v19+s18+$0x0], $0xffff  }
0x15c: {  	v44 =	vor.u32 v8, v27;
	v54 =	vor.u32 v5, v25;
	v19 =	vmul.f32 $8.000000000e+00, v30  }
0x15d: {  	v56 =	vor.u32 v5, v26;
	v55 =	vor.u32 v6, v28;
	v30 =	vshll.u32 v33, $0x7;
	[tilespmem:v58+s21+$0x0] =	vst.idx.msk $0xffff, v37  }
0x15e: {  	v57 =	vor.u32 v0, v30;
	v58 =	vor.u32 v6, v27;
	v37 =	vld.idx.msk [tilespmem:v50+s18+$0x0], $0xffff;
	[tilespmem:v52+s21+$0x0] =	vst.idx.msk $0xffff, v19  }
0x15f: {  	v49 =	vor.u32 v11, v24;
	v60 =	vor.u32 v2, v29;
	v39 =	vmul.f32 $8.000000000e+00, v39;
	v59 =	vld.idx.msk [tilespmem:v31+s18+$0x0], $0xffff  }
0x160: {  	v46 =	vor.u32 v3, v30;
	v48 =	vld.idx.msk [tilespmem:v53+s18+$0x0], $0xffff;
	v38 =	vmul.f32 $8.000000000e+00, v38;
	v61 =	vmul.f32 $8.000000000e+00, v40  }
0x161: {  	v31 =	vshll.u32 v63, $0x7;
	[tilespmem:v54+s21+$0x0] =	vst.idx.msk $0xffff, v39;
	v39 =	vor.u32 v12, v35;
	v40 =	vor.u32 v11, v23  }
0x162: {  	v63 =	vor.u32 v12, v34;
	v43 =	vor.u32 v0, v31;
	v62 =	vld.idx.msk [tilespmem:v55+s18+$0x0], $0xffff;
	[tilespmem:v56+s21+$0x0] =	vst.idx.msk $0xffff, v61  }
0x163: {  	[tilespmem:v57+s21+$0x0] =	vst.idx.msk $0xffff, v38;
	v57 =	vor.u32 v2, v32;
	v37 =	vmul.f32 $8.000000000e+00, v37;
	v58 =	vld.idx.msk [tilespmem:v58+s18+$0x0], $0xffff  }
0x164: {  	s28 =	simm.s32 $0x6;
	v53 =	vor.u32 v7, v25;
	v54 =	vor.u32 v8, v28;
	v59 =	vmul.f32 $8.000000000e+00, v59  }
0x165: {  	v19 =	vadd.s32 s28, v0;
	v55 =	vor.u32 v7, v26;
	v52 =	vld.idx.msk [tilespmem:v60+s18+$0x0], $0xffff;
	v60 =	vmul.f32 $8.000000000e+00, v48;
	[tilespmem:v49+s21+$0x0] =	vst.idx.msk $0xffff, v37  }
0x166: {  	v51 =	vand.u32 $0x7, v19;
	v34 =	vor.u32 v14, v34;
	v56 =	vand.u32 $0xF, v19;
	[tilespmem:v40+s21+$0x0] =	vst.idx.msk $0xffff, v59;
	v45 =	vld.idx.msk [tilespmem:v39+s18+$0x0], $0xffff  }
0x167: {  	v38 =	vor.u32 v13, v23;
	v36 =	vor.u32 $0x20, v56;
	[tilespmem:v43+s21+$0x0] =	vst.idx.msk $0xffff, v60;
	v62 =	vmul.f32 $8.000000000e+00, v62;
	v39 =	vld.idx.msk [tilespmem:v63+s18+$0x0], $0xffff  }
0x168: {  	v48 =	vor.u32 v4, v29;
	v61 =	vand.u32 $0x28, v36;
	v47 =	vld.idx.msk [tilespmem:v57+s18+$0x0], $0xffff;
	v63 =	vmul.f32 $8.000000000e+00, v58  }
0x169: {  	v37 =	vor.u32 v9, v25;
	v33 =	vor.u32 v51, v61;
	[tilespmem:v53+s21+$0x0] =	vst.idx.msk $0xffff, v62  }
0x16a: {  	s25 =	simm.s32 $0x8;
	s26 =	simm.s32 $0x7;
	v49 =	vor.u32 v3, v31;
	v50 =	vmul.f32 $8.000000000e+00, v52;
	v43 =	vld.idx.msk [tilespmem:v54+s18+$0x0], $0xffff;
	[tilespmem:v55+s21+$0x0] =	vst.idx.msk $0xffff, v63  }
.LBB2_7:
0x16b: {  	p0 =	slt.u32 s25, $0xE;
	v35 =	vadd.s32 s26, v0;
	v40 =	vor.u32 v4, v32;
	v44 =	vld.idx.msk [tilespmem:v44+s18+$0x0], $0xffff;
	v45 =	vmul.f32 $8.000000000e+00, v45;
	v51 =	vmovc v27;
	v27 =	vmovc v32  }
0x16c: {  	v52 =	vor.u32 v1, v33;
	v39 =	vmul.f32 $8.000000000e+00, v39;
	v53 =	vmovc v28;
	v32 =	vand.u32 $0xF, v35;
	[tilespmem:v46+s21+$0x0] =	vst.idx.msk $0xffff, v50  }
0x16d: {  	v50 =	vmul.f32 $8.000000000e+00, v47;
	v47 =	vor.u32 v10, v53;
	v46 =	vor.u32 $0x20, v32;
	v48 =	vld.idx.msk [tilespmem:v48+s18+$0x0], $0xffff;
	[tilespmem:v42+s21+$0x0] =	vst.idx.msk $0xffff, v45  }
0x16e: {  	v35 =	vand.u32 $0x7, v35;
	v42 =	vor.u32 v9, v26;
	v32 =	vand.u32 $0x28, v46;
	v41 =	vld.idx.msk [tilespmem:v41+s18+$0x0], $0xffff;
	[tilespmem:v38+s21+$0x0] =	vst.idx.msk $0xffff, v39  }
0x16f: {  	v32 =	vor.u32 v35, v32;
	[tilespmem:v49+s21+$0x0] =	vst.idx.msk $0xffff, v50;
	v35 =	vor.u32 v10, v51;
	v34 =	vld.idx.msk [tilespmem:v34+s18+$0x0], $0xffff  }
0x170: {  	v28 =	vmovc v29;
	v39 =	vor.u32 v5, v30;
	v43 =	vmul.f32 $8.000000000e+00, v43;
	v38 =	vor.u32 v1, v32;
	v40 =	vld.idx.msk [tilespmem:v40+s18+$0x0], $0xffff  }
0x171: {  	v29 =	vmovc v33;
	v49 =	vor.u32 v15, v24;
	v24 =	vmovc v25;
	v25 =	vmov v30;
	v44 =	vmul.f32 $8.000000000e+00, v44;
	v45 =	vld.idx.msk [tilespmem:v52+s18+$0x0], $0xffff  }
0x172: {  	v33 =	vor.u32 v6, v28;
	[tilespmem:v37+s21+$0x0] =	vst.idx.msk $0xffff, v43;
	v37 =	vor.u32 v15, v23;
	v23 =	vmov v26  }
0x173: {  	v30 =	vshll.u32 v36, $0x7;
	v36 =	vmul.f32 $8.000000000e+00, v48;
	v43 =	vor.u32 v5, v31;
	v47 =	vld.idx.msk [tilespmem:v47+s18+$0x0], $0xffff;
	[tilespmem:v42+s21+$0x0] =	vst.idx.msk $0xffff, v44  }
0x174: {  	v26 =	vmovc v31;
	v42 =	vor.u32 v0, v30;
	v44 =	vor.u32 v6, v27;
	v41 =	vmul.f32 $8.000000000e+00, v41;
	v35 =	vld.idx.msk [tilespmem:v35+s18+$0x0], $0xffff  }
0x175: {  	v50 =	vor.u32 v2, v29;
	v48 =	vadd.s32 s25, v0;
	v34 =	vmul.f32 $8.000000000e+00, v34;
	v38 =	vld.idx.msk [tilespmem:v38+s18+$0x0], $0xffff;
	[tilespmem:v39+s21+$0x0] =	vst.idx.msk $0xffff, v36  }
0x176: {  	v36 =	vmul.f32 $8.000000000e+00, v40;
	v39 =	vor.u32 v11, v24;
	v40 =	vor.u32 v12, v53;
	[tilespmem:v49+s21+$0x0] =	vst.idx.msk $0xffff, v41  }
0x177: {  	v31 =	vshll.u32 v46, $0x7;
	v46 =	vor.u32 v11, v23;
	v41 =	vmul.f32 $8.000000000e+00, v45;
	[tilespmem:v37+s21+$0x0] =	vst.idx.msk $0xffff, v34  }
0x178: {  	v34 =	vor.u32 v0, v31;
	v37 =	vor.u32 v12, v51;
	v33 =	vld.idx.msk [tilespmem:v33+s18+$0x0], $0xffff;
	[tilespmem:v43+s21+$0x0] =	vst.idx.msk $0xffff, v36  }
0x179: {  	v36 =	vand.u32 $0xF, v48;
	[tilespmem:v42+s21+$0x0] =	vst.idx.msk $0xffff, v41;
	v41 =	vor.u32 v2, v32;
	v43 =	vld.idx.msk [tilespmem:v44+s18+$0x0], $0xffff;
	v42 =	vmul.f32 $8.000000000e+00, v47  }
0x17a: {  	v48 =	vand.u32 $0x7, v48;
	v36 =	vor.u32 $0x20, v36;
	v35 =	vmul.f32 $8.000000000e+00, v35;
	v49 =	vld.idx.msk [tilespmem:v50+s18+$0x0], $0xffff  }
0x17b: {  	v52 =	vor.u32 v7, v25;
	v50 =	vand.u32 $0x28, v36;
	v38 =	vmul.f32 $8.000000000e+00, v38;
	[tilespmem:v39+s21+$0x0] =	vst.idx.msk $0xffff, v42  }
0x17c: {  	v54 =	vor.u32 v8, v28;
	v55 =	vor.u32 v7, v26;
	v45 =	vld.idx.msk [tilespmem:v40+s18+$0x0], $0xffff;
	[tilespmem:v46+s21+$0x0] =	vst.idx.msk $0xffff, v35  }
.Ltmp2:
0x17d: {  	v44 =	vor.u32 v8, v27;
	v42 =	vor.u32 v13, v24;
	[tilespmem:v34+s21+$0x0] =	vst.idx.msk $0xffff, v38;
	v39 =	vld.idx.msk [tilespmem:v37+s18+$0x0], $0xffff;
	(pc) =	sbr.rel @p0 .LBB2_7-.Ltmp2, $4  }
0x17e: {  	v46 =	vor.u32 v3, v30;
	v34 =	vmul.f32 $8.000000000e+00, v33;
	v37 =	vor.u32 v9, v25;
	v47 =	vld.idx.msk [tilespmem:v41+s18+$0x0], $0xffff  }
0x17f: {  	v33 =	vor.u32 v48, v50;
	v48 =	vor.u32 v4, v29;
	v35 =	vmul.f32 $8.000000000e+00, v43  }
0x180: {  	v38 =	vor.u32 v13, v23;
	v41 =	vor.u32 v14, v53;
	v50 =	vmul.f32 $8.000000000e+00, v49;
	[tilespmem:v52+s21+$0x0] =	vst.idx.msk $0xffff, v34  }
0x181: {  	s26 =	sadd.s32 $0x1, s25;
	s25 =	sadd.s32 $0x2, s25;
	v49 =	vor.u32 v3, v31;
	v34 =	vor.u32 v14, v51;
	v43 =	vld.idx.msk [tilespmem:v54+s18+$0x0], $0xffff;
	[tilespmem:v55+s21+$0x0] =	vst.idx.msk $0xffff, v35  }
0x182: {  	v35 =	vadd.s32 s26, v0  }
0x183: {  	v40 =	vand.u32 $0xF, v35  }
0x184: {  	v51 =	vor.u32 $0x20, v40  }
0x185: {  	v35 =	vand.u32 $0x7, v35;
	v40 =	vand.u32 $0x28, v51  }
0x186: {  	v52 =	vor.u32 v1, v33;
	v40 =	vor.u32 v35, v40  }
0x187: {  	v35 =	vor.u32 v1, v40;
	_ =	sdelay $0x3  }
0x188: {  	v52 =	vld.idx.msk [tilespmem:v52+s18+$0x0], $0xffff  }
0x189: {  	v36 =	vshll.u32 v36, $0x7;
	v53 =	vld.idx.msk [tilespmem:v35+s18+$0x0], $0xffff  }
0x18a: {  	v54 =	vor.u32 v0, v36;
	v35 =	vshll.u32 v51, $0x7  }
0x18b: {  	v63 =	vor.u32 v2, v33;
	v55 =	vor.u32 v0, v35  }
0x18c: {  	v56 =	vor.u32 v2, v40  }
0x18d: {  	v52 =	vmul.f32 $8.000000000e+00, v52  }
0x18e: {  	v53 =	vmul.f32 $8.000000000e+00, v53  }
0x18f: {  	[tilespmem:v54+s21+$0x0] =	vst.idx.msk $0xffff, v52  }
0x190: {  	v51 =	vld.idx.msk [tilespmem:v63+s18+$0x0], $0xffff;
	[tilespmem:v55+s21+$0x0] =	vst.idx.msk $0xffff, v53  }
0x191: {  	v52 =	vld.idx.msk [tilespmem:v56+s18+$0x0], $0xffff  }
0x192: {  	v60 =	vor.u32 v4, v32;
	v61 =	vor.u32 v3, v36  }
0x193: {  	v62 =	vor.u32 v4, v33;
	v63 =	vor.u32 v3, v35  }
0x194: {  	v47 =	vmul.f32 $8.000000000e+00, v47;
	v57 =	vor.u32 v4, v40  }
0x195: {  	[tilespmem:v46+s21+$0x0] =	vst.idx.msk $0xffff, v50;
	v58 =	vmul.f32 $8.000000000e+00, v51  }
0x196: {  	v48 =	vld.idx.msk [tilespmem:v48+s18+$0x0], $0xffff;
	[tilespmem:v49+s21+$0x0] =	vst.idx.msk $0xffff, v47;
	v59 =	vmul.f32 $8.000000000e+00, v52  }
0x197: {  	v49 =	vld.idx.msk [tilespmem:v60+s18+$0x0], $0xffff;
	[tilespmem:v61+s21+$0x0] =	vst.idx.msk $0xffff, v58  }
0x198: {  	v46 =	vor.u32 v5, v30;
	v50 =	vld.idx.msk [tilespmem:v62+s18+$0x0], $0xffff;
	[tilespmem:v63+s21+$0x0] =	vst.idx.msk $0xffff, v59  }
0x199: {  	v47 =	vor.u32 v6, v29;
	v51 =	vor.u32 v5, v31;
	v60 =	vld.idx.msk [tilespmem:v57+s18+$0x0], $0xffff  }
0x19a: {  	v54 =	vor.u32 v5, v36;
	v53 =	vor.u32 v6, v32  }
0x19b: {  	v48 =	vmul.f32 $8.000000000e+00, v48;
	v61 =	vor.u32 v6, v33;
	v62 =	vor.u32 v5, v35  }
0x19c: {  	v49 =	vmul.f32 $8.000000000e+00, v49;
	v63 =	vor.u32 v6, v40  }
0x19d: {  	[tilespmem:v46+s21+$0x0] =	vst.idx.msk $0xffff, v48;
	v59 =	vmul.f32 $8.000000000e+00, v50  }
0x19e: {  	v47 =	vld.idx.msk [tilespmem:v47+s18+$0x0], $0xffff;
	[tilespmem:v51+s21+$0x0] =	vst.idx.msk $0xffff, v49;
	v60 =	vmul.f32 $8.000000000e+00, v60  }
0x19f: {  	v49 =	vld.idx.msk [tilespmem:v53+s18+$0x0], $0xffff;
	[tilespmem:v54+s21+$0x0] =	vst.idx.msk $0xffff, v59  }
0x1a0: {  	v46 =	vor.u32 v7, v30;
	v61 =	vld.idx.msk [tilespmem:v61+s18+$0x0], $0xffff;
	[tilespmem:v62+s21+$0x0] =	vst.idx.msk $0xffff, v60  }
0x1a1: {  	v48 =	vor.u32 v8, v29;
	v51 =	vor.u32 v7, v31;
	v62 =	vld.idx.msk [tilespmem:v63+s18+$0x0], $0xffff  }
0x1a2: {  	v45 =	vmul.f32 $8.000000000e+00, v45;
	v54 =	vor.u32 v7, v36;
	v63 =	vor.u32 v8, v32  }
0x1a3: {  	v47 =	vmul.f32 $8.000000000e+00, v47;
	v55 =	vor.u32 v8, v33;
	v56 =	vor.u32 v7, v35  }
0x1a4: {  	[tilespmem:v42+s21+$0x0] =	vst.idx.msk $0xffff, v45;
	v45 =	vor.u32 v8, v40;
	v60 =	vmul.f32 $8.000000000e+00, v49  }
0x1a5: {  	v44 =	vld.idx.msk [tilespmem:v44+s18+$0x0], $0xffff;
	[tilespmem:v46+s21+$0x0] =	vst.idx.msk $0xffff, v47;
	v61 =	vmul.f32 $8.000000000e+00, v61  }
0x1a6: {  	v39 =	vmul.f32 $8.000000000e+00, v39;
	v47 =	vld.idx.msk [tilespmem:v48+s18+$0x0], $0xffff;
	[tilespmem:v51+s21+$0x0] =	vst.idx.msk $0xffff, v60;
	v62 =	vmul.f32 $8.000000000e+00, v62  }
0x1a7: {  	v48 =	vor.u32 v10, v28;
	v49 =	vor.u32 v9, v26;
	[tilespmem:v54+s21+$0x0] =	vst.idx.msk $0xffff, v61;
	v63 =	vld.idx.msk [tilespmem:v63+s18+$0x0], $0xffff  }
0x1a8: {  	v46 =	vor.u32 v10, v27;
	v51 =	vor.u32 v9, v30;
	v57 =	vld.idx.msk [tilespmem:v55+s18+$0x0], $0xffff;
	[tilespmem:v56+s21+$0x0] =	vst.idx.msk $0xffff, v62  }
0x1a9: {  	v58 =	vmul.f32 $8.000000000e+00, v43;
	v59 =	vor.u32 v10, v29;
	v60 =	vor.u32 v9, v31;
	v45 =	vld.idx.msk [tilespmem:v45+s18+$0x0], $0xffff  }
0x1aa: {  	[tilespmem:v38+s21+$0x0] =	vst.idx.msk $0xffff, v39;
	v44 =	vmul.f32 $8.000000000e+00, v44;
	v61 =	vor.u32 v10, v32;
	v55 =	vor.u32 v9, v36  }
0x1ab: {  	v42 =	vor.u32 v10, v33;
	[tilespmem:v37+s21+$0x0] =	vst.idx.msk $0xffff, v58;
	v62 =	vmul.f32 $8.000000000e+00, v47;
	v47 =	vor.u32 v9, v35  }
0x1ac: {  	[tilespmem:v49+s21+$0x0] =	vst.idx.msk $0xffff, v44;
	v44 =	vld.idx.msk [tilespmem:v48+s18+$0x0], $0xffff;
	v49 =	vor.u32 v10, v40;
	v63 =	vmul.f32 $8.000000000e+00, v63  }
0x1ad: {  	v56 =	vld.idx.msk [tilespmem:v46+s18+$0x0], $0xffff;
	v57 =	vmul.f32 $8.000000000e+00, v57;
	[tilespmem:v51+s21+$0x0] =	vst.idx.msk $0xffff, v62  }
0x1ae: {  	v58 =	vor.u32 v11, v25;
	v43 =	vld.idx.msk [tilespmem:v59+s18+$0x0], $0xffff;
	[tilespmem:v60+s21+$0x0] =	vst.idx.msk $0xffff, v63;
	v45 =	vmul.f32 $8.000000000e+00, v45  }
0x1af: {  	v59 =	vor.u32 v12, v28;
	[tilespmem:v55+s21+$0x0] =	vst.idx.msk $0xffff, v57;
	v60 =	vor.u32 v11, v26;
	v61 =	vld.idx.msk [tilespmem:v61+s18+$0x0], $0xffff  }
0x1b0: {  	v46 =	vor.u32 v12, v27;
	v62 =	vor.u32 v11, v30;
	v42 =	vld.idx.msk [tilespmem:v42+s18+$0x0], $0xffff;
	[tilespmem:v47+s21+$0x0] =	vst.idx.msk $0xffff, v45  }
0x1b1: {  	v54 =	vor.u32 v11, v31;
	v44 =	vmul.f32 $8.000000000e+00, v44;
	v63 =	vor.u32 v12, v29;
	v49 =	vld.idx.msk [tilespmem:v49+s18+$0x0], $0xffff  }
0x1b2: {  	v41 =	vld.idx.msk [tilespmem:v41+s18+$0x0], $0xffff;
	v55 =	vor.u32 v12, v32;
	v37 =	vmul.f32 $8.000000000e+00, v56;
	v56 =	vor.u32 v11, v36  }
0x1b3: {  	v57 =	vor.u32 v12, v33;
	[tilespmem:v58+s21+$0x0] =	vst.idx.msk $0xffff, v44;
	v58 =	vor.u32 v11, v35;
	v43 =	vmul.f32 $8.000000000e+00, v43  }
0x1b4: {  	v59 =	vld.idx.msk [tilespmem:v59+s18+$0x0], $0xffff;
	[tilespmem:v60+s21+$0x0] =	vst.idx.msk $0xffff, v37;
	v60 =	vmul.f32 $8.000000000e+00, v61;
	v61 =	vor.u32 v12, v40  }
0x1b5: {  	v24 =	vor.u32 v15, v24;
	v42 =	vmul.f32 $8.000000000e+00, v42;
	[tilespmem:v62+s21+$0x0] =	vst.idx.msk $0xffff, v43;
	v46 =	vld.idx.msk [tilespmem:v46+s18+$0x0], $0xffff  }
0x1b6: {  	v62 =	vor.u32 v13, v25;
	v45 =	vld.idx.msk [tilespmem:v63+s18+$0x0], $0xffff;
	[tilespmem:v54+s21+$0x0] =	vst.idx.msk $0xffff, v60;
	v63 =	vmul.f32 $8.000000000e+00, v49  }
0x1b7: {  	v52 =	vor.u32 v13, v26;
	v28 =	vor.u32 v14, v28;
	[tilespmem:v56+s21+$0x0] =	vst.idx.msk $0xffff, v42;
	v38 =	vld.idx.msk [tilespmem:v55+s18+$0x0], $0xffff  }
0x1b8: {  	v53 =	vor.u32 v13, v30;
	v27 =	vor.u32 v14, v27;
	v42 =	vld.idx.msk [tilespmem:v57+s18+$0x0], $0xffff;
	[tilespmem:v58+s21+$0x0] =	vst.idx.msk $0xffff, v63  }
0x1b9: {  	v29 =	vor.u32 v14, v29;
	v37 =	vmul.f32 $8.000000000e+00, v59;
	v54 =	vor.u32 v13, v31;
	v47 =	vld.idx.msk [tilespmem:v61+s18+$0x0], $0xffff  }
0x1ba: {  	v34 =	vld.idx.msk [tilespmem:v34+s18+$0x0], $0xffff;
	v56 =	vor.u32 v13, v36;
	v55 =	vor.u32 v14, v32;
	v46 =	vmul.f32 $8.000000000e+00, v46  }
0x1bb: {  	v59 =	vor.u32 v13, v35;
	[tilespmem:v62+s21+$0x0] =	vst.idx.msk $0xffff, v37;
	v57 =	vmul.f32 $8.000000000e+00, v45;
	v58 =	vor.u32 v14, v33  }
0x1bc: {  	v40 =	vor.u32 v14, v40;
	v28 =	vld.idx.msk [tilespmem:v28+s18+$0x0], $0xffff;
	[tilespmem:v52+s21+$0x0] =	vst.idx.msk $0xffff, v46;
	v38 =	vmul.f32 $8.000000000e+00, v38  }
0x1bd: {  	v23 =	vor.u32 v15, v23;
	v60 =	vmul.f32 $8.000000000e+00, v42;
	[tilespmem:v53+s21+$0x0] =	vst.idx.msk $0xffff, v57;
	v27 =	vld.idx.msk [tilespmem:v27+s18+$0x0], $0xffff  }
0x1be: {  	v25 =	vor.u32 v15, v25;
	v29 =	vld.idx.msk [tilespmem:v29+s18+$0x0], $0xffff;
	[tilespmem:v54+s21+$0x0] =	vst.idx.msk $0xffff, v38;
	v61 =	vmul.f32 $8.000000000e+00, v47  }
0x1bf: {  	v26 =	vor.u32 v15, v26;
	v62 =	vmul.f32 $8.000000000e+00, v41;
	[tilespmem:v56+s21+$0x0] =	vst.idx.msk $0xffff, v60;
	v32 =	vld.idx.msk [tilespmem:v55+s18+$0x0], $0xffff  }
0x1c0: {  	v34 =	vmul.f32 $8.000000000e+00, v34;
	v30 =	vor.u32 v15, v30;
	v33 =	vld.idx.msk [tilespmem:v58+s18+$0x0], $0xffff;
	[tilespmem:v59+s21+$0x0] =	vst.idx.msk $0xffff, v61  }
0x1c1: {  	v31 =	vor.u32 v15, v31;
	[tilespmem:v24+s21+$0x0] =	vst.idx.msk $0xffff, v62;
	v24 =	vmul.f32 $8.000000000e+00, v28;
	v63 =	vld.idx.msk [tilespmem:v40+s18+$0x0], $0xffff  }
0x1c2: {  	v39 =	vor.u32 $0x30, v17;
	[tilespmem:v23+s21+$0x0] =	vst.idx.msk $0xffff, v34;
	v23 =	vmul.f32 $8.000000000e+00, v27;
	v27 =	vor.u32 v15, v36  }
0x1c3: {  	v28 =	vand.u32 $0x3F, v39;
	[tilespmem:v25+s21+$0x0] =	vst.idx.msk $0xffff, v24;
	v24 =	vor.u32 v15, v35;
	v17 =	vmul.f32 $8.000000000e+00, v29  }
0x1c4: {  	v16 =	vor.u32 $0x30, v16;
	v25 =	vor.u32 v1, v28;
	[tilespmem:v26+s21+$0x0] =	vst.idx.msk $0xffff, v23;
	v23 =	vmul.f32 $8.000000000e+00, v32  }
0x1c5: {  	[tilespmem:v30+s21+$0x0] =	vst.idx.msk $0xffff, v17;
	v26 =	vmul.f32 $8.000000000e+00, v33;
	v17 =	vand.u32 $0x3F, v16  }
0x1c6: {  	v29 =	vor.u32 v1, v17;
	[tilespmem:v31+s21+$0x0] =	vst.idx.msk $0xffff, v23;
	v23 =	vmul.f32 $8.000000000e+00, v63  }
0x1c7: {  	[tilespmem:v27+s21+$0x0] =	vst.idx.msk $0xffff, v26  }
0x1c8: {  	[tilespmem:v24+s21+$0x0] =	vst.idx.msk $0xffff, v23  }
0x1c9: {  	v23 =	vld.idx.msk [tilespmem:v25+s18+$0x0], $0xffff  }
0x1ca: {  	v27 =	vshll.u32 v39, $0x7  }
0x1cb: {  	v24 =	vor.u32 v0, v27;
	v25 =	vld.idx.msk [tilespmem:v29+s18+$0x0], $0xffff  }
0x1cc: {  	v16 =	vshll.u32 v16, $0x7;
	v26 =	vor.u32 v2, v28  }
0x1cd: {  	v29 =	vor.u32 v0, v16  }
0x1ce: {  	v30 =	vor.u32 v2, v17;
	v23 =	vmul.f32 $8.000000000e+00, v23;
	_ =	sdelay $0x1  }
0x1cf: {  	[tilespmem:v24+s21+$0x0] =	vst.idx.msk $0xffff, v23;
	v23 =	vmul.f32 $8.000000000e+00, v25  }
0x1d0: {  	v24 =	vld.idx.msk [tilespmem:v26+s18+$0x0], $0xffff  }
0x1d1: {  	[tilespmem:v29+s21+$0x0] =	vst.idx.msk $0xffff, v23  }
0x1d2: {  	v18 =	vor.u32 $0x30, v18;
	v25 =	vor.u32 v3, v27;
	v26 =	vld.idx.msk [tilespmem:v30+s18+$0x0], $0xffff  }
0x1d3: {  	v23 =	vand.u32 $0x3F, v18;
	v29 =	vor.u32 v4, v28  }
0x1d4: {  	v31 =	vor.u32 v3, v16;
	v30 =	vor.u32 v1, v23  }
0x1d5: {  	v40 =	vor.u32 v4, v17;
	v24 =	vmul.f32 $8.000000000e+00, v24  }
0x1d6: {  	v41 =	vor.u32 $0x30, v20  }
0x1d7: {  	v20 =	vand.u32 $0x3F, v41;
	[tilespmem:v25+s21+$0x0] =	vst.idx.msk $0xffff, v24;
	v24 =	vmul.f32 $8.000000000e+00, v26  }
0x1d8: {  	v25 =	vor.u32 v1, v20;
	v26 =	vld.idx.msk [tilespmem:v29+s18+$0x0], $0xffff  }
0x1d9: {  	v29 =	vld.idx.msk [tilespmem:v30+s18+$0x0], $0xffff;
	[tilespmem:v31+s21+$0x0] =	vst.idx.msk $0xffff, v24  }
0x1da: {  	v24 =	vshll.u32 v18, $0x7;
	v31 =	vor.u32 v5, v27;
	v30 =	vld.idx.msk [tilespmem:v40+s18+$0x0], $0xffff  }
0x1db: {  	v42 =	vor.u32 v6, v28;
	v43 =	vor.u32 v0, v24  }
0x1dc: {  	v45 =	vor.u32 v5, v16;
	v44 =	vor.u32 v2, v23  }
0x1dd: {  	v46 =	vor.u32 v6, v17;
	v25 =	vld.idx.msk [tilespmem:v25+s18+$0x0], $0xffff;
	v26 =	vmul.f32 $8.000000000e+00, v26  }
0x1de: {  	v18 =	vshll.u32 v41, $0x7;
	v29 =	vmul.f32 $8.000000000e+00, v29  }
0x1df: {  	v33 =	vor.u32 v0, v18;
	[tilespmem:v31+s21+$0x0] =	vst.idx.msk $0xffff, v26;
	v26 =	vmul.f32 $8.000000000e+00, v30  }
0x1e0: {  	[tilespmem:v43+s21+$0x0] =	vst.idx.msk $0xffff, v29;
	v29 =	vor.u32 v2, v20;
	v30 =	vld.idx.msk [tilespmem:v42+s18+$0x0], $0xffff  }
0x1e1: {  	v31 =	vld.idx.msk [tilespmem:v44+s18+$0x0], $0xffff;
	[tilespmem:v45+s21+$0x0] =	vst.idx.msk $0xffff, v26  }
0x1e2: {  	v47 =	vor.u32 v7, v27;
	v25 =	vmul.f32 $8.000000000e+00, v25;
	v26 =	vld.idx.msk [tilespmem:v46+s18+$0x0], $0xffff  }
0x1e3: {  	v48 =	vor.u32 v3, v24  }
0x1e4: {  	v49 =	vor.u32 v8, v28;
	v50 =	vor.u32 v7, v16;
	[tilespmem:v33+s21+$0x0] =	vst.idx.msk $0xffff, v25  }
0x1e5: {  	v21 =	vor.u32 $0x30, v21;
	v51 =	vor.u32 v8, v17;
	v29 =	vld.idx.msk [tilespmem:v29+s18+$0x0], $0xffff;
	v30 =	vmul.f32 $8.000000000e+00, v30  }
0x1e6: {  	v52 =	vor.u32 v4, v23;
	v25 =	vand.u32 $0x3F, v21;
	v31 =	vmul.f32 $8.000000000e+00, v31  }
0x1e7: {  	v54 =	vor.u32 v3, v18;
	v53 =	vor.u32 v1, v25;
	[tilespmem:v47+s21+$0x0] =	vst.idx.msk $0xffff, v30;
	v30 =	vmul.f32 $8.000000000e+00, v26  }
0x1e8: {  	[tilespmem:v48+s21+$0x0] =	vst.idx.msk $0xffff, v31;
	v31 =	vor.u32 v4, v20  }
0x1e9: {  	v22 =	vor.u32 $0x30, v22;
	v32 =	vld.idx.msk [tilespmem:v49+s18+$0x0], $0xffff;
	[tilespmem:v50+s21+$0x0] =	vst.idx.msk $0xffff, v30  }
0x1ea: {  	v26 =	vand.u32 $0x3F, v22;
	v29 =	vmul.f32 $8.000000000e+00, v29;
	v33 =	vld.idx.msk [tilespmem:v51+s18+$0x0], $0xffff  }
0x1eb: {  	v34 =	vor.u32 v8, v20;
	v55 =	vor.u32 v9, v27;
	v56 =	vld.idx.msk [tilespmem:v52+s18+$0x0], $0xffff;
	v30 =	vor.u32 v1, v26  }
0x1ec: {  	v57 =	vor.u32 v10, v28;
	v58 =	vld.idx.msk [tilespmem:v53+s18+$0x0], $0xffff;
	[tilespmem:v54+s21+$0x0] =	vst.idx.msk $0xffff, v29;
	v29 =	vor.u32 v9, v16  }
0x1ed: {  	v60 =	vor.u32 v10, v17;
	v59 =	vor.u32 v5, v24;
	v21 =	vshll.u32 v21, $0x7;
	v31 =	vld.idx.msk [tilespmem:v31+s18+$0x0], $0xffff  }
0x1ee: {  	v61 =	vor.u32 v6, v23;
	v62 =	vor.u32 v0, v21;
	v32 =	vmul.f32 $8.000000000e+00, v32  }
0x1ef: {  	v63 =	vor.u32 v2, v25;
	v48 =	vor.u32 v5, v18;
	v49 =	vmul.f32 $8.000000000e+00, v33  }
0x1f0: {  	v51 =	vor.u32 v6, v20;
	v50 =	vmul.f32 $8.000000000e+00, v56;
	v30 =	vld.idx.msk [tilespmem:v30+s18+$0x0], $0xffff;
	[tilespmem:v55+s21+$0x0] =	vst.idx.msk $0xffff, v32  }
0x1f1: {  	v36 =	vor.u32 v8, v23;
	v22 =	vshll.u32 v22, $0x7;
	v53 =	vmul.f32 $8.000000000e+00, v58;
	v52 =	vld.idx.msk [tilespmem:v57+s18+$0x0], $0xffff;
	[tilespmem:v29+s21+$0x0] =	vst.idx.msk $0xffff, v49  }
0x1f2: {  	v54 =	vor.u32 v0, v22;
	[tilespmem:v59+s21+$0x0] =	vst.idx.msk $0xffff, v50;
	v29 =	vmul.f32 $8.000000000e+00, v31;
	v31 =	vld.idx.msk [tilespmem:v60+s18+$0x0], $0xffff  }
0x1f3: {  	v56 =	vor.u32 v2, v26;
	v55 =	vor.u32 v11, v27;
	[tilespmem:v62+s21+$0x0] =	vst.idx.msk $0xffff, v53;
	v33 =	vld.idx.msk [tilespmem:v61+s18+$0x0], $0xffff  }
0x1f4: {  	v58 =	vor.u32 v11, v16;
	v57 =	vor.u32 v12, v28;
	v41 =	vld.idx.msk [tilespmem:v63+s18+$0x0], $0xffff;
	[tilespmem:v48+s21+$0x0] =	vst.idx.msk $0xffff, v29  }
0x1f5: {  	v62 =	vor.u32 v12, v17;
	v60 =	vor.u32 v7, v24;
	v30 =	vmul.f32 $8.000000000e+00, v30;
	v59 =	vld.idx.msk [tilespmem:v51+s18+$0x0], $0xffff  }
0x1f6: {  	v35 =	vor.u32 v7, v18;
	v39 =	vor.u32 v3, v21;
	v61 =	vmul.f32 $8.000000000e+00, v52  }
0x1f7: {  	v42 =	vor.u32 v3, v22;
	v29 =	vor.u32 $0x30, v19;
	[tilespmem:v54+s21+$0x0] =	vst.idx.msk $0xffff, v30;
	v31 =	vmul.f32 $8.000000000e+00, v31  }
0x1f8: {  	v19 =	vand.u32 $0x3F, v29;
	v63 =	vmul.f32 $8.000000000e+00, v33;
	v33 =	vor.u32 v13, v27;
	v38 =	vld.idx.msk [tilespmem:v56+s18+$0x0], $0xffff;
	[tilespmem:v55+s21+$0x0] =	vst.idx.msk $0xffff, v61  }
0x1f9: {  	s25 =	simm.s32 $0x7;
	v30 =	vor.u32 v1, v19;
	v43 =	vmul.f32 $8.000000000e+00, v41;
	v37 =	vld.idx.msk [tilespmem:v57+s18+$0x0], $0xffff;
	[tilespmem:v58+s21+$0x0] =	vst.idx.msk $0xffff, v31  }
0x1fa: {  	v41 =	vor.u32 v4, v25;
	[tilespmem:v60+s21+$0x0] =	vst.idx.msk $0xffff, v63;
	v31 =	vadd.s32 s25, v0;
	s25 =	simm.s32 $0x8;
	v40 =	vmul.f32 $8.000000000e+00, v59;
	v32 =	vld.idx.msk [tilespmem:v62+s18+$0x0], $0xffff  }
.LBB2_9:
0x1fb: {  	[tilespmem:v39+s21+$0x0] =	vst.idx.msk $0xffff, v43  }
0x1fc: {  	p0 =	slt.u32 s25, $0xE;
	v31 =	vor.u32 $0x30, v31;
	v39 =	vor.u32 v4, v26;
	v36 =	vld.idx.msk [tilespmem:v36+s18+$0x0], $0xffff;
	v43 =	vmovc v23;
	v23 =	vmovc v25;
	v25 =	vmov v19  }
0x1fd: {  	v28 =	vor.u32 v14, v28;
	v19 =	vand.u32 $0x3F, v31;
	[tilespmem:v35+s21+$0x0] =	vst.idx.msk $0xffff, v40;
	v35 =	vor.u32 v15, v27  }
0x1fe: {  	v44 =	vor.u32 v13, v16;
	v38 =	vmul.f32 $8.000000000e+00, v38;
	v27 =	vmovc v24;
	v40 =	vor.u32 v1, v19;
	v34 =	vld.idx.msk [tilespmem:v34+s18+$0x0], $0xffff  }
0x1ff: {  	v45 =	vor.u32 v14, v17;
	v17 =	vmovc v20;
	v37 =	vmul.f32 $8.000000000e+00, v37;
	v24 =	vld.idx.msk [tilespmem:v41+s18+$0x0], $0xffff;
	v41 =	vor.u32 v9, v27  }
0x200: {  	v46 =	vor.u32 v6, v23;
	v30 =	vld.idx.msk [tilespmem:v30+s18+$0x0], $0xffff;
	[tilespmem:v42+s21+$0x0] =	vst.idx.msk $0xffff, v38;
	v38 =	vor.u32 v10, v43  }
0x201: {  	v29 =	vshll.u32 v29, $0x7;
	v42 =	vor.u32 v9, v18;
	v32 =	vmul.f32 $8.000000000e+00, v32;
	v39 =	vld.idx.msk [tilespmem:v39+s18+$0x0], $0xffff;
	[tilespmem:v33+s21+$0x0] =	vst.idx.msk $0xffff, v37  }
0x202: {  	v20 =	vmovc v26;
	v33 =	vor.u32 v5, v21;
	v36 =	vmul.f32 $8.000000000e+00, v36;
	v37 =	vor.u32 v10, v17;
	v28 =	vld.idx.msk [tilespmem:v28+s18+$0x0], $0xffff  }
0x203: {  	v47 =	vor.u32 v0, v29;
	v48 =	vor.u32 v2, v25;
	v40 =	vld.idx.msk [tilespmem:v40+s18+$0x0], $0xffff;
	[tilespmem:v44+s21+$0x0] =	vst.idx.msk $0xffff, v32  }
0x204: {  	v26 =	vmov v19;
	v32 =	vor.u32 v5, v22;
	v34 =	vmul.f32 $8.000000000e+00, v34;
	[tilespmem:v41+s21+$0x0] =	vst.idx.msk $0xffff, v36;
	v36 =	vld.idx.msk [tilespmem:v45+s18+$0x0], $0xffff  }
0x205: {  	v19 =	vshll.u32 v31, $0x7;
	v31 =	vmul.f32 $8.000000000e+00, v24;
	v41 =	vor.u32 v6, v20;
	v24 =	vmovc v21;
	v21 =	vmovc v29;
	v38 =	vld.idx.msk [tilespmem:v38+s18+$0x0], $0xffff  }
0x206: {  	v44 =	vor.u32 v11, v27;
	v29 =	vmul.f32 $8.000000000e+00, v30;
	v30 =	vor.u32 v0, v19;
	[tilespmem:v42+s21+$0x0] =	vst.idx.msk $0xffff, v34  }
0x207: {  	v34 =	vor.u32 v15, v16;
	v16 =	vmov v18;
	[tilespmem:v33+s21+$0x0] =	vst.idx.msk $0xffff, v31;
	v31 =	vmul.f32 $8.000000000e+00, v39;
	v33 =	vld.idx.msk [tilespmem:v37+s18+$0x0], $0xffff  }
0x208: {  	v18 =	vmov v22;
	v37 =	vor.u32 v2, v26;
	v28 =	vmul.f32 $8.000000000e+00, v28;
	[tilespmem:v47+s21+$0x0] =	vst.idx.msk $0xffff, v29;
	v42 =	vld.idx.msk [tilespmem:v46+s18+$0x0], $0xffff  }
0x209: {  	v22 =	vmov v19;
	v29 =	vmul.f32 $8.000000000e+00, v40;
	v45 =	vld.idx.msk [tilespmem:v48+s18+$0x0], $0xffff;
	[tilespmem:v32+s21+$0x0] =	vst.idx.msk $0xffff, v31;
	v31 =	vor.u32 v12, v43  }
0x20a: {  	v19 =	vadd.s32 s25, v0;
	v40 =	vor.u32 v11, v16;
	v32 =	vld.idx.msk [tilespmem:v41+s18+$0x0], $0xffff;
	[tilespmem:v35+s21+$0x0] =	vst.idx.msk $0xffff, v28;
	v28 =	vmul.f32 $8.000000000e+00, v36  }
0x20b: {  	v46 =	vor.u32 v7, v24;
	v47 =	vor.u32 v12, v17;
	[tilespmem:v30+s21+$0x0] =	vst.idx.msk $0xffff, v29;
	v30 =	vmul.f32 $8.000000000e+00, v38  }
.Ltmp3:
0x20c: {  	v39 =	vor.u32 v3, v21;
	v36 =	vor.u32 v8, v23;
	v29 =	vor.u32 $0x30, v19;
	[tilespmem:v34+s21+$0x0] =	vst.idx.msk $0xffff, v28;
	(pc) =	sbr.rel @p0 .LBB2_9-.Ltmp3, $4  }
0x20d: {  	v35 =	vor.u32 v7, v18;
	v19 =	vand.u32 $0x3F, v29;
	v38 =	vld.idx.msk [tilespmem:v37+s18+$0x0], $0xffff;
	[tilespmem:v44+s21+$0x0] =	vst.idx.msk $0xffff, v30;
	v44 =	vmul.f32 $8.000000000e+00, v33  }
0x20e: {  	v34 =	vor.u32 v8, v20;
	v48 =	vmul.f32 $8.000000000e+00, v42;
	v33 =	vor.u32 v13, v27;
	v37 =	vld.idx.msk [tilespmem:v31+s18+$0x0], $0xffff;
	v28 =	vmovc v43  }
0x20f: {  	s26 =	sadd.s32 $0x1, s25;
	v41 =	vor.u32 v4, v25;
	v30 =	vor.u32 v1, v19;
	v43 =	vmul.f32 $8.000000000e+00, v45;
	[tilespmem:v40+s21+$0x0] =	vst.idx.msk $0xffff, v44  }
0x210: {  	s25 =	sadd.s32 $0x2, s25;
	v42 =	vor.u32 v3, v22;
	v31 =	vadd.s32 s26, v0;
	v40 =	vmul.f32 $8.000000000e+00, v32;
	[tilespmem:v46+s21+$0x0] =	vst.idx.msk $0xffff, v48;
	v32 =	vld.idx.msk [tilespmem:v47+s18+$0x0], $0xffff  }
0x211: {  	v44 =	vor.u32 $0x30, v31  }
0x212: {  	v31 =	vand.u32 $0x3F, v44  }
0x213: {  	v45 =	vor.u32 v1, v31;
	_ =	sdelay $0x3  }
0x214: {  	v46 =	vld.idx.msk [tilespmem:v30+s18+$0x0], $0xffff  }
0x215: {  	v29 =	vshll.u32 v29, $0x7;
	v45 =	vld.idx.msk [tilespmem:v45+s18+$0x0], $0xffff  }
0x216: {  	v47 =	vor.u32 v0, v29;
	v30 =	vshll.u32 v44, $0x7  }
0x217: {  	v56 =	vor.u32 v2, v19;
	v48 =	vor.u32 v0, v30  }
0x218: {  	v49 =	vor.u32 v2, v31  }
0x219: {  	v46 =	vmul.f32 $8.000000000e+00, v46  }
0x21a: {  	v45 =	vmul.f32 $8.000000000e+00, v45  }
0x21b: {  	[tilespmem:v47+s21+$0x0] =	vst.idx.msk $0xffff, v46  }
0x21c: {  	v44 =	vld.idx.msk [tilespmem:v56+s18+$0x0], $0xffff;
	[tilespmem:v48+s21+$0x0] =	vst.idx.msk $0xffff, v45  }
0x21d: {  	v45 =	vld.idx.msk [tilespmem:v49+s18+$0x0], $0xffff  }
0x21e: {  	v57 =	vor.u32 v4, v26;
	v58 =	vor.u32 v3, v29  }
0x21f: {  	v59 =	vor.u32 v4, v19;
	v60 =	vor.u32 v3, v30  }
0x220: {  	v38 =	vmul.f32 $8.000000000e+00, v38;
	v50 =	vor.u32 v4, v31  }
0x221: {  	[tilespmem:v39+s21+$0x0] =	vst.idx.msk $0xffff, v43;
	v61 =	vmul.f32 $8.000000000e+00, v44  }
0x222: {  	v41 =	vld.idx.msk [tilespmem:v41+s18+$0x0], $0xffff;
	[tilespmem:v42+s21+$0x0] =	vst.idx.msk $0xffff, v38;
	v62 =	vmul.f32 $8.000000000e+00, v45  }
0x223: {  	v42 =	vld.idx.msk [tilespmem:v57+s18+$0x0], $0xffff;
	[tilespmem:v58+s21+$0x0] =	vst.idx.msk $0xffff, v61  }
0x224: {  	v63 =	vor.u32 v5, v21;
	v52 =	vld.idx.msk [tilespmem:v59+s18+$0x0], $0xffff;
	[tilespmem:v60+s21+$0x0] =	vst.idx.msk $0xffff, v62  }
0x225: {  	v53 =	vor.u32 v6, v25;
	v54 =	vor.u32 v5, v22;
	v55 =	vld.idx.msk [tilespmem:v50+s18+$0x0], $0xffff  }
0x226: {  	v57 =	vor.u32 v5, v29;
	v56 =	vor.u32 v6, v26  }
0x227: {  	v41 =	vmul.f32 $8.000000000e+00, v41;
	v58 =	vor.u32 v6, v19;
	v59 =	vor.u32 v5, v30  }
0x228: {  	v42 =	vmul.f32 $8.000000000e+00, v42;
	v60 =	vor.u32 v6, v31  }
0x229: {  	[tilespmem:v63+s21+$0x0] =	vst.idx.msk $0xffff, v41;
	v61 =	vmul.f32 $8.000000000e+00, v52  }
0x22a: {  	v38 =	vld.idx.msk [tilespmem:v53+s18+$0x0], $0xffff;
	[tilespmem:v54+s21+$0x0] =	vst.idx.msk $0xffff, v42;
	v62 =	vmul.f32 $8.000000000e+00, v55  }
0x22b: {  	v42 =	vld.idx.msk [tilespmem:v56+s18+$0x0], $0xffff;
	[tilespmem:v57+s21+$0x0] =	vst.idx.msk $0xffff, v61  }
0x22c: {  	v63 =	vor.u32 v7, v21;
	v51 =	vld.idx.msk [tilespmem:v58+s18+$0x0], $0xffff;
	[tilespmem:v59+s21+$0x0] =	vst.idx.msk $0xffff, v62  }
0x22d: {  	v28 =	vor.u32 v14, v28;
	v53 =	vor.u32 v7, v22;
	v52 =	vor.u32 v8, v25;
	v54 =	vld.idx.msk [tilespmem:v60+s18+$0x0], $0xffff  }
0x22e: {  	v36 =	vld.idx.msk [tilespmem:v36+s18+$0x0], $0xffff;
	v37 =	vmul.f32 $8.000000000e+00, v37;
	v56 =	vor.u32 v7, v29;
	v55 =	vor.u32 v8, v26  }
0x22f: {  	[tilespmem:v35+s21+$0x0] =	vst.idx.msk $0xffff, v40;
	v57 =	vmul.f32 $8.000000000e+00, v38;
	v58 =	vor.u32 v8, v19;
	v59 =	vor.u32 v7, v30  }
0x230: {  	v27 =	vor.u32 v15, v27;
	[tilespmem:v33+s21+$0x0] =	vst.idx.msk $0xffff, v37;
	v61 =	vor.u32 v8, v31;
	v60 =	vmul.f32 $8.000000000e+00, v42  }
0x231: {  	v17 =	vor.u32 v14, v17;
	v34 =	vld.idx.msk [tilespmem:v34+s18+$0x0], $0xffff;
	[tilespmem:v63+s21+$0x0] =	vst.idx.msk $0xffff, v57;
	v62 =	vmul.f32 $8.000000000e+00, v51  }
0x232: {  	v63 =	vor.u32 v9, v24;
	v41 =	vld.idx.msk [tilespmem:v52+s18+$0x0], $0xffff;
	[tilespmem:v53+s21+$0x0] =	vst.idx.msk $0xffff, v60;
	v48 =	vmul.f32 $8.000000000e+00, v54  }
0x233: {  	v49 =	vor.u32 v10, v23;
	v50 =	vor.u32 v9, v18;
	[tilespmem:v56+s21+$0x0] =	vst.idx.msk $0xffff, v62;
	v44 =	vld.idx.msk [tilespmem:v55+s18+$0x0], $0xffff  }
0x234: {  	v52 =	vor.u32 v9, v21;
	v51 =	vor.u32 v10, v20;
	v38 =	vld.idx.msk [tilespmem:v58+s18+$0x0], $0xffff;
	[tilespmem:v59+s21+$0x0] =	vst.idx.msk $0xffff, v48  }
0x235: {  	v53 =	vmul.f32 $8.000000000e+00, v36;
	v55 =	vor.u32 v9, v22;
	v54 =	vor.u32 v10, v25;
	v37 =	vld.idx.msk [tilespmem:v61+s18+$0x0], $0xffff  }
0x236: {  	v34 =	vmul.f32 $8.000000000e+00, v34;
	v57 =	vor.u32 v9, v29;
	v56 =	vor.u32 v10, v26  }
0x237: {  	v58 =	vmul.f32 $8.000000000e+00, v41;
	v60 =	vor.u32 v9, v30;
	[tilespmem:v63+s21+$0x0] =	vst.idx.msk $0xffff, v53;
	v59 =	vor.u32 v10, v19  }
0x238: {  	[tilespmem:v50+s21+$0x0] =	vst.idx.msk $0xffff, v34;
	v62 =	vor.u32 v10, v31;
	v42 =	vld.idx.msk [tilespmem:v49+s18+$0x0], $0xffff;
	v61 =	vmul.f32 $8.000000000e+00, v44  }
0x239: {  	v63 =	vor.u32 v13, v16;
	v35 =	vld.idx.msk [tilespmem:v51+s18+$0x0], $0xffff;
	[tilespmem:v52+s21+$0x0] =	vst.idx.msk $0xffff, v58;
	v48 =	vmul.f32 $8.000000000e+00, v38  }
0x23a: {  	v32 =	vmul.f32 $8.000000000e+00, v32;
	v49 =	vor.u32 v11, v24;
	v36 =	vld.idx.msk [tilespmem:v54+s18+$0x0], $0xffff;
	[tilespmem:v55+s21+$0x0] =	vst.idx.msk $0xffff, v61;
	v50 =	vmul.f32 $8.000000000e+00, v37  }
0x23b: {  	v51 =	vor.u32 v12, v23;
	v52 =	vor.u32 v11, v18;
	[tilespmem:v57+s21+$0x0] =	vst.idx.msk $0xffff, v48;
	v53 =	vld.idx.msk [tilespmem:v56+s18+$0x0], $0xffff  }
0x23c: {  	v54 =	vor.u32 v12, v20;
	v55 =	vor.u32 v11, v21;
	v39 =	vld.idx.msk [tilespmem:v59+s18+$0x0], $0xffff;
	[tilespmem:v60+s21+$0x0] =	vst.idx.msk $0xffff, v50  }
0x23d: {  	v58 =	vor.u32 v11, v22;
	v57 =	vor.u32 v12, v25;
	v56 =	vmul.f32 $8.000000000e+00, v42;
	v43 =	vld.idx.msk [tilespmem:v62+s18+$0x0], $0xffff  }
0x23e: {  	[tilespmem:v63+s21+$0x0] =	vst.idx.msk $0xffff, v32;
	v61 =	vor.u32 v11, v29;
	v59 =	vmul.f32 $8.000000000e+00, v35;
	v60 =	vor.u32 v12, v26  }
0x23f: {  	v47 =	vor.u32 v11, v30;
	v63 =	vor.u32 v12, v19;
	[tilespmem:v49+s21+$0x0] =	vst.idx.msk $0xffff, v56;
	v62 =	vmul.f32 $8.000000000e+00, v36  }
0x240: {  	v49 =	vor.u32 v12, v31;
	v37 =	vld.idx.msk [tilespmem:v51+s18+$0x0], $0xffff;
	[tilespmem:v52+s21+$0x0] =	vst.idx.msk $0xffff, v59;
	v48 =	vmul.f32 $8.000000000e+00, v53  }
0x241: {  	v23 =	vor.u32 v14, v23;
	v33 =	vld.idx.msk [tilespmem:v54+s18+$0x0], $0xffff;
	v50 =	vmul.f32 $8.000000000e+00, v39;
	[tilespmem:v55+s21+$0x0] =	vst.idx.msk $0xffff, v62  }
0x242: {  	v51 =	vor.u32 v13, v24;
	[tilespmem:v58+s21+$0x0] =	vst.idx.msk $0xffff, v48;
	v41 =	vld.idx.msk [tilespmem:v57+s18+$0x0], $0xffff;
	v52 =	vmul.f32 $8.000000000e+00, v43  }
0x243: {  	v25 =	vor.u32 v14, v25;
	v53 =	vor.u32 v13, v18;
	[tilespmem:v61+s21+$0x0] =	vst.idx.msk $0xffff, v50;
	v35 =	vld.idx.msk [tilespmem:v60+s18+$0x0], $0xffff  }
0x244: {  	v20 =	vor.u32 v14, v20;
	v54 =	vor.u32 v13, v21;
	v36 =	vld.idx.msk [tilespmem:v63+s18+$0x0], $0xffff;
	[tilespmem:v47+s21+$0x0] =	vst.idx.msk $0xffff, v52  }
0x245: {  	v19 =	vor.u32 v14, v19;
	v56 =	vor.u32 v13, v22;
	v55 =	vmul.f32 $8.000000000e+00, v37;
	v38 =	vld.idx.msk [tilespmem:v49+s18+$0x0], $0xffff  }
0x246: {  	v28 =	vld.idx.msk [tilespmem:v28+s18+$0x0], $0xffff;
	v26 =	vor.u32 v14, v26;
	v57 =	vor.u32 v13, v29;
	v33 =	vmul.f32 $8.000000000e+00, v33  }
0x247: {  	v17 =	vld.idx.msk [tilespmem:v17+s18+$0x0], $0xffff;
	v59 =	vor.u32 v13, v30;
	[tilespmem:v51+s21+$0x0] =	vst.idx.msk $0xffff, v55;
	v58 =	vmul.f32 $8.000000000e+00, v41  }
0x248: {  	v31 =	vor.u32 v14, v31;
	v23 =	vld.idx.msk [tilespmem:v23+s18+$0x0], $0xffff;
	[tilespmem:v53+s21+$0x0] =	vst.idx.msk $0xffff, v33;
	v60 =	vmul.f32 $8.000000000e+00, v35  }
0x249: {  	v16 =	vor.u32 v15, v16;
	v20 =	vld.idx.msk [tilespmem:v20+s18+$0x0], $0xffff;
	v61 =	vmul.f32 $8.000000000e+00, v36;
	[tilespmem:v54+s21+$0x0] =	vst.idx.msk $0xffff, v58  }
0x24a: {  	v24 =	vor.u32 v15, v24;
	v25 =	vld.idx.msk [tilespmem:v25+s18+$0x0], $0xffff;
	[tilespmem:v56+s21+$0x0] =	vst.idx.msk $0xffff, v60;
	v62 =	vmul.f32 $8.000000000e+00, v38  }
0x24b: {  	v28 =	vmul.f32 $8.000000000e+00, v28;
	v18 =	vor.u32 v15, v18;
	[tilespmem:v57+s21+$0x0] =	vst.idx.msk $0xffff, v61;
	v26 =	vld.idx.msk [tilespmem:v26+s18+$0x0], $0xffff  }
0x24c: {  	v17 =	vmul.f32 $8.000000000e+00, v17;
	v21 =	vor.u32 v15, v21;
	v19 =	vld.idx.msk [tilespmem:v19+s18+$0x0], $0xffff;
	[tilespmem:v59+s21+$0x0] =	vst.idx.msk $0xffff, v62  }
0x24d: {  	[tilespmem:v27+s21+$0x0] =	vst.idx.msk $0xffff, v28;
	v22 =	vor.u32 v15, v22;
	v23 =	vmul.f32 $8.000000000e+00, v23;
	v27 =	vld.idx.msk [tilespmem:v31+s18+$0x0], $0xffff  }
0x24e: {  	[tilespmem:v16+s21+$0x0] =	vst.idx.msk $0xffff, v17;
	v17 =	vor.u32 v15, v29;
	v16 =	vmul.f32 $8.000000000e+00, v20  }
0x24f: {  	[tilespmem:v24+s21+$0x0] =	vst.idx.msk $0xffff, v23;
	v23 =	vor.u32 v15, v30;
	v20 =	vmul.f32 $8.000000000e+00, v25  }
0x250: {  	[tilespmem:v18+s21+$0x0] =	vst.idx.msk $0xffff, v16;
	v16 =	vmul.f32 $8.000000000e+00, v26  }
0x251: {  	s25 =	sshll.u32 s23, $0x13;
	v18 =	vmul.f32 $8.000000000e+00, v19;
	[tilespmem:v21+s21+$0x0] =	vst.idx.msk $0xffff, v20  }
0x252: {  	s25 =	sor.u32 s6, s25;
	[tilespmem:v22+s21+$0x0] =	vst.idx.msk $0xffff, v16;
	v16 =	vmul.f32 $8.000000000e+00, v27  }
0x253: {  	s25 =	sshrl.u32 s25, $0x3;
	[tilespmem:v17+s21+$0x0] =	vst.idx.msk $0xffff, v18  }
0x254: {  	s26 =	sadd.s32 s2, s25;
	[tilespmem:v23+s21+$0x0] =	vst.idx.msk $0xffff, v16  }
0x255: {  	[hbm4b:s26+s3] =	stream.linear.scatter [tilespmem:s21], [sflag:$0x2], $0x400, $0x38;
	[tilespmem:$0x9900] =	vst v63  }
0x256: {  	s28 =	simm.s32 $0x5D00;
	s26 =	sadd.s32 s25, s7  }
0x257: {  	[hbm4b:s26+s3] =	stream.linear.scatter [tilespmem:s28], [sflag:$0x2], $0x400, $0x38;
	[tilespmem:$0x9900] =	vst v63  }
0x258: {  	s26 =	sadd.s32 s25, s8;
	s28 =	simm.s32 $0x6100  }
0x259: {  	[hbm4b:s26+s3] =	stream.linear.scatter [tilespmem:s28], [sflag:$0x2], $0x400, $0x38;
	[tilespmem:$0x9900] =	vst v63  }
0x25a: {  	s26 =	sadd.s32 s25, s9;
	s28 =	simm.s32 $0x6500  }
0x25b: {  	[hbm4b:s26+s3] =	stream.linear.scatter [tilespmem:s28], [sflag:$0x2], $0x400, $0x38;
	[tilespmem:$0x9900] =	vst v63  }
0x25c: {  	s26 =	sadd.s32 s25, s10;
	s28 =	simm.s32 $0x6900  }
0x25d: {  	[hbm4b:s26+s3] =	stream.linear.scatter [tilespmem:s28], [sflag:$0x2], $0x400, $0x38;
	[tilespmem:$0x9900] =	vst v63  }
0x25e: {  	s26 =	sadd.s32 s25, s11;
	s28 =	simm.s32 $0x6D00  }
0x25f: {  	[hbm4b:s26+s3] =	stream.linear.scatter [tilespmem:s28], [sflag:$0x2], $0x400, $0x38;
	[tilespmem:$0x9900] =	vst v63  }
0x260: {  	s26 =	sadd.s32 s25, s12;
	s28 =	simm.s32 $0x7100  }
0x261: {  	[hbm4b:s26+s3] =	stream.linear.scatter [tilespmem:s28], [sflag:$0x2], $0x400, $0x38;
	[tilespmem:$0x9900] =	vst v63  }
0x262: {  	p0 =	seq.s32 s23, $0x18;
	s25 =	sadd.s32 s25, s13  }
0x263: {  	[hbm4b:s25+s3] =	stream.linear.scatter [tilespmem:s29], [sflag:$0x2], $0x400, $0x38;
	[tilespmem:$0x9900] =	vst v63  }
0x264: {  	s25 =	sshll.u32 @!p0 s23, $0x8  }
0x265: {  	s25 =	sand.u32 @!p0 $0x3FFFFF00, s25  }
0x266: {  	s26 =	simm.s32 @!p0 $0x80;
	s28 =	simm.s32 @!p0 $0x1900;
	s25 =	sadd.s32 @!p0 $0x100, s25  }
0x267: {  	[tilespmem:s28], [sflag:$0x1] =	stream.indirect.gather @!p0 [hbm4b:s4+s26], $0x40, s25, s26, $0xb8;
	[tilespmem:$0x9900] =	vst v63  }
0x268: {  	p1 =	seq.s32 @!p0 s23, $0x0;
	s28 =	simm.s32 $0x0  }
0x269: {  	p0 =	por p0, !p1;
	v19 =	vadd.s32 s28, v0  }
0x26a: {  	s26 =	simm.s32 $0x1;
	_ =	swait.ge @p0 [sflag:s22], $0x2000;
	v32 =	vand.u32 $0xF, v19  }
0x26b: {  	v16 =	vadd.s32 s26, v0;
	[sflag:s22] =	ssyncset.done @p0 $0x0;
	v17 =	vor.u32 v1, v32  }
0x26c: {  	v28 =	vand.u32 $0xF, v16;
	[sflag:s22] =	ssyncadd.s32 @p0 $0xFFFFE000  }
0x26d: {  	v18 =	vor.u32 v1, v28;
	_ =	swait.ge [sflag:s19], $0x2000  }
0x26e: {  	[sflag:s19] =	ssyncset.done $0x0  }
0x26f: {  	[sflag:s19] =	ssyncadd.s32 $0xFFFFE000  }
0x270: {  	v20 =	vshll.u32 v19, $0x7;
	v17 =	vld.idx.msk [tilespmem:v17+s20+$0x0], $0xffff  }
0x271: {  	v27 =	vand.u32 $0x780, v20  }
0x272: {  	v21 =	vshll.u32 v16, $0x7;
	v20 =	vor.u32 v0, v27;
	v18 =	vld.idx.msk [tilespmem:v18+s20+$0x0], $0xffff  }
0x273: {  	v22 =	vor.u32 v2, v32;
	v23 =	vand.u32 $0x780, v21  }
0x274: {  	v21 =	vor.u32 v0, v23  }
0x275: {  	v24 =	vor.u32 v2, v28;
	v17 =	vmul.f32 $8.000000000e+00, v17;
	_ =	sdelay $0x1  }
0x276: {  	[tilespmem:v20+s30+$0x0] =	vst.idx.msk $0xffff, v17;
	v17 =	vmul.f32 $8.000000000e+00, v18  }
0x277: {  	v18 =	vld.idx.msk [tilespmem:v22+s20+$0x0], $0xffff  }
0x278: {  	[tilespmem:v21+s30+$0x0] =	vst.idx.msk $0xffff, v17  }
0x279: {  	v20 =	vor.u32 v3, v27;
	v21 =	vld.idx.msk [tilespmem:v24+s20+$0x0], $0xffff  }
0x27a: {  	s28 =	simm.s32 $0x2  }
0x27b: {  	v25 =	vor.u32 v3, v23;
	v22 =	vor.u32 v4, v32;
	v17 =	vadd.s32 s28, v0  }
0x27c: {  	s26 =	simm.s32 $0x3;
	v30 =	vor.u32 v4, v28;
	v26 =	vand.u32 $0xF, v17;
	v29 =	vmul.f32 $8.000000000e+00, v18  }
0x27d: {  	v24 =	vor.u32 v1, v26;
	v18 =	vadd.s32 s26, v0  }
0x27e: {  	[tilespmem:v20+s30+$0x0] =	vst.idx.msk $0xffff, v29;
	v29 =	vand.u32 $0xF, v18;
	v20 =	vmul.f32 $8.000000000e+00, v21  }
0x27f: {  	v21 =	vor.u32 v1, v29  }
0x280: {  	v22 =	vld.idx.msk [tilespmem:v22+s20+$0x0], $0xffff;
	[tilespmem:v25+s30+$0x0] =	vst.idx.msk $0xffff, v20  }
0x281: {  	v20 =	vld.idx.msk [tilespmem:v30+s20+$0x0], $0xffff  }
0x282: {  	v31 =	vshll.u32 v17, $0x7;
	v63 =	vld.idx.msk [tilespmem:v24+s20+$0x0], $0xffff;
	v30 =	vor.u32 v5, v27  }
0x283: {  	v42 =	vor.u32 v5, v23;
	v24 =	vand.u32 $0x780, v31;
	v31 =	vor.u32 v6, v32  }
0x284: {  	v43 =	vor.u32 v6, v28;
	v40 =	vor.u32 v0, v24;
	v25 =	vshll.u32 v18, $0x7;
	v21 =	vld.idx.msk [tilespmem:v21+s20+$0x0], $0xffff  }
0x285: {  	v41 =	vor.u32 v2, v26;
	v25 =	vand.u32 $0x780, v25;
	v22 =	vmul.f32 $8.000000000e+00, v22  }
0x286: {  	v44 =	vor.u32 v0, v25;
	v20 =	vmul.f32 $8.000000000e+00, v20  }
0x287: {  	v33 =	vmul.f32 $8.000000000e+00, v63;
	[tilespmem:v30+s30+$0x0] =	vst.idx.msk $0xffff, v22;
	v22 =	vor.u32 v2, v29  }
0x288: {  	v30 =	vld.idx.msk [tilespmem:v31+s20+$0x0], $0xffff;
	[tilespmem:v42+s30+$0x0] =	vst.idx.msk $0xffff, v20  }
0x289: {  	[tilespmem:v40+s30+$0x0] =	vst.idx.msk $0xffff, v33;
	v20 =	vmul.f32 $8.000000000e+00, v21;
	v21 =	vld.idx.msk [tilespmem:v43+s20+$0x0], $0xffff  }
0x28a: {  	v45 =	vor.u32 v7, v27;
	v31 =	vld.idx.msk [tilespmem:v41+s20+$0x0], $0xffff  }
0x28b: {  	v47 =	vor.u32 v8, v32;
	v48 =	vor.u32 v7, v23;
	s28 =	simm.s32 $0x4;
	[tilespmem:v44+s30+$0x0] =	vst.idx.msk $0xffff, v20  }
0x28c: {  	v50 =	vor.u32 v8, v28;
	v46 =	vor.u32 v3, v24;
	v20 =	vadd.s32 s28, v0;
	v22 =	vld.idx.msk [tilespmem:v22+s20+$0x0], $0xffff  }
0x28d: {  	v51 =	vor.u32 v4, v26;
	v49 =	vmul.f32 $8.000000000e+00, v30;
	v30 =	vand.u32 $0xF, v20  }
0x28e: {  	s26 =	simm.s32 $0x5;
	v53 =	vor.u32 v3, v25;
	v52 =	vor.u32 v1, v30;
	v54 =	vmul.f32 $8.000000000e+00, v21  }
0x28f: {  	v55 =	vor.u32 v4, v29;
	v31 =	vmul.f32 $8.000000000e+00, v31;
	[tilespmem:v45+s30+$0x0] =	vst.idx.msk $0xffff, v49;
	v21 =	vadd.s32 s26, v0  }
0x290: {  	v35 =	vld.idx.msk [tilespmem:v47+s20+$0x0], $0xffff;
	v33 =	vand.u32 $0xF, v21;
	[tilespmem:v48+s30+$0x0] =	vst.idx.msk $0xffff, v54  }
0x291: {  	[tilespmem:v46+s30+$0x0] =	vst.idx.msk $0xffff, v31;
	v56 =	vor.u32 v1, v33;
	v22 =	vmul.f32 $8.000000000e+00, v22;
	v37 =	vld.idx.msk [tilespmem:v50+s20+$0x0], $0xffff  }
0x292: {  	v58 =	vor.u32 v10, v32;
	v57 =	vor.u32 v9, v27;
	v39 =	vld.idx.msk [tilespmem:v51+s20+$0x0], $0xffff  }
0x293: {  	v31 =	vshll.u32 v20, $0x7;
	v40 =	vld.idx.msk [tilespmem:v52+s20+$0x0], $0xffff;
	[tilespmem:v53+s30+$0x0] =	vst.idx.msk $0xffff, v22;
	v22 =	vor.u32 v9, v23  }
0x294: {  	v59 =	vor.u32 v5, v24;
	v63 =	vor.u32 v10, v28;
	v31 =	vand.u32 $0x780, v31;
	v41 =	vld.idx.msk [tilespmem:v55+s20+$0x0], $0xffff  }
0x295: {  	v54 =	vor.u32 v0, v31;
	v53 =	vor.u32 v6, v26;
	v62 =	vmul.f32 $8.000000000e+00, v35  }
0x296: {  	v52 =	vor.u32 v2, v30;
	v36 =	vld.idx.msk [tilespmem:v56+s20+$0x0], $0xffff;
	v56 =	vor.u32 v5, v25;
	v37 =	vmul.f32 $8.000000000e+00, v37  }
0x297: {  	v61 =	vor.u32 v6, v29;
	v55 =	vshll.u32 v21, $0x7;
	v60 =	vmul.f32 $8.000000000e+00, v39;
	[tilespmem:v57+s30+$0x0] =	vst.idx.msk $0xffff, v62  }
0x298: {  	v49 =	vor.u32 v11, v27;
	v34 =	vand.u32 $0x780, v55;
	v42 =	vld.idx.msk [tilespmem:v58+s20+$0x0], $0xffff;
	v40 =	vmul.f32 $8.000000000e+00, v40;
	[tilespmem:v22+s30+$0x0] =	vst.idx.msk $0xffff, v37  }
0x299: {  	v47 =	vor.u32 v0, v34;
	[tilespmem:v59+s30+$0x0] =	vst.idx.msk $0xffff, v60;
	v22 =	vmul.f32 $8.000000000e+00, v41;
	v37 =	vld.idx.msk [tilespmem:v63+s20+$0x0], $0xffff  }
0x29a: {  	v46 =	vor.u32 v4, v30;
	v62 =	vor.u32 v2, v33;
	[tilespmem:v54+s30+$0x0] =	vst.idx.msk $0xffff, v40;
	v63 =	vld.idx.msk [tilespmem:v53+s20+$0x0], $0xffff  }
0x29b: {  	v57 =	vor.u32 v12, v32;
	v60 =	vor.u32 v11, v23;
	v58 =	vld.idx.msk [tilespmem:v52+s20+$0x0], $0xffff;
	[tilespmem:v56+s30+$0x0] =	vst.idx.msk $0xffff, v22  }
0x29c: {  	v51 =	vor.u32 v7, v24;
	v59 =	vmul.f32 $8.000000000e+00, v36;
	v52 =	vor.u32 v12, v28;
	v39 =	vld.idx.msk [tilespmem:v61+s20+$0x0], $0xffff  }
0x29d: {  	v53 =	vor.u32 v3, v31;
	v54 =	vor.u32 v8, v26;
	v61 =	vmul.f32 $8.000000000e+00, v42  }
0x29e: {  	s28 =	simm.s32 $0x6;
	v48 =	vor.u32 v3, v34;
	v41 =	vor.u32 v8, v29;
	[tilespmem:v47+s30+$0x0] =	vst.idx.msk $0xffff, v59;
	v37 =	vmul.f32 $8.000000000e+00, v37  }
0x29f: {  	v22 =	vadd.s32 s28, v0;
	v42 =	vor.u32 v7, v25;
	v45 =	vld.idx.msk [tilespmem:v62+s20+$0x0], $0xffff;
	[tilespmem:v49+s30+$0x0] =	vst.idx.msk $0xffff, v61;
	v62 =	vmul.f32 $8.000000000e+00, v63  }
0x2a0: {  	v40 =	vor.u32 v13, v27;
	v35 =	vand.u32 $0xF, v22;
	v44 =	vld.idx.msk [tilespmem:v57+s20+$0x0], $0xffff;
	v63 =	vmul.f32 $8.000000000e+00, v58;
	[tilespmem:v60+s30+$0x0] =	vst.idx.msk $0xffff, v37  }
0x2a1: {  	s25 =	simm.s32 $0x7;
	v36 =	vor.u32 v1, v35;
	[tilespmem:v51+s30+$0x0] =	vst.idx.msk $0xffff, v62;
	v47 =	vmul.f32 $8.000000000e+00, v39;
	v39 =	vld.idx.msk [tilespmem:v52+s20+$0x0], $0xffff  }
0x2a2: {  	s23 =	sadd.s32 $0x1, s23;
	s26 =	simm.s32 $0x8;
	v50 =	vshll.u32 v22, $0x7;
	v49 =	vor.u32 v4, v33;
	v37 =	vadd.s32 s25, v0;
	[tilespmem:v53+s30+$0x0] =	vst.idx.msk $0xffff, v63;
	v43 =	vld.idx.msk [tilespmem:v54+s20+$0x0], $0xffff  }
.LBB2_11:
0x2a3: {  	v38 =	vand.u32 $0xF, v37;
	v51 =	vor.u32 v10, v26  }
0x2a4: {  	p0 =	slt.u32 s26, $0xE;
	[tilespmem:v42+s30+$0x0] =	vst.idx.msk $0xffff, v47;
	v42 =	vor.u32 v14, v32;
	v32 =	vmovc v26;
	v26 =	vmov v30;
	v30 =	vmov v35  }
0x2a5: {  	v45 =	vmul.f32 $8.000000000e+00, v45;
	v47 =	vor.u32 v13, v23;
	v35 =	vor.u32 v1, v38;
	v41 =	vld.idx.msk [tilespmem:v41+s20+$0x0], $0xffff  }
0x2a6: {  	v52 =	vor.u32 v9, v24;
	v53 =	vor.u32 v14, v28;
	v28 =	vmovc v29;
	v44 =	vmul.f32 $8.000000000e+00, v44;
	v46 =	vld.idx.msk [tilespmem:v46+s20+$0x0], $0xffff  }
0x2a7: {  	v54 =	vor.u32 v2, v30;
	v55 =	vor.u32 v6, v26;
	v36 =	vld.idx.msk [tilespmem:v36+s20+$0x0], $0xffff;
	[tilespmem:v48+s30+$0x0] =	vst.idx.msk $0xffff, v45  }
0x2a8: {  	v45 =	vand.u32 $0x780, v50;
	v39 =	vmul.f32 $8.000000000e+00, v39;
	v48 =	vld.idx.msk [tilespmem:v49+s20+$0x0], $0xffff;
	v49 =	vor.u32 v9, v25;
	[tilespmem:v40+s30+$0x0] =	vst.idx.msk $0xffff, v44  }
0x2a9: {  	v29 =	vmovc v33;
	v40 =	vor.u32 v5, v31;
	v43 =	vmul.f32 $8.000000000e+00, v43;
	v44 =	vor.u32 v10, v28;
	v42 =	vld.idx.msk [tilespmem:v42+s20+$0x0], $0xffff  }
0x2aa: {  	v56 =	vor.u32 v15, v27;
	v50 =	vor.u32 v0, v45;
	v35 =	vld.idx.msk [tilespmem:v35+s20+$0x0], $0xffff;
	[tilespmem:v47+s30+$0x0] =	vst.idx.msk $0xffff, v39  }
0x2ab: {  	v57 =	vshll.u32 v37, $0x7;
	v37 =	vor.u32 v5, v34;
	v39 =	vmul.f32 $8.000000000e+00, v41;
	[tilespmem:v52+s30+$0x0] =	vst.idx.msk $0xffff, v43;
	v41 =	vld.idx.msk [tilespmem:v53+s20+$0x0], $0xffff  }
0x2ac: {  	v27 =	vmovc v24;
	v33 =	vmovc v38;
	v47 =	vor.u32 v6, v29;
	v43 =	vand.u32 $0x780, v57;
	v46 =	vmul.f32 $8.000000000e+00, v46;
	v51 =	vld.idx.msk [tilespmem:v51+s20+$0x0], $0xffff  }
0x2ad: {  	v52 =	vor.u32 v11, v27;
	v36 =	vmul.f32 $8.000000000e+00, v36;
	v38 =	vor.u32 v0, v43;
	[tilespmem:v49+s30+$0x0] =	vst.idx.msk $0xffff, v39  }
0x2ae: {  	v24 =	vmov v31;
	v39 =	vmul.f32 $8.000000000e+00, v48;
	[tilespmem:v40+s30+$0x0] =	vst.idx.msk $0xffff, v46;
	v40 =	vld.idx.msk [tilespmem:v44+s20+$0x0], $0xffff;
	v44 =	vor.u32 v15, v23  }
0x2af: {  	v31 =	vmov v45;
	v42 =	vmul.f32 $8.000000000e+00, v42;
	[tilespmem:v50+s30+$0x0] =	vst.idx.msk $0xffff, v36;
	v36 =	vor.u32 v2, v33;
	v48 =	vld.idx.msk [tilespmem:v55+s20+$0x0], $0xffff  }
0x2b0: {  	v23 =	vmov v25;
	v35 =	vmul.f32 $8.000000000e+00, v35;
	v49 =	vld.idx.msk [tilespmem:v54+s20+$0x0], $0xffff;
	[tilespmem:v37+s30+$0x0] =	vst.idx.msk $0xffff, v39;
	v37 =	vor.u32 v12, v32  }
0x2b1: {  	v25 =	vmov v34;
	v41 =	vmul.f32 $8.000000000e+00, v41;
	v39 =	vld.idx.msk [tilespmem:v47+s20+$0x0], $0xffff;
	v47 =	vor.u32 v11, v23;
	[tilespmem:v56+s30+$0x0] =	vst.idx.msk $0xffff, v42  }
0x2b2: {  	v50 =	vor.u32 v12, v28;
	v56 =	vmul.f32 $8.000000000e+00, v51;
	[tilespmem:v38+s30+$0x0] =	vst.idx.msk $0xffff, v35;
	v38 =	vor.u32 v7, v24  }
0x2b3: {  	v53 =	vor.u32 v3, v31;
	v54 =	vor.u32 v8, v26;
	v51 =	vadd.s32 s26, v0;
	[tilespmem:v44+s30+$0x0] =	vst.idx.msk $0xffff, v41  }
.Ltmp4:
0x2b4: {  	v42 =	vor.u32 v7, v25;
	v35 =	vand.u32 $0xF, v51;
	v45 =	vld.idx.msk [tilespmem:v36+s20+$0x0], $0xffff;
	[tilespmem:v52+s30+$0x0] =	vst.idx.msk $0xffff, v56;
	v52 =	vmul.f32 $8.000000000e+00, v40;
	(pc) =	sbr.rel @p0 .LBB2_11-.Ltmp4, $4  }
0x2b5: {  	v46 =	vor.u32 v4, v30;
	v34 =	vmovc v43;
	v41 =	vor.u32 v8, v29;
	v55 =	vmul.f32 $8.000000000e+00, v48;
	v44 =	vld.idx.msk [tilespmem:v37+s20+$0x0], $0xffff  }
0x2b6: {  	v36 =	vor.u32 v1, v35;
	v40 =	vor.u32 v13, v27;
	v43 =	vmul.f32 $8.000000000e+00, v49;
	[tilespmem:v47+s30+$0x0] =	vst.idx.msk $0xffff, v52  }
0x2b7: {  	s28 =	sadd.s32 $0x1, s26;
	v48 =	vor.u32 v3, v34;
	v47 =	vmul.f32 $8.000000000e+00, v39;
	[tilespmem:v38+s30+$0x0] =	vst.idx.msk $0xffff, v55;
	v39 =	vld.idx.msk [tilespmem:v50+s20+$0x0], $0xffff  }
0x2b8: {  	s26 =	sadd.s32 $0x2, s26;
	v37 =	vadd.s32 s28, v0;
	v49 =	vor.u32 v4, v33;
	v50 =	vshll.u32 v51, $0x7;
	[tilespmem:v53+s30+$0x0] =	vst.idx.msk $0xffff, v43;
	v43 =	vld.idx.msk [tilespmem:v54+s20+$0x0], $0xffff  }
0x2b9: {  	v38 =	vand.u32 $0xF, v37  }
0x2ba: {  	v51 =	vor.u32 v1, v38;
	_ =	sdelay $0x3  }
0x2bb: {  	v52 =	vld.idx.msk [tilespmem:v36+s20+$0x0], $0xffff  }
0x2bc: {  	v36 =	vand.u32 $0x780, v50;
	v60 =	vshll.u32 v37, $0x7;
	v59 =	vld.idx.msk [tilespmem:v51+s20+$0x0], $0xffff  }
0x2bd: {  	v61 =	vor.u32 v0, v36;
	v37 =	vand.u32 $0x780, v60  }
0x2be: {  	v53 =	vor.u32 v2, v35;
	v54 =	vor.u32 v0, v37  }
0x2bf: {  	v55 =	vor.u32 v2, v38  }
0x2c0: {  	v52 =	vmul.f32 $8.000000000e+00, v52  }
0x2c1: {  	v50 =	vmul.f32 $8.000000000e+00, v59  }
0x2c2: {  	[tilespmem:v61+s30+$0x0] =	vst.idx.msk $0xffff, v52  }
0x2c3: {  	v51 =	vld.idx.msk [tilespmem:v53+s20+$0x0], $0xffff;
	[tilespmem:v54+s30+$0x0] =	vst.idx.msk $0xffff, v50  }
0x2c4: {  	v50 =	vld.idx.msk [tilespmem:v55+s20+$0x0], $0xffff  }
0x2c5: {  	v62 =	vor.u32 v3, v36  }
0x2c6: {  	v63 =	vor.u32 v4, v35;
	v57 =	vor.u32 v3, v37  }
0x2c7: {  	v45 =	vmul.f32 $8.000000000e+00, v45;
	v58 =	vor.u32 v4, v38  }
0x2c8: {  	v51 =	vmul.f32 $8.000000000e+00, v51  }
0x2c9: {  	v46 =	vld.idx.msk [tilespmem:v46+s20+$0x0], $0xffff;
	[tilespmem:v48+s30+$0x0] =	vst.idx.msk $0xffff, v45;
	v59 =	vmul.f32 $8.000000000e+00, v50  }
0x2ca: {  	v48 =	vld.idx.msk [tilespmem:v49+s20+$0x0], $0xffff;
	[tilespmem:v62+s30+$0x0] =	vst.idx.msk $0xffff, v51  }
0x2cb: {  	v49 =	vor.u32 v5, v31;
	v50 =	vld.idx.msk [tilespmem:v63+s20+$0x0], $0xffff;
	[tilespmem:v57+s30+$0x0] =	vst.idx.msk $0xffff, v59  }
0x2cc: {  	v45 =	vor.u32 v6, v30;
	v51 =	vor.u32 v5, v34;
	v60 =	vld.idx.msk [tilespmem:v58+s20+$0x0], $0xffff  }
0x2cd: {  	v61 =	vor.u32 v6, v33;
	v62 =	vor.u32 v5, v36  }
0x2ce: {  	v56 =	vor.u32 v5, v37;
	v46 =	vmul.f32 $8.000000000e+00, v46;
	v63 =	vor.u32 v6, v35  }
0x2cf: {  	v48 =	vmul.f32 $8.000000000e+00, v48;
	v57 =	vor.u32 v6, v38  }
0x2d0: {  	[tilespmem:v49+s30+$0x0] =	vst.idx.msk $0xffff, v46;
	v58 =	vmul.f32 $8.000000000e+00, v50  }
0x2d1: {  	v45 =	vld.idx.msk [tilespmem:v45+s20+$0x0], $0xffff;
	[tilespmem:v51+s30+$0x0] =	vst.idx.msk $0xffff, v48;
	v59 =	vmul.f32 $8.000000000e+00, v60  }
0x2d2: {  	[tilespmem:v62+s30+$0x0] =	vst.idx.msk $0xffff, v58;
	v60 =	vld.idx.msk [tilespmem:v61+s20+$0x0], $0xffff  }
0x2d3: {  	v61 =	vor.u32 v7, v31;
	v62 =	vld.idx.msk [tilespmem:v63+s20+$0x0], $0xffff;
	[tilespmem:v56+s30+$0x0] =	vst.idx.msk $0xffff, v59  }
0x2d4: {  	v48 =	vor.u32 v8, v30;
	v51 =	vor.u32 v7, v34;
	v63 =	vld.idx.msk [tilespmem:v57+s20+$0x0], $0xffff  }
0x2d5: {  	v44 =	vmul.f32 $8.000000000e+00, v44;
	v53 =	vor.u32 v8, v33;
	v54 =	vor.u32 v7, v36  }
0x2d6: {  	[tilespmem:v42+s30+$0x0] =	vst.idx.msk $0xffff, v47;
	v58 =	vor.u32 v8, v35;
	v59 =	vor.u32 v7, v37;
	v57 =	vmul.f32 $8.000000000e+00, v45  }
0x2d7: {  	v41 =	vld.idx.msk [tilespmem:v41+s20+$0x0], $0xffff;
	[tilespmem:v40+s30+$0x0] =	vst.idx.msk $0xffff, v44;
	v44 =	vor.u32 v8, v38;
	v60 =	vmul.f32 $8.000000000e+00, v60  }
0x2d8: {  	v32 =	vor.u32 v14, v32;
	v49 =	vor.u32 v9, v24;
	[tilespmem:v61+s30+$0x0] =	vst.idx.msk $0xffff, v57;
	v61 =	vmul.f32 $8.000000000e+00, v62  }
0x2d9: {  	v62 =	vor.u32 v9, v25;
	v48 =	vld.idx.msk [tilespmem:v48+s20+$0x0], $0xffff;
	[tilespmem:v51+s30+$0x0] =	vst.idx.msk $0xffff, v60;
	v63 =	vmul.f32 $8.000000000e+00, v63  }
0x2da: {  	v42 =	vor.u32 v10, v29;
	v56 =	vor.u32 v10, v26;
	[tilespmem:v54+s30+$0x0] =	vst.idx.msk $0xffff, v61;
	v51 =	vld.idx.msk [tilespmem:v53+s20+$0x0], $0xffff  }
0x2db: {  	v43 =	vmul.f32 $8.000000000e+00, v43;
	v57 =	vor.u32 v9, v31;
	v45 =	vld.idx.msk [tilespmem:v58+s20+$0x0], $0xffff;
	[tilespmem:v59+s30+$0x0] =	vst.idx.msk $0xffff, v63  }
0x2dc: {  	v60 =	vor.u32 v9, v34;
	v58 =	vmul.f32 $8.000000000e+00, v41;
	v59 =	vor.u32 v10, v30;
	v44 =	vld.idx.msk [tilespmem:v44+s20+$0x0], $0xffff  }
0x2dd: {  	v32 =	vld.idx.msk [tilespmem:v32+s20+$0x0], $0xffff;
	[tilespmem:v49+s30+$0x0] =	vst.idx.msk $0xffff, v43;
	v43 =	vor.u32 v10, v33;
	v49 =	vor.u32 v9, v36  }
0x2de: {  	v46 =	vor.u32 v10, v35;
	[tilespmem:v62+s30+$0x0] =	vst.idx.msk $0xffff, v58;
	v62 =	vor.u32 v9, v37;
	v61 =	vmul.f32 $8.000000000e+00, v48  }
0x2df: {  	v28 =	vor.u32 v14, v28;
	v50 =	vld.idx.msk [tilespmem:v56+s20+$0x0], $0xffff;
	v63 =	vor.u32 v10, v38;
	v51 =	vmul.f32 $8.000000000e+00, v51  }
0x2e0: {  	v53 =	vor.u32 v13, v23;
	v42 =	vld.idx.msk [tilespmem:v42+s20+$0x0], $0xffff;
	[tilespmem:v57+s30+$0x0] =	vst.idx.msk $0xffff, v61;
	v57 =	vmul.f32 $8.000000000e+00, v45  }
0x2e1: {  	v39 =	vmul.f32 $8.000000000e+00, v39;
	v58 =	vor.u32 v11, v24;
	v41 =	vld.idx.msk [tilespmem:v59+s20+$0x0], $0xffff;
	[tilespmem:v60+s30+$0x0] =	vst.idx.msk $0xffff, v51;
	v44 =	vmul.f32 $8.000000000e+00, v44  }
0x2e2: {  	v59 =	vor.u32 v12, v26;
	v60 =	vor.u32 v11, v25;
	[tilespmem:v49+s30+$0x0] =	vst.idx.msk $0xffff, v57;
	v43 =	vld.idx.msk [tilespmem:v43+s20+$0x0], $0xffff  }
0x2e3: {  	v40 =	vor.u32 v12, v29;
	v61 =	vor.u32 v11, v31;
	v46 =	vld.idx.msk [tilespmem:v46+s20+$0x0], $0xffff;
	[tilespmem:v62+s30+$0x0] =	vst.idx.msk $0xffff, v44  }
0x2e4: {  	v48 =	vor.u32 v12, v30;
	v62 =	vmul.f32 $8.000000000e+00, v50;
	v50 =	vor.u32 v11, v34;
	v52 =	vld.idx.msk [tilespmem:v63+s20+$0x0], $0xffff  }
0x2e5: {  	v56 =	vor.u32 v11, v36;
	[tilespmem:v53+s30+$0x0] =	vst.idx.msk $0xffff, v39;
	v63 =	vmul.f32 $8.000000000e+00, v42;
	v42 =	vor.u32 v12, v33  }
0x2e6: {  	v57 =	vor.u32 v12, v35;
	[tilespmem:v58+s30+$0x0] =	vst.idx.msk $0xffff, v62;
	v41 =	vmul.f32 $8.000000000e+00, v41;
	v58 =	vor.u32 v11, v37  }
0x2e7: {  	v47 =	vld.idx.msk [tilespmem:v59+s20+$0x0], $0xffff;
	[tilespmem:v60+s30+$0x0] =	vst.idx.msk $0xffff, v63;
	v59 =	vmul.f32 $8.000000000e+00, v43;
	v60 =	vor.u32 v12, v38  }
0x2e8: {  	v27 =	vor.u32 v15, v27;
	v40 =	vld.idx.msk [tilespmem:v40+s20+$0x0], $0xffff;
	[tilespmem:v61+s30+$0x0] =	vst.idx.msk $0xffff, v41;
	v61 =	vmul.f32 $8.000000000e+00, v46  }
0x2e9: {  	v62 =	vor.u32 v13, v24;
	v48 =	vld.idx.msk [tilespmem:v48+s20+$0x0], $0xffff;
	[tilespmem:v50+s30+$0x0] =	vst.idx.msk $0xffff, v59;
	v63 =	vmul.f32 $8.000000000e+00, v52  }
0x2ea: {  	v26 =	vor.u32 v14, v26;
	v52 =	vor.u32 v13, v25;
	v42 =	vld.idx.msk [tilespmem:v42+s20+$0x0], $0xffff;
	[tilespmem:v56+s30+$0x0] =	vst.idx.msk $0xffff, v61  }
0x2eb: {  	v29 =	vor.u32 v14, v29;
	v53 =	vor.u32 v13, v31;
	v44 =	vld.idx.msk [tilespmem:v57+s20+$0x0], $0xffff;
	[tilespmem:v58+s30+$0x0] =	vst.idx.msk $0xffff, v63  }
0x2ec: {  	v55 =	vor.u32 v13, v34;
	v30 =	vor.u32 v14, v30;
	v54 =	vmul.f32 $8.000000000e+00, v47;
	v43 =	vld.idx.msk [tilespmem:v60+s20+$0x0], $0xffff  }
0x2ed: {  	v28 =	vld.idx.msk [tilespmem:v28+s20+$0x0], $0xffff;
	v56 =	vor.u32 v14, v33;
	v57 =	vor.u32 v13, v36;
	v40 =	vmul.f32 $8.000000000e+00, v40  }
0x2ee: {  	v59 =	vor.u32 v14, v35;
	v60 =	vor.u32 v13, v37;
	[tilespmem:v62+s30+$0x0] =	vst.idx.msk $0xffff, v54;
	v58 =	vmul.f32 $8.000000000e+00, v48  }
0x2ef: {  	v38 =	vor.u32 v14, v38;
	v26 =	vld.idx.msk [tilespmem:v26+s20+$0x0], $0xffff;
	[tilespmem:v52+s30+$0x0] =	vst.idx.msk $0xffff, v40;
	v61 =	vmul.f32 $8.000000000e+00, v42  }
0x2f0: {  	v23 =	vor.u32 v15, v23;
	v29 =	vld.idx.msk [tilespmem:v29+s20+$0x0], $0xffff;
	[tilespmem:v53+s30+$0x0] =	vst.idx.msk $0xffff, v58;
	v62 =	vmul.f32 $8.000000000e+00, v44  }
0x2f1: {  	v24 =	vor.u32 v15, v24;
	v30 =	vld.idx.msk [tilespmem:v30+s20+$0x0], $0xffff;
	[tilespmem:v55+s30+$0x0] =	vst.idx.msk $0xffff, v61;
	v63 =	vmul.f32 $8.000000000e+00, v43  }
0x2f2: {  	v32 =	vmul.f32 $8.000000000e+00, v32;
	v25 =	vor.u32 v15, v25;
	v33 =	vld.idx.msk [tilespmem:v56+s20+$0x0], $0xffff;
	[tilespmem:v57+s30+$0x0] =	vst.idx.msk $0xffff, v62  }
0x2f3: {  	v31 =	vor.u32 v15, v31;
	v28 =	vmul.f32 $8.000000000e+00, v28;
	v35 =	vld.idx.msk [tilespmem:v59+s20+$0x0], $0xffff;
	[tilespmem:v60+s30+$0x0] =	vst.idx.msk $0xffff, v63  }
0x2f4: {  	[tilespmem:v27+s30+$0x0] =	vst.idx.msk $0xffff, v32;
	v27 =	vor.u32 v15, v34;
	v26 =	vmul.f32 $8.000000000e+00, v26;
	v41 =	vld.idx.msk [tilespmem:v38+s20+$0x0], $0xffff  }
0x2f5: {  	v19 =	vor.u32 $0x10, v19;
	[tilespmem:v23+s30+$0x0] =	vst.idx.msk $0xffff, v28;
	v23 =	vmul.f32 $8.000000000e+00, v29;
	v29 =	vor.u32 v15, v36  }
0x2f6: {  	v28 =	vand.u32 $0x1F, v19;
	[tilespmem:v24+s30+$0x0] =	vst.idx.msk $0xffff, v26;
	v24 =	vmul.f32 $8.000000000e+00, v30;
	v26 =	vor.u32 v15, v37  }
0x2f7: {  	v16 =	vor.u32 $0x10, v16;
	v30 =	vor.u32 v1, v28;
	[tilespmem:v25+s30+$0x0] =	vst.idx.msk $0xffff, v23;
	v25 =	vmul.f32 $8.000000000e+00, v33  }
0x2f8: {  	v23 =	vand.u32 $0x1F, v16;
	[tilespmem:v31+s30+$0x0] =	vst.idx.msk $0xffff, v24;
	v24 =	vmul.f32 $8.000000000e+00, v35  }
0x2f9: {  	[tilespmem:v27+s30+$0x0] =	vst.idx.msk $0xffff, v25;
	v27 =	vor.u32 v1, v23;
	v25 =	vmul.f32 $8.000000000e+00, v41  }
0x2fa: {  	[tilespmem:v29+s30+$0x0] =	vst.idx.msk $0xffff, v24  }
0x2fb: {  	[tilespmem:v26+s30+$0x0] =	vst.idx.msk $0xffff, v25  }
0x2fc: {  	v24 =	vld.idx.msk [tilespmem:v30+s20+$0x0], $0xffff  }
0x2fd: {  	v19 =	vshll.u32 v19, $0x7  }
0x2fe: {  	v25 =	vor.u32 v0, v19;
	v26 =	vld.idx.msk [tilespmem:v27+s20+$0x0], $0xffff  }
0x2ff: {  	v16 =	vshll.u32 v16, $0x7;
	v27 =	vor.u32 v2, v28  }
0x300: {  	v29 =	vor.u32 v0, v16  }
0x301: {  	v30 =	vor.u32 v2, v23;
	v24 =	vmul.f32 $8.000000000e+00, v24;
	_ =	sdelay $0x1  }
0x302: {  	[tilespmem:v25+s30+$0x0] =	vst.idx.msk $0xffff, v24;
	v24 =	vmul.f32 $8.000000000e+00, v26  }
0x303: {  	v25 =	vld.idx.msk [tilespmem:v27+s20+$0x0], $0xffff  }
0x304: {  	[tilespmem:v29+s30+$0x0] =	vst.idx.msk $0xffff, v24  }
0x305: {  	v17 =	vor.u32 $0x10, v17;
	v26 =	vor.u32 v3, v19;
	v27 =	vld.idx.msk [tilespmem:v30+s20+$0x0], $0xffff  }
0x306: {  	v24 =	vand.u32 $0x1F, v17;
	v29 =	vor.u32 v4, v28  }
0x307: {  	v31 =	vor.u32 v3, v16;
	v30 =	vor.u32 v1, v24  }
0x308: {  	v42 =	vor.u32 v4, v23;
	v25 =	vmul.f32 $8.000000000e+00, v25  }
0x309: {  	v43 =	vor.u32 $0x10, v18  }
0x30a: {  	[tilespmem:v26+s30+$0x0] =	vst.idx.msk $0xffff, v25;
	v25 =	vand.u32 $0x1F, v43;
	v18 =	vmul.f32 $8.000000000e+00, v27  }
0x30b: {  	v26 =	vor.u32 v1, v25;
	v27 =	vld.idx.msk [tilespmem:v29+s20+$0x0], $0xffff  }
0x30c: {  	v29 =	vld.idx.msk [tilespmem:v30+s20+$0x0], $0xffff;
	[tilespmem:v31+s30+$0x0] =	vst.idx.msk $0xffff, v18  }
0x30d: {  	v18 =	vshll.u32 v17, $0x7;
	v31 =	vor.u32 v5, v19;
	v30 =	vld.idx.msk [tilespmem:v42+s20+$0x0], $0xffff  }
0x30e: {  	v44 =	vor.u32 v6, v28;
	v45 =	vor.u32 v0, v18  }
0x30f: {  	v47 =	vor.u32 v5, v16;
	v46 =	vor.u32 v2, v24  }
0x310: {  	v48 =	vor.u32 v6, v23;
	v26 =	vld.idx.msk [tilespmem:v26+s20+$0x0], $0xffff;
	v27 =	vmul.f32 $8.000000000e+00, v27  }
0x311: {  	v17 =	vshll.u32 v43, $0x7;
	v29 =	vmul.f32 $8.000000000e+00, v29  }
0x312: {  	v33 =	vor.u32 v0, v17;
	[tilespmem:v31+s30+$0x0] =	vst.idx.msk $0xffff, v27;
	v27 =	vmul.f32 $8.000000000e+00, v30  }
0x313: {  	[tilespmem:v45+s30+$0x0] =	vst.idx.msk $0xffff, v29;
	v29 =	vor.u32 v2, v25;
	v30 =	vld.idx.msk [tilespmem:v44+s20+$0x0], $0xffff  }
0x314: {  	v31 =	vld.idx.msk [tilespmem:v46+s20+$0x0], $0xffff;
	[tilespmem:v47+s30+$0x0] =	vst.idx.msk $0xffff, v27  }
0x315: {  	v49 =	vor.u32 v7, v19;
	v26 =	vmul.f32 $8.000000000e+00, v26;
	v27 =	vld.idx.msk [tilespmem:v48+s20+$0x0], $0xffff  }
0x316: {  	v50 =	vor.u32 v3, v18  }
0x317: {  	v51 =	vor.u32 v8, v28;
	v52 =	vor.u32 v7, v16;
	[tilespmem:v33+s30+$0x0] =	vst.idx.msk $0xffff, v26  }
0x318: {  	v20 =	vor.u32 $0x10, v20;
	v53 =	vor.u32 v8, v23;
	v29 =	vld.idx.msk [tilespmem:v29+s20+$0x0], $0xffff;
	v30 =	vmul.f32 $8.000000000e+00, v30  }
0x319: {  	v54 =	vor.u32 v4, v24;
	v26 =	vand.u32 $0x1F, v20;
	v31 =	vmul.f32 $8.000000000e+00, v31  }
0x31a: {  	v56 =	vor.u32 v3, v17;
	v55 =	vor.u32 v1, v26;
	[tilespmem:v49+s30+$0x0] =	vst.idx.msk $0xffff, v30;
	v27 =	vmul.f32 $8.000000000e+00, v27  }
0x31b: {  	v30 =	vor.u32 $0x10, v21;
	[tilespmem:v50+s30+$0x0] =	vst.idx.msk $0xffff, v31;
	v31 =	vor.u32 v4, v25  }
0x31c: {  	v32 =	vld.idx.msk [tilespmem:v51+s20+$0x0], $0xffff;
	v21 =	vand.u32 $0x1F, v30;
	[tilespmem:v52+s30+$0x0] =	vst.idx.msk $0xffff, v27  }
0x31d: {  	v27 =	vor.u32 v1, v21;
	v29 =	vmul.f32 $8.000000000e+00, v29;
	v33 =	vld.idx.msk [tilespmem:v53+s20+$0x0], $0xffff  }
0x31e: {  	v57 =	vor.u32 v9, v19;
	v58 =	vld.idx.msk [tilespmem:v54+s20+$0x0], $0xffff  }
0x31f: {  	v59 =	vor.u32 v10, v28;
	v60 =	vld.idx.msk [tilespmem:v55+s20+$0x0], $0xffff;
	[tilespmem:v56+s30+$0x0] =	vst.idx.msk $0xffff, v29;
	v29 =	vor.u32 v9, v16  }
0x320: {  	v62 =	vor.u32 v10, v23;
	v61 =	vor.u32 v5, v18;
	v20 =	vshll.u32 v20, $0x7;
	v31 =	vld.idx.msk [tilespmem:v31+s20+$0x0], $0xffff  }
0x321: {  	v63 =	vor.u32 v6, v24;
	v48 =	vor.u32 v0, v20;
	v32 =	vmul.f32 $8.000000000e+00, v32  }
0x322: {  	v49 =	vor.u32 v2, v26;
	v51 =	vor.u32 v5, v17;
	v50 =	vld.idx.msk [tilespmem:v27+s20+$0x0], $0xffff;
	v52 =	vmul.f32 $8.000000000e+00, v33  }
0x323: {  	v53 =	vor.u32 v6, v25;
	v27 =	vshll.u32 v30, $0x7;
	v30 =	vmul.f32 $8.000000000e+00, v58;
	[tilespmem:v57+s30+$0x0] =	vst.idx.msk $0xffff, v32  }
0x324: {  	v54 =	vmul.f32 $8.000000000e+00, v60;
	v55 =	vor.u32 v0, v27;
	v34 =	vld.idx.msk [tilespmem:v59+s20+$0x0], $0xffff;
	[tilespmem:v29+s30+$0x0] =	vst.idx.msk $0xffff, v52  }
0x325: {  	[tilespmem:v61+s30+$0x0] =	vst.idx.msk $0xffff, v30;
	v29 =	vmul.f32 $8.000000000e+00, v31;
	v30 =	vld.idx.msk [tilespmem:v62+s20+$0x0], $0xffff;
	v31 =	vor.u32 v2, v21  }
0x326: {  	v56 =	vor.u32 v11, v19;
	v58 =	vor.u32 v12, v28;
	[tilespmem:v48+s30+$0x0] =	vst.idx.msk $0xffff, v54;
	v57 =	vld.idx.msk [tilespmem:v63+s20+$0x0], $0xffff  }
0x327: {  	v60 =	vor.u32 v11, v16;
	v41 =	vld.idx.msk [tilespmem:v49+s20+$0x0], $0xffff;
	v59 =	vmul.f32 $8.000000000e+00, v50;
	[tilespmem:v51+s30+$0x0] =	vst.idx.msk $0xffff, v29  }
0x328: {  	v35 =	vor.u32 v8, v25;
	v61 =	vor.u32 v7, v18;
	v63 =	vor.u32 v12, v23;
	v45 =	vld.idx.msk [tilespmem:v53+s20+$0x0], $0xffff  }
0x329: {  	v36 =	vor.u32 v7, v17;
	v39 =	vor.u32 v3, v20;
	v62 =	vmul.f32 $8.000000000e+00, v34;
	[tilespmem:v55+s30+$0x0] =	vst.idx.msk $0xffff, v59  }
0x32a: {  	v42 =	vor.u32 v4, v26;
	v34 =	vor.u32 v8, v24;
	v38 =	vld.idx.msk [tilespmem:v31+s20+$0x0], $0xffff;
	v31 =	vmul.f32 $8.000000000e+00, v30  }
0x32b: {  	v33 =	vor.u32 v13, v19;
	v29 =	vor.u32 $0x10, v22;
	v32 =	vmul.f32 $8.000000000e+00, v57;
	[tilespmem:v56+s30+$0x0] =	vst.idx.msk $0xffff, v62  }
0x32c: {  	v40 =	vor.u32 v3, v27;
	v22 =	vand.u32 $0x1F, v29;
	v43 =	vmul.f32 $8.000000000e+00, v41;
	v37 =	vld.idx.msk [tilespmem:v58+s20+$0x0], $0xffff;
	[tilespmem:v60+s30+$0x0] =	vst.idx.msk $0xffff, v31  }
0x32d: {  	v30 =	vor.u32 v1, v22;
	[tilespmem:v61+s30+$0x0] =	vst.idx.msk $0xffff, v32;
	v31 =	vadd.s32 s25, v0;
	s25 =	simm.s32 $0x8;
	v41 =	vmul.f32 $8.000000000e+00, v45;
	v32 =	vld.idx.msk [tilespmem:v63+s20+$0x0], $0xffff  }
.LBB2_13:
0x32e: {  	[tilespmem:v39+s30+$0x0] =	vst.idx.msk $0xffff, v43  }
0x32f: {  	p0 =	slt.u32 s25, $0xE;
	v31 =	vor.u32 $0x10, v31;
	v39 =	vor.u32 v4, v21;
	v34 =	vld.idx.msk [tilespmem:v34+s20+$0x0], $0xffff;
	v43 =	vmovc v24;
	v24 =	vmovc v26;
	v26 =	vmov v22  }
0x330: {  	v28 =	vor.u32 v14, v28;
	v22 =	vand.u32 $0x1F, v31;
	[tilespmem:v36+s30+$0x0] =	vst.idx.msk $0xffff, v41;
	v36 =	vor.u32 v15, v19  }
0x331: {  	v44 =	vor.u32 v13, v16;
	v38 =	vmul.f32 $8.000000000e+00, v38;
	v19 =	vmovc v18;
	v41 =	vor.u32 v1, v22;
	v35 =	vld.idx.msk [tilespmem:v35+s20+$0x0], $0xffff  }
0x332: {  	v45 =	vor.u32 v14, v23;
	v23 =	vmovc v25;
	v37 =	vmul.f32 $8.000000000e+00, v37;
	v18 =	vld.idx.msk [tilespmem:v42+s20+$0x0], $0xffff;
	v42 =	vor.u32 v9, v19  }
0x333: {  	v46 =	vor.u32 v6, v24;
	v30 =	vld.idx.msk [tilespmem:v30+s20+$0x0], $0xffff;
	[tilespmem:v40+s30+$0x0] =	vst.idx.msk $0xffff, v38;
	v38 =	vor.u32 v10, v43  }
0x334: {  	v29 =	vshll.u32 v29, $0x7;
	v40 =	vor.u32 v9, v17;
	v32 =	vmul.f32 $8.000000000e+00, v32;
	v39 =	vld.idx.msk [tilespmem:v39+s20+$0x0], $0xffff;
	[tilespmem:v33+s30+$0x0] =	vst.idx.msk $0xffff, v37  }
0x335: {  	v25 =	vmovc v21;
	v33 =	vor.u32 v5, v20;
	v34 =	vmul.f32 $8.000000000e+00, v34;
	v37 =	vor.u32 v10, v23;
	v28 =	vld.idx.msk [tilespmem:v28+s20+$0x0], $0xffff  }
0x336: {  	v47 =	vor.u32 v0, v29;
	v48 =	vor.u32 v2, v26;
	v41 =	vld.idx.msk [tilespmem:v41+s20+$0x0], $0xffff;
	[tilespmem:v44+s30+$0x0] =	vst.idx.msk $0xffff, v32  }
0x337: {  	v21 =	vmov v22;
	v32 =	vor.u32 v5, v27;
	[tilespmem:v42+s30+$0x0] =	vst.idx.msk $0xffff, v34;
	v34 =	vmul.f32 $8.000000000e+00, v35;
	v35 =	vld.idx.msk [tilespmem:v45+s20+$0x0], $0xffff  }
0x338: {  	v22 =	vshll.u32 v31, $0x7;
	v31 =	vmul.f32 $8.000000000e+00, v18;
	v42 =	vor.u32 v6, v25;
	v18 =	vmovc v20;
	v20 =	vmovc v29;
	v38 =	vld.idx.msk [tilespmem:v38+s20+$0x0], $0xffff  }
0x339: {  	v44 =	vor.u32 v11, v19;
	v29 =	vmul.f32 $8.000000000e+00, v30;
	v30 =	vor.u32 v0, v22;
	[tilespmem:v40+s30+$0x0] =	vst.idx.msk $0xffff, v34  }
0x33a: {  	[tilespmem:v33+s30+$0x0] =	vst.idx.msk $0xffff, v31;
	v31 =	vmul.f32 $8.000000000e+00, v39;
	v33 =	vld.idx.msk [tilespmem:v37+s20+$0x0], $0xffff;
	v37 =	vor.u32 v15, v16;
	v16 =	vmov v17  }
0x33b: {  	v40 =	vor.u32 v2, v21;
	v28 =	vmul.f32 $8.000000000e+00, v28;
	v17 =	vmov v27;
	[tilespmem:v47+s30+$0x0] =	vst.idx.msk $0xffff, v29;
	v45 =	vld.idx.msk [tilespmem:v46+s20+$0x0], $0xffff  }
0x33c: {  	v27 =	vmov v22;
	v29 =	vmul.f32 $8.000000000e+00, v41;
	v46 =	vld.idx.msk [tilespmem:v48+s20+$0x0], $0xffff;
	[tilespmem:v32+s30+$0x0] =	vst.idx.msk $0xffff, v31;
	v31 =	vor.u32 v12, v43  }
0x33d: {  	v22 =	vadd.s32 s25, v0;
	v41 =	vor.u32 v11, v16;
	v32 =	vld.idx.msk [tilespmem:v42+s20+$0x0], $0xffff;
	[tilespmem:v36+s30+$0x0] =	vst.idx.msk $0xffff, v28;
	v28 =	vmul.f32 $8.000000000e+00, v35  }
0x33e: {  	v47 =	vor.u32 v7, v18;
	v48 =	vor.u32 v12, v23;
	[tilespmem:v30+s30+$0x0] =	vst.idx.msk $0xffff, v29;
	v30 =	vmul.f32 $8.000000000e+00, v38  }
.Ltmp5:
0x33f: {  	v34 =	vor.u32 v8, v24;
	v39 =	vor.u32 v3, v20;
	v29 =	vor.u32 $0x10, v22;
	[tilespmem:v37+s30+$0x0] =	vst.idx.msk $0xffff, v28;
	(pc) =	sbr.rel @p0 .LBB2_13-.Ltmp5, $4  }
0x340: {  	v36 =	vor.u32 v7, v17;
	v22 =	vand.u32 $0x1F, v29;
	v38 =	vld.idx.msk [tilespmem:v40+s20+$0x0], $0xffff;
	[tilespmem:v44+s30+$0x0] =	vst.idx.msk $0xffff, v30;
	v40 =	vmul.f32 $8.000000000e+00, v33  }
0x341: {  	v35 =	vor.u32 v8, v25;
	v44 =	vmul.f32 $8.000000000e+00, v45;
	v33 =	vor.u32 v13, v19;
	v37 =	vld.idx.msk [tilespmem:v31+s20+$0x0], $0xffff;
	v28 =	vmovc v43  }
0x342: {  	s26 =	sadd.s32 $0x1, s25;
	v42 =	vor.u32 v4, v26;
	v30 =	vor.u32 v1, v22;
	v43 =	vmul.f32 $8.000000000e+00, v46;
	[tilespmem:v41+s30+$0x0] =	vst.idx.msk $0xffff, v40  }
0x343: {  	s25 =	sadd.s32 $0x2, s25;
	v31 =	vadd.s32 s26, v0;
	v40 =	vor.u32 v3, v27;
	v41 =	vmul.f32 $8.000000000e+00, v32;
	[tilespmem:v47+s30+$0x0] =	vst.idx.msk $0xffff, v44;
	v32 =	vld.idx.msk [tilespmem:v48+s20+$0x0], $0xffff  }
0x344: {  	v44 =	vor.u32 $0x10, v31  }
0x345: {  	v31 =	vand.u32 $0x1F, v44  }
0x346: {  	v45 =	vor.u32 v1, v31;
	_ =	sdelay $0x3  }
0x347: {  	v46 =	vld.idx.msk [tilespmem:v30+s20+$0x0], $0xffff  }
0x348: {  	v30 =	vshll.u32 v29, $0x7;
	v45 =	vld.idx.msk [tilespmem:v45+s20+$0x0], $0xffff  }
0x349: {  	v47 =	vor.u32 v0, v30;
	v29 =	vshll.u32 v44, $0x7  }
0x34a: {  	v52 =	vor.u32 v2, v22;
	v48 =	vor.u32 v0, v29  }
0x34b: {  	v49 =	vor.u32 v2, v31  }
0x34c: {  	v46 =	vmul.f32 $8.000000000e+00, v46  }
0x34d: {  	v45 =	vmul.f32 $8.000000000e+00, v45  }
0x34e: {  	[tilespmem:v47+s30+$0x0] =	vst.idx.msk $0xffff, v46  }
0x34f: {  	v44 =	vld.idx.msk [tilespmem:v52+s20+$0x0], $0xffff;
	[tilespmem:v48+s30+$0x0] =	vst.idx.msk $0xffff, v45  }
0x350: {  	v53 =	vld.idx.msk [tilespmem:v49+s20+$0x0], $0xffff  }
0x351: {  	v54 =	vor.u32 v4, v21;
	v55 =	vor.u32 v3, v30  }
0x352: {  	[tilespmem:v39+s30+$0x0] =	vst.idx.msk $0xffff, v43;
	v56 =	vor.u32 v4, v22;
	v57 =	vor.u32 v3, v29  }
0x353: {  	v42 =	vld.idx.msk [tilespmem:v42+s20+$0x0], $0xffff;
	v38 =	vmul.f32 $8.000000000e+00, v38;
	v59 =	vor.u32 v4, v31  }
0x354: {  	v44 =	vmul.f32 $8.000000000e+00, v44  }
0x355: {  	v58 =	vor.u32 v5, v20;
	[tilespmem:v40+s30+$0x0] =	vst.idx.msk $0xffff, v38;
	v60 =	vmul.f32 $8.000000000e+00, v53  }
0x356: {  	v50 =	vor.u32 v6, v26;
	v61 =	vld.idx.msk [tilespmem:v54+s20+$0x0], $0xffff;
	[tilespmem:v55+s30+$0x0] =	vst.idx.msk $0xffff, v44  }
0x357: {  	v63 =	vld.idx.msk [tilespmem:v56+s20+$0x0], $0xffff;
	[tilespmem:v57+s30+$0x0] =	vst.idx.msk $0xffff, v60  }
0x358: {  	v51 =	vor.u32 v5, v27;
	v62 =	vmul.f32 $8.000000000e+00, v42;
	v52 =	vld.idx.msk [tilespmem:v59+s20+$0x0], $0xffff  }
0x359: {  	v55 =	vor.u32 v5, v30;
	v53 =	vor.u32 v6, v21  }
0x35a: {  	[tilespmem:v58+s30+$0x0] =	vst.idx.msk $0xffff, v62;
	v56 =	vor.u32 v6, v22;
	v57 =	vor.u32 v5, v29  }
0x35b: {  	v54 =	vld.idx.msk [tilespmem:v50+s20+$0x0], $0xffff;
	v58 =	vmul.f32 $8.000000000e+00, v61;
	v60 =	vor.u32 v6, v31  }
0x35c: {  	v34 =	vld.idx.msk [tilespmem:v34+s20+$0x0], $0xffff;
	[tilespmem:v36+s30+$0x0] =	vst.idx.msk $0xffff, v41;
	v62 =	vmul.f32 $8.000000000e+00, v63  }
0x35d: {  	v37 =	vmul.f32 $8.000000000e+00, v37;
	v35 =	vld.idx.msk [tilespmem:v35+s20+$0x0], $0xffff;
	[tilespmem:v51+s30+$0x0] =	vst.idx.msk $0xffff, v58;
	v59 =	vor.u32 v7, v20;
	v63 =	vmul.f32 $8.000000000e+00, v52  }
0x35e: {  	v61 =	vor.u32 v8, v26;
	v48 =	vor.u32 v9, v18;
	[tilespmem:v55+s30+$0x0] =	vst.idx.msk $0xffff, v62;
	v49 =	vld.idx.msk [tilespmem:v53+s20+$0x0], $0xffff  }
0x35f: {  	v51 =	vor.u32 v10, v24;
	v53 =	vld.idx.msk [tilespmem:v56+s20+$0x0], $0xffff;
	v52 =	vor.u32 v9, v17;
	[tilespmem:v57+s30+$0x0] =	vst.idx.msk $0xffff, v63  }
0x360: {  	v50 =	vmul.f32 $8.000000000e+00, v54;
	v54 =	vor.u32 v10, v25;
	v55 =	vor.u32 v7, v27;
	v56 =	vld.idx.msk [tilespmem:v60+s20+$0x0], $0xffff  }
0x361: {  	[tilespmem:v33+s30+$0x0] =	vst.idx.msk $0xffff, v37;
	v34 =	vmul.f32 $8.000000000e+00, v34;
	v58 =	vor.u32 v7, v30;
	v57 =	vor.u32 v8, v21  }
0x362: {  	v35 =	vmul.f32 $8.000000000e+00, v35;
	[tilespmem:v59+s30+$0x0] =	vst.idx.msk $0xffff, v50;
	v59 =	vor.u32 v8, v22;
	v60 =	vor.u32 v7, v29  }
0x363: {  	[tilespmem:v48+s30+$0x0] =	vst.idx.msk $0xffff, v34;
	v33 =	vld.idx.msk [tilespmem:v61+s20+$0x0], $0xffff;
	v61 =	vmul.f32 $8.000000000e+00, v49;
	v63 =	vor.u32 v8, v31  }
0x364: {  	v37 =	vld.idx.msk [tilespmem:v51+s20+$0x0], $0xffff;
	v50 =	vor.u32 v13, v16;
	v49 =	vmul.f32 $8.000000000e+00, v53;
	[tilespmem:v52+s30+$0x0] =	vst.idx.msk $0xffff, v35  }
0x365: {  	v32 =	vmul.f32 $8.000000000e+00, v32;
	v62 =	vor.u32 v9, v20;
	[tilespmem:v55+s30+$0x0] =	vst.idx.msk $0xffff, v61;
	v36 =	vld.idx.msk [tilespmem:v54+s20+$0x0], $0xffff;
	v51 =	vmul.f32 $8.000000000e+00, v56  }
0x366: {  	v48 =	vor.u32 v10, v26;
	[tilespmem:v58+s30+$0x0] =	vst.idx.msk $0xffff, v49;
	v52 =	vor.u32 v11, v18;
	v41 =	vld.idx.msk [tilespmem:v57+s20+$0x0], $0xffff  }
0x367: {  	v53 =	vor.u32 v12, v24;
	v55 =	vld.idx.msk [tilespmem:v59+s20+$0x0], $0xffff;
	v54 =	vor.u32 v11, v17;
	[tilespmem:v60+s30+$0x0] =	vst.idx.msk $0xffff, v51  }
0x368: {  	v33 =	vmul.f32 $8.000000000e+00, v33;
	v57 =	vor.u32 v9, v27;
	v56 =	vor.u32 v12, v25;
	v58 =	vld.idx.msk [tilespmem:v63+s20+$0x0], $0xffff  }
0x369: {  	v37 =	vmul.f32 $8.000000000e+00, v37;
	v59 =	vor.u32 v10, v21;
	[tilespmem:v50+s30+$0x0] =	vst.idx.msk $0xffff, v32;
	v60 =	vor.u32 v9, v30  }
0x36a: {  	[tilespmem:v62+s30+$0x0] =	vst.idx.msk $0xffff, v33;
	v62 =	vor.u32 v10, v22;
	v61 =	vmul.f32 $8.000000000e+00, v36;
	v63 =	vor.u32 v9, v29  }
0x36b: {  	v49 =	vor.u32 v10, v31;
	v35 =	vld.idx.msk [tilespmem:v48+s20+$0x0], $0xffff;
	[tilespmem:v52+s30+$0x0] =	vst.idx.msk $0xffff, v37;
	v47 =	vmul.f32 $8.000000000e+00, v41  }
0x36c: {  	v28 =	vor.u32 v14, v28;
	v51 =	vmul.f32 $8.000000000e+00, v55;
	v42 =	vld.idx.msk [tilespmem:v53+s20+$0x0], $0xffff;
	[tilespmem:v54+s30+$0x0] =	vst.idx.msk $0xffff, v61  }
0x36d: {  	v48 =	vor.u32 v11, v20;
	v34 =	vld.idx.msk [tilespmem:v56+s20+$0x0], $0xffff;
	[tilespmem:v57+s30+$0x0] =	vst.idx.msk $0xffff, v47;
	v33 =	vmul.f32 $8.000000000e+00, v58  }
0x36e: {  	v50 =	vor.u32 v12, v26;
	v38 =	vld.idx.msk [tilespmem:v59+s20+$0x0], $0xffff;
	[tilespmem:v60+s30+$0x0] =	vst.idx.msk $0xffff, v51  }
0x36f: {  	v23 =	vor.u32 v14, v23;
	v53 =	vor.u32 v13, v17;
	v36 =	vld.idx.msk [tilespmem:v62+s20+$0x0], $0xffff;
	[tilespmem:v63+s30+$0x0] =	vst.idx.msk $0xffff, v33  }
0x370: {  	v19 =	vor.u32 v15, v19;
	v54 =	vor.u32 v11, v27;
	v35 =	vmul.f32 $8.000000000e+00, v35;
	v55 =	vld.idx.msk [tilespmem:v49+s20+$0x0], $0xffff  }
0x371: {  	v43 =	vor.u32 v13, v30;
	v28 =	vld.idx.msk [tilespmem:v28+s20+$0x0], $0xffff;
	v57 =	vor.u32 v12, v21;
	v58 =	vor.u32 v11, v30  }
0x372: {  	v59 =	vor.u32 v12, v22;
	v60 =	vor.u32 v11, v29;
	[tilespmem:v48+s30+$0x0] =	vst.idx.msk $0xffff, v35;
	v34 =	vmul.f32 $8.000000000e+00, v34  }
0x373: {  	v52 =	vor.u32 v13, v18;
	v32 =	vld.idx.msk [tilespmem:v50+s20+$0x0], $0xffff;
	v63 =	vor.u32 v12, v31;
	v61 =	vmul.f32 $8.000000000e+00, v38  }
0x374: {  	v24 =	vor.u32 v14, v24;
	v23 =	vld.idx.msk [tilespmem:v23+s20+$0x0], $0xffff;
	[tilespmem:v53+s30+$0x0] =	vst.idx.msk $0xffff, v34;
	v36 =	vmul.f32 $8.000000000e+00, v36  }
0x375: {  	v25 =	vor.u32 v14, v25;
	v62 =	vor.u32 v13, v20;
	[tilespmem:v54+s30+$0x0] =	vst.idx.msk $0xffff, v61;
	v37 =	vmul.f32 $8.000000000e+00, v55  }
0x376: {  	v26 =	vor.u32 v14, v26;
	v56 =	vmul.f32 $8.000000000e+00, v42;
	v40 =	vld.idx.msk [tilespmem:v57+s20+$0x0], $0xffff;
	[tilespmem:v58+s30+$0x0] =	vst.idx.msk $0xffff, v36  }
0x377: {  	v28 =	vmul.f32 $8.000000000e+00, v28;
	v41 =	vor.u32 v15, v16;
	v34 =	vld.idx.msk [tilespmem:v59+s20+$0x0], $0xffff;
	[tilespmem:v60+s30+$0x0] =	vst.idx.msk $0xffff, v37  }
0x378: {  	v16 =	vor.u32 v13, v27;
	[tilespmem:v52+s30+$0x0] =	vst.idx.msk $0xffff, v56;
	v32 =	vmul.f32 $8.000000000e+00, v32;
	v42 =	vld.idx.msk [tilespmem:v63+s20+$0x0], $0xffff  }
0x379: {  	[tilespmem:v19+s30+$0x0] =	vst.idx.msk $0xffff, v28;
	v28 =	vor.u32 v15, v29;
	v21 =	vor.u32 v14, v21;
	v24 =	vld.idx.msk [tilespmem:v24+s20+$0x0], $0xffff  }
0x37a: {  	v44 =	vor.u32 v13, v29;
	v22 =	vor.u32 v14, v22;
	v25 =	vld.idx.msk [tilespmem:v25+s20+$0x0], $0xffff;
	[tilespmem:v62+s30+$0x0] =	vst.idx.msk $0xffff, v32  }
0x37b: {  	v45 =	vor.u32 v15, v17;
	v31 =	vor.u32 v14, v31;
	v26 =	vld.idx.msk [tilespmem:v26+s20+$0x0], $0xffff;
	v35 =	vmul.f32 $8.000000000e+00, v40  }
0x37c: {  	v18 =	vor.u32 v15, v18;
	v23 =	vmul.f32 $8.000000000e+00, v23;
	v17 =	vmul.f32 $8.000000000e+00, v34  }
0x37d: {  	s25 =	simm.s32 $0x0;
	v27 =	vor.u32 v15, v27;
	v20 =	vor.u32 v15, v20;
	[tilespmem:v16+s30+$0x0] =	vst.idx.msk $0xffff, v35;
	v16 =	vmul.f32 $8.000000000e+00, v42  }
0x37e: {  	s26 =	simm.s32 $0x1;
	v30 =	vor.u32 v15, v30;
	v24 =	vmul.f32 $8.000000000e+00, v24;
	v21 =	vld.idx.msk [tilespmem:v21+s20+$0x0], $0xffff;
	[tilespmem:v43+s30+$0x0] =	vst.idx.msk $0xffff, v17;
	v17 =	vadd.s32 s25, v0  }
0x37f: {  	v25 =	vmul.f32 $8.000000000e+00, v25;
	v22 =	vld.idx.msk [tilespmem:v22+s20+$0x0], $0xffff;
	v46 =	vand.u32 $0xF, v17;
	[tilespmem:v44+s30+$0x0] =	vst.idx.msk $0xffff, v16;
	v16 =	vadd.s32 s26, v0  }
0x380: {  	v26 =	vmul.f32 $8.000000000e+00, v26;
	v29 =	vor.u32 $0x20, v46;
	v19 =	vld.idx.msk [tilespmem:v31+s20+$0x0], $0xffff;
	v31 =	vand.u32 $0xF, v16  }
0x381: {  	[tilespmem:v41+s30+$0x0] =	vst.idx.msk $0xffff, v23;
	v23 =	vand.u32 $0x7, v17;
	v32 =	vand.u32 $0x28, v29;
	v31 =	vor.u32 $0x20, v31  }
0x382: {  	[tilespmem:v18+s30+$0x0] =	vst.idx.msk $0xffff, v24;
	v35 =	vor.u32 v23, v32;
	v23 =	vand.u32 $0x7, v16;
	v18 =	vand.u32 $0x28, v31  }
0x383: {  	[tilespmem:v45+s30+$0x0] =	vst.idx.msk $0xffff, v25;
	v21 =	vmul.f32 $8.000000000e+00, v21;
	v24 =	vor.u32 v1, v35;
	v34 =	vor.u32 v23, v18  }
0x384: {  	[tilespmem:v20+s30+$0x0] =	vst.idx.msk $0xffff, v26;
	v18 =	vmul.f32 $8.000000000e+00, v22;
	v20 =	vor.u32 v1, v34  }
0x385: {  	[tilespmem:v27+s30+$0x0] =	vst.idx.msk $0xffff, v21;
	v19 =	vmul.f32 $8.000000000e+00, v19  }
0x386: {  	[tilespmem:v30+s30+$0x0] =	vst.idx.msk $0xffff, v18  }
0x387: {  	[tilespmem:v28+s30+$0x0] =	vst.idx.msk $0xffff, v19  }
0x388: {  	v18 =	vld.idx.msk [tilespmem:v24+s20+$0x0], $0xffff  }
0x389: {  	v24 =	vshll.u32 v29, $0x7;
	v19 =	vld.idx.msk [tilespmem:v20+s20+$0x0], $0xffff  }
0x38a: {  	v23 =	vshll.u32 v31, $0x7;
	v20 =	vor.u32 v0, v24  }
0x38b: {  	v21 =	vor.u32 v2, v35;
	v22 =	vor.u32 v0, v23  }
0x38c: {  	v25 =	vor.u32 v2, v34  }
0x38d: {  	v26 =	vmul.f32 $8.000000000e+00, v18  }
0x38e: {  	v19 =	vmul.f32 $8.000000000e+00, v19  }
0x38f: {  	s28 =	simm.s32 $0x2;
	[tilespmem:v20+s30+$0x0] =	vst.idx.msk $0xffff, v26  }
0x390: {  	v18 =	vadd.s32 s28, v0;
	v21 =	vld.idx.msk [tilespmem:v21+s20+$0x0], $0xffff;
	[tilespmem:v22+s30+$0x0] =	vst.idx.msk $0xffff, v19  }
0x391: {  	v30 =	vor.u32 v3, v23;
	v20 =	vand.u32 $0xF, v18;
	v22 =	vld.idx.msk [tilespmem:v25+s20+$0x0], $0xffff  }
0x392: {  	s26 =	simm.s32 $0x3;
	v29 =	vor.u32 v4, v35;
	v27 =	vor.u32 v3, v24;
	v19 =	vor.u32 $0x20, v20  }
0x393: {  	v20 =	vadd.s32 s26, v0;
	v25 =	vand.u32 $0x7, v18;
	v26 =	vand.u32 $0x28, v19  }
0x394: {  	v28 =	vor.u32 v25, v26;
	v25 =	vor.u32 v4, v34;
	v26 =	vand.u32 $0xF, v20  }
0x395: {  	v48 =	vand.u32 $0x7, v20;
	v26 =	vor.u32 $0x20, v26;
	v21 =	vmul.f32 $8.000000000e+00, v21  }
0x396: {  	v31 =	vor.u32 v1, v28;
	v47 =	vand.u32 $0x28, v26;
	v22 =	vmul.f32 $8.000000000e+00, v22  }
0x397: {  	[tilespmem:v27+s30+$0x0] =	vst.idx.msk $0xffff, v21;
	v27 =	vor.u32 v48, v47  }
0x398: {  	v21 =	vld.idx.msk [tilespmem:v29+s20+$0x0], $0xffff;
	[tilespmem:v30+s30+$0x0] =	vst.idx.msk $0xffff, v22;
	v22 =	vor.u32 v1, v27  }
0x399: {  	v29 =	vld.idx.msk [tilespmem:v25+s20+$0x0], $0xffff  }
0x39a: {  	v30 =	vor.u32 v5, v24  }
0x39b: {  	v49 =	vor.u32 v6, v35;
	v50 =	vor.u32 v5, v23;
	v31 =	vld.idx.msk [tilespmem:v31+s20+$0x0], $0xffff  }
0x39c: {  	v25 =	vshll.u32 v19, $0x7;
	v19 =	vor.u32 v6, v34  }
0x39d: {  	v51 =	vor.u32 v0, v25;
	v21 =	vmul.f32 $8.000000000e+00, v21;
	v22 =	vld.idx.msk [tilespmem:v22+s20+$0x0], $0xffff  }
0x39e: {  	v52 =	vor.u32 v2, v28;
	v26 =	vshll.u32 v26, $0x7;
	v29 =	vmul.f32 $8.000000000e+00, v29  }
0x39f: {  	[tilespmem:v30+s30+$0x0] =	vst.idx.msk $0xffff, v21;
	v30 =	vor.u32 v0, v26  }
0x3a0: {  	v31 =	vmul.f32 $8.000000000e+00, v31;
	v32 =	vld.idx.msk [tilespmem:v49+s20+$0x0], $0xffff;
	[tilespmem:v50+s30+$0x0] =	vst.idx.msk $0xffff, v29;
	v29 =	vor.u32 v2, v27  }
0x3a1: {  	s28 =	simm.s32 $0x4;
	v19 =	vld.idx.msk [tilespmem:v19+s20+$0x0], $0xffff  }
0x3a2: {  	v21 =	vadd.s32 s28, v0;
	[tilespmem:v51+s30+$0x0] =	vst.idx.msk $0xffff, v31;
	v31 =	vor.u32 v7, v24;
	v22 =	vmul.f32 $8.000000000e+00, v22  }
0x3a3: {  	v54 =	vor.u32 v8, v35;
	v55 =	vor.u32 v7, v23;
	v53 =	vand.u32 $0xF, v21;
	v36 =	vld.idx.msk [tilespmem:v52+s20+$0x0], $0xffff  }
0x3a4: {  	v57 =	vor.u32 v3, v25;
	v33 =	vor.u32 $0x20, v53;
	[tilespmem:v30+s30+$0x0] =	vst.idx.msk $0xffff, v22;
	v30 =	vor.u32 v8, v34  }
0x3a5: {  	v56 =	vand.u32 $0x28, v33;
	v22 =	vand.u32 $0x7, v21;
	v40 =	vld.idx.msk [tilespmem:v29+s20+$0x0], $0xffff;
	v32 =	vmul.f32 $8.000000000e+00, v32  }
0x3a6: {  	v59 =	vor.u32 v4, v28;
	v29 =	vor.u32 v22, v56;
	v19 =	vmul.f32 $8.000000000e+00, v19  }
0x3a7: {  	s26 =	simm.s32 $0x5;
	v60 =	vor.u32 v3, v26;
	v61 =	vor.u32 v1, v29;
	[tilespmem:v31+s30+$0x0] =	vst.idx.msk $0xffff, v32  }
0x3a8: {  	v22 =	vadd.s32 s26, v0;
	v31 =	vmul.f32 $8.000000000e+00, v36;
	v37 =	vld.idx.msk [tilespmem:v54+s20+$0x0], $0xffff;
	[tilespmem:v55+s30+$0x0] =	vst.idx.msk $0xffff, v19;
	v19 =	vor.u32 v4, v27  }
0x3a9: {  	v41 =	vor.u32 v14, v35;
	v58 =	vor.u32 v9, v24;
	v62 =	vand.u32 $0xF, v22;
	v30 =	vld.idx.msk [tilespmem:v30+s20+$0x0], $0xffff  }
0x3aa: {  	v50 =	vor.u32 v10, v35;
	v63 =	vor.u32 $0x20, v62;
	[tilespmem:v57+s30+$0x0] =	vst.idx.msk $0xffff, v31;
	v40 =	vmul.f32 $8.000000000e+00, v40  }
0x3ab: {  	v52 =	vor.u32 v9, v23;
	v51 =	vand.u32 $0x7, v22;
	v31 =	vand.u32 $0x28, v63;
	v39 =	vld.idx.msk [tilespmem:v59+s20+$0x0], $0xffff  }
0x3ac: {  	v32 =	vor.u32 v51, v31;
	v31 =	vor.u32 v10, v34;
	v38 =	vld.idx.msk [tilespmem:v61+s20+$0x0], $0xffff;
	[tilespmem:v60+s30+$0x0] =	vst.idx.msk $0xffff, v40  }
0x3ad: {  	v42 =	vor.u32 v13, v24;
	v53 =	vor.u32 v1, v32;
	v37 =	vmul.f32 $8.000000000e+00, v37;
	v40 =	vld.idx.msk [tilespmem:v19+s20+$0x0], $0xffff  }
0x3ae: {  	v44 =	vor.u32 v8, v27;
	v54 =	vor.u32 v5, v25;
	v19 =	vmul.f32 $8.000000000e+00, v30  }
0x3af: {  	v56 =	vor.u32 v5, v26;
	v55 =	vor.u32 v6, v28;
	v30 =	vshll.u32 v33, $0x7;
	[tilespmem:v58+s30+$0x0] =	vst.idx.msk $0xffff, v37  }
0x3b0: {  	v57 =	vor.u32 v0, v30;
	v58 =	vor.u32 v6, v27;
	v37 =	vld.idx.msk [tilespmem:v50+s20+$0x0], $0xffff;
	[tilespmem:v52+s30+$0x0] =	vst.idx.msk $0xffff, v19  }
0x3b1: {  	v49 =	vor.u32 v11, v24;
	v60 =	vor.u32 v2, v29;
	v39 =	vmul.f32 $8.000000000e+00, v39;
	v59 =	vld.idx.msk [tilespmem:v31+s20+$0x0], $0xffff  }
0x3b2: {  	v46 =	vor.u32 v3, v30;
	v48 =	vld.idx.msk [tilespmem:v53+s20+$0x0], $0xffff;
	v38 =	vmul.f32 $8.000000000e+00, v38;
	v61 =	vmul.f32 $8.000000000e+00, v40  }
0x3b3: {  	v31 =	vshll.u32 v63, $0x7;
	[tilespmem:v54+s30+$0x0] =	vst.idx.msk $0xffff, v39;
	v39 =	vor.u32 v12, v35;
	v40 =	vor.u32 v11, v23  }
0x3b4: {  	v63 =	vor.u32 v12, v34;
	v43 =	vor.u32 v0, v31;
	v62 =	vld.idx.msk [tilespmem:v55+s20+$0x0], $0xffff;
	[tilespmem:v56+s30+$0x0] =	vst.idx.msk $0xffff, v61  }
0x3b5: {  	[tilespmem:v57+s30+$0x0] =	vst.idx.msk $0xffff, v38;
	v57 =	vor.u32 v2, v32;
	v37 =	vmul.f32 $8.000000000e+00, v37;
	v58 =	vld.idx.msk [tilespmem:v58+s20+$0x0], $0xffff  }
0x3b6: {  	s28 =	simm.s32 $0x6;
	v53 =	vor.u32 v7, v25;
	v54 =	vor.u32 v8, v28;
	v59 =	vmul.f32 $8.000000000e+00, v59  }
0x3b7: {  	v19 =	vadd.s32 s28, v0;
	v55 =	vor.u32 v7, v26;
	v52 =	vld.idx.msk [tilespmem:v60+s20+$0x0], $0xffff;
	v60 =	vmul.f32 $8.000000000e+00, v48;
	[tilespmem:v49+s30+$0x0] =	vst.idx.msk $0xffff, v37  }
0x3b8: {  	v51 =	vand.u32 $0x7, v19;
	v34 =	vor.u32 v14, v34;
	v56 =	vand.u32 $0xF, v19;
	[tilespmem:v40+s30+$0x0] =	vst.idx.msk $0xffff, v59;
	v45 =	vld.idx.msk [tilespmem:v39+s20+$0x0], $0xffff  }
0x3b9: {  	v38 =	vor.u32 v13, v23;
	v36 =	vor.u32 $0x20, v56;
	[tilespmem:v43+s30+$0x0] =	vst.idx.msk $0xffff, v60;
	v62 =	vmul.f32 $8.000000000e+00, v62;
	v39 =	vld.idx.msk [tilespmem:v63+s20+$0x0], $0xffff  }
0x3ba: {  	v48 =	vor.u32 v4, v29;
	v61 =	vand.u32 $0x28, v36;
	v47 =	vld.idx.msk [tilespmem:v57+s20+$0x0], $0xffff;
	v63 =	vmul.f32 $8.000000000e+00, v58  }
0x3bb: {  	v37 =	vor.u32 v9, v25;
	v33 =	vor.u32 v51, v61;
	[tilespmem:v53+s30+$0x0] =	vst.idx.msk $0xffff, v62  }
0x3bc: {  	s25 =	simm.s32 $0x8;
	s26 =	simm.s32 $0x7;
	v49 =	vor.u32 v3, v31;
	v50 =	vmul.f32 $8.000000000e+00, v52;
	v43 =	vld.idx.msk [tilespmem:v54+s20+$0x0], $0xffff;
	[tilespmem:v55+s30+$0x0] =	vst.idx.msk $0xffff, v63  }
.LBB2_15:
0x3bd: {  	p0 =	slt.u32 s25, $0xE;
	v35 =	vadd.s32 s26, v0;
	v40 =	vor.u32 v4, v32;
	v44 =	vld.idx.msk [tilespmem:v44+s20+$0x0], $0xffff;
	v45 =	vmul.f32 $8.000000000e+00, v45;
	v51 =	vmovc v27;
	v27 =	vmovc v32  }
0x3be: {  	v52 =	vor.u32 v1, v33;
	v39 =	vmul.f32 $8.000000000e+00, v39;
	v53 =	vmovc v28;
	v32 =	vand.u32 $0xF, v35;
	[tilespmem:v46+s30+$0x0] =	vst.idx.msk $0xffff, v50  }
0x3bf: {  	v50 =	vmul.f32 $8.000000000e+00, v47;
	v47 =	vor.u32 v10, v53;
	v46 =	vor.u32 $0x20, v32;
	v48 =	vld.idx.msk [tilespmem:v48+s20+$0x0], $0xffff;
	[tilespmem:v42+s30+$0x0] =	vst.idx.msk $0xffff, v45  }
0x3c0: {  	v35 =	vand.u32 $0x7, v35;
	v42 =	vor.u32 v9, v26;
	v32 =	vand.u32 $0x28, v46;
	v41 =	vld.idx.msk [tilespmem:v41+s20+$0x0], $0xffff;
	[tilespmem:v38+s30+$0x0] =	vst.idx.msk $0xffff, v39  }
0x3c1: {  	v32 =	vor.u32 v35, v32;
	[tilespmem:v49+s30+$0x0] =	vst.idx.msk $0xffff, v50;
	v35 =	vor.u32 v10, v51;
	v34 =	vld.idx.msk [tilespmem:v34+s20+$0x0], $0xffff  }
0x3c2: {  	v28 =	vmovc v29;
	v39 =	vor.u32 v5, v30;
	v43 =	vmul.f32 $8.000000000e+00, v43;
	v38 =	vor.u32 v1, v32;
	v40 =	vld.idx.msk [tilespmem:v40+s20+$0x0], $0xffff  }
0x3c3: {  	v29 =	vmovc v33;
	v49 =	vor.u32 v15, v24;
	v24 =	vmovc v25;
	v25 =	vmov v30;
	v44 =	vmul.f32 $8.000000000e+00, v44;
	v45 =	vld.idx.msk [tilespmem:v52+s20+$0x0], $0xffff  }
0x3c4: {  	v33 =	vor.u32 v6, v28;
	[tilespmem:v37+s30+$0x0] =	vst.idx.msk $0xffff, v43;
	v37 =	vor.u32 v15, v23;
	v23 =	vmov v26  }
0x3c5: {  	v30 =	vshll.u32 v36, $0x7;
	v36 =	vmul.f32 $8.000000000e+00, v48;
	v43 =	vor.u32 v5, v31;
	v47 =	vld.idx.msk [tilespmem:v47+s20+$0x0], $0xffff;
	[tilespmem:v42+s30+$0x0] =	vst.idx.msk $0xffff, v44  }
0x3c6: {  	v26 =	vmovc v31;
	v42 =	vor.u32 v0, v30;
	v44 =	vor.u32 v6, v27;
	v41 =	vmul.f32 $8.000000000e+00, v41;
	v35 =	vld.idx.msk [tilespmem:v35+s20+$0x0], $0xffff  }
0x3c7: {  	v50 =	vor.u32 v2, v29;
	v48 =	vadd.s32 s25, v0;
	v34 =	vmul.f32 $8.000000000e+00, v34;
	v38 =	vld.idx.msk [tilespmem:v38+s20+$0x0], $0xffff;
	[tilespmem:v39+s30+$0x0] =	vst.idx.msk $0xffff, v36  }
0x3c8: {  	v36 =	vmul.f32 $8.000000000e+00, v40;
	v39 =	vor.u32 v11, v24;
	v40 =	vor.u32 v12, v53;
	[tilespmem:v49+s30+$0x0] =	vst.idx.msk $0xffff, v41  }
0x3c9: {  	v31 =	vshll.u32 v46, $0x7;
	v46 =	vor.u32 v11, v23;
	v41 =	vmul.f32 $8.000000000e+00, v45;
	[tilespmem:v37+s30+$0x0] =	vst.idx.msk $0xffff, v34  }
0x3ca: {  	v34 =	vor.u32 v0, v31;
	v37 =	vor.u32 v12, v51;
	v33 =	vld.idx.msk [tilespmem:v33+s20+$0x0], $0xffff;
	[tilespmem:v43+s30+$0x0] =	vst.idx.msk $0xffff, v36  }
0x3cb: {  	v36 =	vand.u32 $0xF, v48;
	[tilespmem:v42+s30+$0x0] =	vst.idx.msk $0xffff, v41;
	v41 =	vor.u32 v2, v32;
	v43 =	vld.idx.msk [tilespmem:v44+s20+$0x0], $0xffff;
	v42 =	vmul.f32 $8.000000000e+00, v47  }
0x3cc: {  	v48 =	vand.u32 $0x7, v48;
	v36 =	vor.u32 $0x20, v36;
	v35 =	vmul.f32 $8.000000000e+00, v35;
	v49 =	vld.idx.msk [tilespmem:v50+s20+$0x0], $0xffff  }
0x3cd: {  	v52 =	vor.u32 v7, v25;
	v50 =	vand.u32 $0x28, v36;
	v38 =	vmul.f32 $8.000000000e+00, v38;
	[tilespmem:v39+s30+$0x0] =	vst.idx.msk $0xffff, v42  }
0x3ce: {  	v54 =	vor.u32 v8, v28;
	v55 =	vor.u32 v7, v26;
	v45 =	vld.idx.msk [tilespmem:v40+s20+$0x0], $0xffff;
	[tilespmem:v46+s30+$0x0] =	vst.idx.msk $0xffff, v35  }
.Ltmp6:
0x3cf: {  	v44 =	vor.u32 v8, v27;
	v42 =	vor.u32 v13, v24;
	[tilespmem:v34+s30+$0x0] =	vst.idx.msk $0xffff, v38;
	v39 =	vld.idx.msk [tilespmem:v37+s20+$0x0], $0xffff;
	(pc) =	sbr.rel @p0 .LBB2_15-.Ltmp6, $4  }
0x3d0: {  	v46 =	vor.u32 v3, v30;
	v34 =	vmul.f32 $8.000000000e+00, v33;
	v37 =	vor.u32 v9, v25;
	v47 =	vld.idx.msk [tilespmem:v41+s20+$0x0], $0xffff  }
0x3d1: {  	v33 =	vor.u32 v48, v50;
	v48 =	vor.u32 v4, v29;
	v35 =	vmul.f32 $8.000000000e+00, v43  }
0x3d2: {  	v38 =	vor.u32 v13, v23;
	v41 =	vor.u32 v14, v53;
	v50 =	vmul.f32 $8.000000000e+00, v49;
	[tilespmem:v52+s30+$0x0] =	vst.idx.msk $0xffff, v34  }
0x3d3: {  	s26 =	sadd.s32 $0x1, s25;
	s25 =	sadd.s32 $0x2, s25;
	v49 =	vor.u32 v3, v31;
	v34 =	vor.u32 v14, v51;
	v43 =	vld.idx.msk [tilespmem:v54+s20+$0x0], $0xffff;
	[tilespmem:v55+s30+$0x0] =	vst.idx.msk $0xffff, v35  }
0x3d4: {  	v35 =	vadd.s32 s26, v0  }
0x3d5: {  	v40 =	vand.u32 $0xF, v35  }
0x3d6: {  	v51 =	vor.u32 $0x20, v40  }
0x3d7: {  	v35 =	vand.u32 $0x7, v35;
	v40 =	vand.u32 $0x28, v51  }
0x3d8: {  	v52 =	vor.u32 v1, v33;
	v40 =	vor.u32 v35, v40  }
0x3d9: {  	v35 =	vor.u32 v1, v40;
	_ =	sdelay $0x3  }
0x3da: {  	v52 =	vld.idx.msk [tilespmem:v52+s20+$0x0], $0xffff  }
0x3db: {  	v36 =	vshll.u32 v36, $0x7;
	v53 =	vld.idx.msk [tilespmem:v35+s20+$0x0], $0xffff  }
0x3dc: {  	v54 =	vor.u32 v0, v36;
	v35 =	vshll.u32 v51, $0x7  }
0x3dd: {  	v63 =	vor.u32 v2, v33;
	v55 =	vor.u32 v0, v35  }
0x3de: {  	v56 =	vor.u32 v2, v40  }
0x3df: {  	v52 =	vmul.f32 $8.000000000e+00, v52  }
0x3e0: {  	v53 =	vmul.f32 $8.000000000e+00, v53  }
0x3e1: {  	[tilespmem:v54+s30+$0x0] =	vst.idx.msk $0xffff, v52  }
0x3e2: {  	v51 =	vld.idx.msk [tilespmem:v63+s20+$0x0], $0xffff;
	[tilespmem:v55+s30+$0x0] =	vst.idx.msk $0xffff, v53  }
0x3e3: {  	v52 =	vld.idx.msk [tilespmem:v56+s20+$0x0], $0xffff  }
0x3e4: {  	v60 =	vor.u32 v4, v32;
	v61 =	vor.u32 v3, v36  }
0x3e5: {  	v62 =	vor.u32 v4, v33;
	v63 =	vor.u32 v3, v35  }
0x3e6: {  	v47 =	vmul.f32 $8.000000000e+00, v47;
	v57 =	vor.u32 v4, v40  }
0x3e7: {  	[tilespmem:v46+s30+$0x0] =	vst.idx.msk $0xffff, v50;
	v58 =	vmul.f32 $8.000000000e+00, v51  }
0x3e8: {  	v48 =	vld.idx.msk [tilespmem:v48+s20+$0x0], $0xffff;
	[tilespmem:v49+s30+$0x0] =	vst.idx.msk $0xffff, v47;
	v59 =	vmul.f32 $8.000000000e+00, v52  }
0x3e9: {  	v49 =	vld.idx.msk [tilespmem:v60+s20+$0x0], $0xffff;
	[tilespmem:v61+s30+$0x0] =	vst.idx.msk $0xffff, v58  }
0x3ea: {  	v46 =	vor.u32 v5, v30;
	v50 =	vld.idx.msk [tilespmem:v62+s20+$0x0], $0xffff;
	[tilespmem:v63+s30+$0x0] =	vst.idx.msk $0xffff, v59  }
0x3eb: {  	v47 =	vor.u32 v6, v29;
	v51 =	vor.u32 v5, v31;
	v60 =	vld.idx.msk [tilespmem:v57+s20+$0x0], $0xffff  }
0x3ec: {  	v54 =	vor.u32 v5, v36;
	v53 =	vor.u32 v6, v32  }
0x3ed: {  	v48 =	vmul.f32 $8.000000000e+00, v48;
	v61 =	vor.u32 v6, v33;
	v62 =	vor.u32 v5, v35  }
0x3ee: {  	v49 =	vmul.f32 $8.000000000e+00, v49;
	v63 =	vor.u32 v6, v40  }
0x3ef: {  	[tilespmem:v46+s30+$0x0] =	vst.idx.msk $0xffff, v48;
	v59 =	vmul.f32 $8.000000000e+00, v50  }
0x3f0: {  	v47 =	vld.idx.msk [tilespmem:v47+s20+$0x0], $0xffff;
	[tilespmem:v51+s30+$0x0] =	vst.idx.msk $0xffff, v49;
	v60 =	vmul.f32 $8.000000000e+00, v60  }
0x3f1: {  	v49 =	vld.idx.msk [tilespmem:v53+s20+$0x0], $0xffff;
	[tilespmem:v54+s30+$0x0] =	vst.idx.msk $0xffff, v59  }
0x3f2: {  	v46 =	vor.u32 v7, v30;
	v61 =	vld.idx.msk [tilespmem:v61+s20+$0x0], $0xffff;
	[tilespmem:v62+s30+$0x0] =	vst.idx.msk $0xffff, v60  }
0x3f3: {  	v48 =	vor.u32 v8, v29;
	v51 =	vor.u32 v7, v31;
	v62 =	vld.idx.msk [tilespmem:v63+s20+$0x0], $0xffff  }
0x3f4: {  	v45 =	vmul.f32 $8.000000000e+00, v45;
	v54 =	vor.u32 v7, v36;
	v63 =	vor.u32 v8, v32  }
0x3f5: {  	v47 =	vmul.f32 $8.000000000e+00, v47;
	v55 =	vor.u32 v8, v33;
	v56 =	vor.u32 v7, v35  }
0x3f6: {  	[tilespmem:v42+s30+$0x0] =	vst.idx.msk $0xffff, v45;
	v45 =	vor.u32 v8, v40;
	v60 =	vmul.f32 $8.000000000e+00, v49  }
0x3f7: {  	v44 =	vld.idx.msk [tilespmem:v44+s20+$0x0], $0xffff;
	[tilespmem:v46+s30+$0x0] =	vst.idx.msk $0xffff, v47;
	v61 =	vmul.f32 $8.000000000e+00, v61  }
0x3f8: {  	v39 =	vmul.f32 $8.000000000e+00, v39;
	v47 =	vld.idx.msk [tilespmem:v48+s20+$0x0], $0xffff;
	[tilespmem:v51+s30+$0x0] =	vst.idx.msk $0xffff, v60;
	v62 =	vmul.f32 $8.000000000e+00, v62  }
0x3f9: {  	v48 =	vor.u32 v10, v28;
	v49 =	vor.u32 v9, v26;
	[tilespmem:v54+s30+$0x0] =	vst.idx.msk $0xffff, v61;
	v63 =	vld.idx.msk [tilespmem:v63+s20+$0x0], $0xffff  }
0x3fa: {  	v46 =	vor.u32 v10, v27;
	v51 =	vor.u32 v9, v30;
	v57 =	vld.idx.msk [tilespmem:v55+s20+$0x0], $0xffff;
	[tilespmem:v56+s30+$0x0] =	vst.idx.msk $0xffff, v62  }
0x3fb: {  	v58 =	vmul.f32 $8.000000000e+00, v43;
	v59 =	vor.u32 v10, v29;
	v60 =	vor.u32 v9, v31;
	v45 =	vld.idx.msk [tilespmem:v45+s20+$0x0], $0xffff  }
0x3fc: {  	[tilespmem:v38+s30+$0x0] =	vst.idx.msk $0xffff, v39;
	v44 =	vmul.f32 $8.000000000e+00, v44;
	v61 =	vor.u32 v10, v32;
	v55 =	vor.u32 v9, v36  }
0x3fd: {  	v42 =	vor.u32 v10, v33;
	[tilespmem:v37+s30+$0x0] =	vst.idx.msk $0xffff, v58;
	v62 =	vmul.f32 $8.000000000e+00, v47;
	v47 =	vor.u32 v9, v35  }
0x3fe: {  	[tilespmem:v49+s30+$0x0] =	vst.idx.msk $0xffff, v44;
	v44 =	vld.idx.msk [tilespmem:v48+s20+$0x0], $0xffff;
	v49 =	vor.u32 v10, v40;
	v63 =	vmul.f32 $8.000000000e+00, v63  }
0x3ff: {  	v56 =	vld.idx.msk [tilespmem:v46+s20+$0x0], $0xffff;
	v57 =	vmul.f32 $8.000000000e+00, v57;
	[tilespmem:v51+s30+$0x0] =	vst.idx.msk $0xffff, v62  }
0x400: {  	v58 =	vor.u32 v11, v25;
	v43 =	vld.idx.msk [tilespmem:v59+s20+$0x0], $0xffff;
	[tilespmem:v60+s30+$0x0] =	vst.idx.msk $0xffff, v63;
	v45 =	vmul.f32 $8.000000000e+00, v45  }
0x401: {  	v59 =	vor.u32 v12, v28;
	[tilespmem:v55+s30+$0x0] =	vst.idx.msk $0xffff, v57;
	v60 =	vor.u32 v11, v26;
	v61 =	vld.idx.msk [tilespmem:v61+s20+$0x0], $0xffff  }
0x402: {  	v46 =	vor.u32 v12, v27;
	v62 =	vor.u32 v11, v30;
	v42 =	vld.idx.msk [tilespmem:v42+s20+$0x0], $0xffff;
	[tilespmem:v47+s30+$0x0] =	vst.idx.msk $0xffff, v45  }
0x403: {  	v54 =	vor.u32 v11, v31;
	v44 =	vmul.f32 $8.000000000e+00, v44;
	v63 =	vor.u32 v12, v29;
	v49 =	vld.idx.msk [tilespmem:v49+s20+$0x0], $0xffff  }
0x404: {  	v41 =	vld.idx.msk [tilespmem:v41+s20+$0x0], $0xffff;
	v55 =	vor.u32 v12, v32;
	v37 =	vmul.f32 $8.000000000e+00, v56;
	v56 =	vor.u32 v11, v36  }
0x405: {  	v57 =	vor.u32 v12, v33;
	[tilespmem:v58+s30+$0x0] =	vst.idx.msk $0xffff, v44;
	v58 =	vor.u32 v11, v35;
	v43 =	vmul.f32 $8.000000000e+00, v43  }
0x406: {  	v59 =	vld.idx.msk [tilespmem:v59+s20+$0x0], $0xffff;
	[tilespmem:v60+s30+$0x0] =	vst.idx.msk $0xffff, v37;
	v60 =	vmul.f32 $8.000000000e+00, v61;
	v61 =	vor.u32 v12, v40  }
0x407: {  	v24 =	vor.u32 v15, v24;
	v42 =	vmul.f32 $8.000000000e+00, v42;
	[tilespmem:v62+s30+$0x0] =	vst.idx.msk $0xffff, v43;
	v46 =	vld.idx.msk [tilespmem:v46+s20+$0x0], $0xffff  }
0x408: {  	v62 =	vor.u32 v13, v25;
	v45 =	vld.idx.msk [tilespmem:v63+s20+$0x0], $0xffff;
	[tilespmem:v54+s30+$0x0] =	vst.idx.msk $0xffff, v60;
	v63 =	vmul.f32 $8.000000000e+00, v49  }
0x409: {  	v52 =	vor.u32 v13, v26;
	v28 =	vor.u32 v14, v28;
	[tilespmem:v56+s30+$0x0] =	vst.idx.msk $0xffff, v42;
	v38 =	vld.idx.msk [tilespmem:v55+s20+$0x0], $0xffff  }
0x40a: {  	v53 =	vor.u32 v13, v30;
	v27 =	vor.u32 v14, v27;
	v42 =	vld.idx.msk [tilespmem:v57+s20+$0x0], $0xffff;
	[tilespmem:v58+s30+$0x0] =	vst.idx.msk $0xffff, v63  }
0x40b: {  	v29 =	vor.u32 v14, v29;
	v37 =	vmul.f32 $8.000000000e+00, v59;
	v54 =	vor.u32 v13, v31;
	v47 =	vld.idx.msk [tilespmem:v61+s20+$0x0], $0xffff  }
0x40c: {  	v34 =	vld.idx.msk [tilespmem:v34+s20+$0x0], $0xffff;
	v56 =	vor.u32 v13, v36;
	v55 =	vor.u32 v14, v32;
	v46 =	vmul.f32 $8.000000000e+00, v46  }
0x40d: {  	v59 =	vor.u32 v13, v35;
	[tilespmem:v62+s30+$0x0] =	vst.idx.msk $0xffff, v37;
	v57 =	vmul.f32 $8.000000000e+00, v45;
	v58 =	vor.u32 v14, v33  }
0x40e: {  	v40 =	vor.u32 v14, v40;
	v28 =	vld.idx.msk [tilespmem:v28+s20+$0x0], $0xffff;
	[tilespmem:v52+s30+$0x0] =	vst.idx.msk $0xffff, v46;
	v38 =	vmul.f32 $8.000000000e+00, v38  }
0x40f: {  	v23 =	vor.u32 v15, v23;
	v60 =	vmul.f32 $8.000000000e+00, v42;
	[tilespmem:v53+s30+$0x0] =	vst.idx.msk $0xffff, v57;
	v27 =	vld.idx.msk [tilespmem:v27+s20+$0x0], $0xffff  }
0x410: {  	v25 =	vor.u32 v15, v25;
	v29 =	vld.idx.msk [tilespmem:v29+s20+$0x0], $0xffff;
	[tilespmem:v54+s30+$0x0] =	vst.idx.msk $0xffff, v38;
	v61 =	vmul.f32 $8.000000000e+00, v47  }
0x411: {  	v26 =	vor.u32 v15, v26;
	v62 =	vmul.f32 $8.000000000e+00, v41;
	[tilespmem:v56+s30+$0x0] =	vst.idx.msk $0xffff, v60;
	v32 =	vld.idx.msk [tilespmem:v55+s20+$0x0], $0xffff  }
0x412: {  	v34 =	vmul.f32 $8.000000000e+00, v34;
	v30 =	vor.u32 v15, v30;
	v33 =	vld.idx.msk [tilespmem:v58+s20+$0x0], $0xffff;
	[tilespmem:v59+s30+$0x0] =	vst.idx.msk $0xffff, v61  }
0x413: {  	v31 =	vor.u32 v15, v31;
	[tilespmem:v24+s30+$0x0] =	vst.idx.msk $0xffff, v62;
	v24 =	vmul.f32 $8.000000000e+00, v28;
	v63 =	vld.idx.msk [tilespmem:v40+s20+$0x0], $0xffff  }
0x414: {  	v39 =	vor.u32 $0x30, v17;
	[tilespmem:v23+s30+$0x0] =	vst.idx.msk $0xffff, v34;
	v23 =	vmul.f32 $8.000000000e+00, v27;
	v27 =	vor.u32 v15, v36  }
0x415: {  	v28 =	vand.u32 $0x3F, v39;
	[tilespmem:v25+s30+$0x0] =	vst.idx.msk $0xffff, v24;
	v24 =	vor.u32 v15, v35;
	v17 =	vmul.f32 $8.000000000e+00, v29  }
0x416: {  	v16 =	vor.u32 $0x30, v16;
	v25 =	vor.u32 v1, v28;
	[tilespmem:v26+s30+$0x0] =	vst.idx.msk $0xffff, v23;
	v23 =	vmul.f32 $8.000000000e+00, v32  }
0x417: {  	[tilespmem:v30+s30+$0x0] =	vst.idx.msk $0xffff, v17;
	v26 =	vmul.f32 $8.000000000e+00, v33;
	v17 =	vand.u32 $0x3F, v16  }
0x418: {  	v29 =	vor.u32 v1, v17;
	[tilespmem:v31+s30+$0x0] =	vst.idx.msk $0xffff, v23;
	v23 =	vmul.f32 $8.000000000e+00, v63  }
0x419: {  	[tilespmem:v27+s30+$0x0] =	vst.idx.msk $0xffff, v26  }
0x41a: {  	[tilespmem:v24+s30+$0x0] =	vst.idx.msk $0xffff, v23  }
0x41b: {  	v23 =	vld.idx.msk [tilespmem:v25+s20+$0x0], $0xffff  }
0x41c: {  	v27 =	vshll.u32 v39, $0x7  }
0x41d: {  	v24 =	vor.u32 v0, v27;
	v25 =	vld.idx.msk [tilespmem:v29+s20+$0x0], $0xffff  }
0x41e: {  	v16 =	vshll.u32 v16, $0x7;
	v26 =	vor.u32 v2, v28  }
0x41f: {  	v29 =	vor.u32 v0, v16  }
0x420: {  	v30 =	vor.u32 v2, v17;
	v23 =	vmul.f32 $8.000000000e+00, v23;
	_ =	sdelay $0x1  }
0x421: {  	[tilespmem:v24+s30+$0x0] =	vst.idx.msk $0xffff, v23;
	v23 =	vmul.f32 $8.000000000e+00, v25  }
0x422: {  	v24 =	vld.idx.msk [tilespmem:v26+s20+$0x0], $0xffff  }
0x423: {  	[tilespmem:v29+s30+$0x0] =	vst.idx.msk $0xffff, v23  }
0x424: {  	v18 =	vor.u32 $0x30, v18;
	v25 =	vor.u32 v3, v27;
	v26 =	vld.idx.msk [tilespmem:v30+s20+$0x0], $0xffff  }
0x425: {  	v23 =	vand.u32 $0x3F, v18;
	v29 =	vor.u32 v4, v28  }
0x426: {  	v31 =	vor.u32 v3, v16;
	v30 =	vor.u32 v1, v23  }
0x427: {  	v40 =	vor.u32 v4, v17;
	v24 =	vmul.f32 $8.000000000e+00, v24  }
0x428: {  	v41 =	vor.u32 $0x30, v20  }
0x429: {  	v20 =	vand.u32 $0x3F, v41;
	[tilespmem:v25+s30+$0x0] =	vst.idx.msk $0xffff, v24;
	v24 =	vmul.f32 $8.000000000e+00, v26  }
0x42a: {  	v25 =	vor.u32 v1, v20;
	v26 =	vld.idx.msk [tilespmem:v29+s20+$0x0], $0xffff  }
0x42b: {  	v29 =	vld.idx.msk [tilespmem:v30+s20+$0x0], $0xffff;
	[tilespmem:v31+s30+$0x0] =	vst.idx.msk $0xffff, v24  }
0x42c: {  	v24 =	vshll.u32 v18, $0x7;
	v31 =	vor.u32 v5, v27;
	v30 =	vld.idx.msk [tilespmem:v40+s20+$0x0], $0xffff  }
0x42d: {  	v42 =	vor.u32 v6, v28;
	v43 =	vor.u32 v0, v24  }
0x42e: {  	v45 =	vor.u32 v5, v16;
	v44 =	vor.u32 v2, v23  }
0x42f: {  	v46 =	vor.u32 v6, v17;
	v25 =	vld.idx.msk [tilespmem:v25+s20+$0x0], $0xffff;
	v26 =	vmul.f32 $8.000000000e+00, v26  }
0x430: {  	v18 =	vshll.u32 v41, $0x7;
	v29 =	vmul.f32 $8.000000000e+00, v29  }
0x431: {  	v33 =	vor.u32 v0, v18;
	[tilespmem:v31+s30+$0x0] =	vst.idx.msk $0xffff, v26;
	v26 =	vmul.f32 $8.000000000e+00, v30  }
0x432: {  	[tilespmem:v43+s30+$0x0] =	vst.idx.msk $0xffff, v29;
	v29 =	vor.u32 v2, v20;
	v30 =	vld.idx.msk [tilespmem:v42+s20+$0x0], $0xffff  }
0x433: {  	v31 =	vld.idx.msk [tilespmem:v44+s20+$0x0], $0xffff;
	[tilespmem:v45+s30+$0x0] =	vst.idx.msk $0xffff, v26  }
0x434: {  	v47 =	vor.u32 v7, v27;
	v25 =	vmul.f32 $8.000000000e+00, v25;
	v26 =	vld.idx.msk [tilespmem:v46+s20+$0x0], $0xffff  }
0x435: {  	v48 =	vor.u32 v3, v24  }
0x436: {  	v49 =	vor.u32 v8, v28;
	v50 =	vor.u32 v7, v16;
	[tilespmem:v33+s30+$0x0] =	vst.idx.msk $0xffff, v25  }
0x437: {  	v21 =	vor.u32 $0x30, v21;
	v51 =	vor.u32 v8, v17;
	v29 =	vld.idx.msk [tilespmem:v29+s20+$0x0], $0xffff;
	v30 =	vmul.f32 $8.000000000e+00, v30  }
0x438: {  	v52 =	vor.u32 v4, v23;
	v25 =	vand.u32 $0x3F, v21;
	v31 =	vmul.f32 $8.000000000e+00, v31  }
0x439: {  	v54 =	vor.u32 v3, v18;
	v53 =	vor.u32 v1, v25;
	[tilespmem:v47+s30+$0x0] =	vst.idx.msk $0xffff, v30;
	v30 =	vmul.f32 $8.000000000e+00, v26  }
0x43a: {  	[tilespmem:v48+s30+$0x0] =	vst.idx.msk $0xffff, v31;
	v31 =	vor.u32 v4, v20  }
0x43b: {  	v22 =	vor.u32 $0x30, v22;
	v32 =	vld.idx.msk [tilespmem:v49+s20+$0x0], $0xffff;
	[tilespmem:v50+s30+$0x0] =	vst.idx.msk $0xffff, v30  }
0x43c: {  	v26 =	vand.u32 $0x3F, v22;
	v29 =	vmul.f32 $8.000000000e+00, v29;
	v33 =	vld.idx.msk [tilespmem:v51+s20+$0x0], $0xffff  }
0x43d: {  	v34 =	vor.u32 v8, v20;
	v55 =	vor.u32 v9, v27;
	v56 =	vld.idx.msk [tilespmem:v52+s20+$0x0], $0xffff;
	v30 =	vor.u32 v1, v26  }
0x43e: {  	v57 =	vor.u32 v10, v28;
	v58 =	vld.idx.msk [tilespmem:v53+s20+$0x0], $0xffff;
	[tilespmem:v54+s30+$0x0] =	vst.idx.msk $0xffff, v29;
	v29 =	vor.u32 v9, v16  }
0x43f: {  	v60 =	vor.u32 v10, v17;
	v59 =	vor.u32 v5, v24;
	v21 =	vshll.u32 v21, $0x7;
	v31 =	vld.idx.msk [tilespmem:v31+s20+$0x0], $0xffff  }
0x440: {  	v61 =	vor.u32 v6, v23;
	v62 =	vor.u32 v0, v21;
	v32 =	vmul.f32 $8.000000000e+00, v32  }
0x441: {  	v63 =	vor.u32 v2, v25;
	v48 =	vor.u32 v5, v18;
	v49 =	vmul.f32 $8.000000000e+00, v33  }
0x442: {  	v51 =	vor.u32 v6, v20;
	v50 =	vmul.f32 $8.000000000e+00, v56;
	v30 =	vld.idx.msk [tilespmem:v30+s20+$0x0], $0xffff;
	[tilespmem:v55+s30+$0x0] =	vst.idx.msk $0xffff, v32  }
0x443: {  	v36 =	vor.u32 v8, v23;
	v22 =	vshll.u32 v22, $0x7;
	v53 =	vmul.f32 $8.000000000e+00, v58;
	v52 =	vld.idx.msk [tilespmem:v57+s20+$0x0], $0xffff;
	[tilespmem:v29+s30+$0x0] =	vst.idx.msk $0xffff, v49  }
0x444: {  	v54 =	vor.u32 v0, v22;
	[tilespmem:v59+s30+$0x0] =	vst.idx.msk $0xffff, v50;
	v29 =	vmul.f32 $8.000000000e+00, v31;
	v31 =	vld.idx.msk [tilespmem:v60+s20+$0x0], $0xffff  }
0x445: {  	v56 =	vor.u32 v2, v26;
	v55 =	vor.u32 v11, v27;
	[tilespmem:v62+s30+$0x0] =	vst.idx.msk $0xffff, v53;
	v33 =	vld.idx.msk [tilespmem:v61+s20+$0x0], $0xffff  }
0x446: {  	v58 =	vor.u32 v11, v16;
	v57 =	vor.u32 v12, v28;
	v41 =	vld.idx.msk [tilespmem:v63+s20+$0x0], $0xffff;
	[tilespmem:v48+s30+$0x0] =	vst.idx.msk $0xffff, v29  }
0x447: {  	v62 =	vor.u32 v12, v17;
	v60 =	vor.u32 v7, v24;
	v30 =	vmul.f32 $8.000000000e+00, v30;
	v59 =	vld.idx.msk [tilespmem:v51+s20+$0x0], $0xffff  }
0x448: {  	v35 =	vor.u32 v7, v18;
	v39 =	vor.u32 v3, v21;
	v61 =	vmul.f32 $8.000000000e+00, v52  }
0x449: {  	v42 =	vor.u32 v3, v22;
	v29 =	vor.u32 $0x30, v19;
	[tilespmem:v54+s30+$0x0] =	vst.idx.msk $0xffff, v30;
	v31 =	vmul.f32 $8.000000000e+00, v31  }
0x44a: {  	v19 =	vand.u32 $0x3F, v29;
	v63 =	vmul.f32 $8.000000000e+00, v33;
	v33 =	vor.u32 v13, v27;
	v38 =	vld.idx.msk [tilespmem:v56+s20+$0x0], $0xffff;
	[tilespmem:v55+s30+$0x0] =	vst.idx.msk $0xffff, v61  }
0x44b: {  	s25 =	simm.s32 $0x7;
	v30 =	vor.u32 v1, v19;
	v43 =	vmul.f32 $8.000000000e+00, v41;
	v37 =	vld.idx.msk [tilespmem:v57+s20+$0x0], $0xffff;
	[tilespmem:v58+s30+$0x0] =	vst.idx.msk $0xffff, v31  }
0x44c: {  	v41 =	vor.u32 v4, v25;
	[tilespmem:v60+s30+$0x0] =	vst.idx.msk $0xffff, v63;
	v31 =	vadd.s32 s25, v0;
	s25 =	simm.s32 $0x8;
	v40 =	vmul.f32 $8.000000000e+00, v59;
	v32 =	vld.idx.msk [tilespmem:v62+s20+$0x0], $0xffff  }
.LBB2_17:
0x44d: {  	[tilespmem:v39+s30+$0x0] =	vst.idx.msk $0xffff, v43  }
0x44e: {  	p0 =	slt.u32 s25, $0xE;
	v31 =	vor.u32 $0x30, v31;
	v39 =	vor.u32 v4, v26;
	v36 =	vld.idx.msk [tilespmem:v36+s20+$0x0], $0xffff;
	v43 =	vmovc v23;
	v23 =	vmovc v25;
	v25 =	vmov v19  }
0x44f: {  	v28 =	vor.u32 v14, v28;
	v19 =	vand.u32 $0x3F, v31;
	[tilespmem:v35+s30+$0x0] =	vst.idx.msk $0xffff, v40;
	v35 =	vor.u32 v15, v27  }
0x450: {  	v44 =	vor.u32 v13, v16;
	v38 =	vmul.f32 $8.000000000e+00, v38;
	v27 =	vmovc v24;
	v40 =	vor.u32 v1, v19;
	v34 =	vld.idx.msk [tilespmem:v34+s20+$0x0], $0xffff  }
0x451: {  	v45 =	vor.u32 v14, v17;
	v17 =	vmovc v20;
	v37 =	vmul.f32 $8.000000000e+00, v37;
	v24 =	vld.idx.msk [tilespmem:v41+s20+$0x0], $0xffff;
	v41 =	vor.u32 v9, v27  }
0x452: {  	v46 =	vor.u32 v6, v23;
	v30 =	vld.idx.msk [tilespmem:v30+s20+$0x0], $0xffff;
	[tilespmem:v42+s30+$0x0] =	vst.idx.msk $0xffff, v38;
	v38 =	vor.u32 v10, v43  }
0x453: {  	v29 =	vshll.u32 v29, $0x7;
	v42 =	vor.u32 v9, v18;
	v32 =	vmul.f32 $8.000000000e+00, v32;
	v39 =	vld.idx.msk [tilespmem:v39+s20+$0x0], $0xffff;
	[tilespmem:v33+s30+$0x0] =	vst.idx.msk $0xffff, v37  }
0x454: {  	v20 =	vmovc v26;
	v33 =	vor.u32 v5, v21;
	v36 =	vmul.f32 $8.000000000e+00, v36;
	v37 =	vor.u32 v10, v17;
	v28 =	vld.idx.msk [tilespmem:v28+s20+$0x0], $0xffff  }
0x455: {  	v47 =	vor.u32 v0, v29;
	v48 =	vor.u32 v2, v25;
	v40 =	vld.idx.msk [tilespmem:v40+s20+$0x0], $0xffff;
	[tilespmem:v44+s30+$0x0] =	vst.idx.msk $0xffff, v32  }
0x456: {  	v26 =	vmov v19;
	v32 =	vor.u32 v5, v22;
	v34 =	vmul.f32 $8.000000000e+00, v34;
	[tilespmem:v41+s30+$0x0] =	vst.idx.msk $0xffff, v36;
	v36 =	vld.idx.msk [tilespmem:v45+s20+$0x0], $0xffff  }
0x457: {  	v19 =	vshll.u32 v31, $0x7;
	v31 =	vmul.f32 $8.000000000e+00, v24;
	v41 =	vor.u32 v6, v20;
	v24 =	vmovc v21;
	v21 =	vmovc v29;
	v38 =	vld.idx.msk [tilespmem:v38+s20+$0x0], $0xffff  }
0x458: {  	v44 =	vor.u32 v11, v27;
	v29 =	vmul.f32 $8.000000000e+00, v30;
	v30 =	vor.u32 v0, v19;
	[tilespmem:v42+s30+$0x0] =	vst.idx.msk $0xffff, v34  }
0x459: {  	v34 =	vor.u32 v15, v16;
	v16 =	vmov v18;
	[tilespmem:v33+s30+$0x0] =	vst.idx.msk $0xffff, v31;
	v31 =	vmul.f32 $8.000000000e+00, v39;
	v33 =	vld.idx.msk [tilespmem:v37+s20+$0x0], $0xffff  }
0x45a: {  	v18 =	vmov v22;
	v37 =	vor.u32 v2, v26;
	v28 =	vmul.f32 $8.000000000e+00, v28;
	[tilespmem:v47+s30+$0x0] =	vst.idx.msk $0xffff, v29;
	v42 =	vld.idx.msk [tilespmem:v46+s20+$0x0], $0xffff  }
0x45b: {  	v22 =	vmov v19;
	v29 =	vmul.f32 $8.000000000e+00, v40;
	v45 =	vld.idx.msk [tilespmem:v48+s20+$0x0], $0xffff;
	[tilespmem:v32+s30+$0x0] =	vst.idx.msk $0xffff, v31;
	v31 =	vor.u32 v12, v43  }
0x45c: {  	v19 =	vadd.s32 s25, v0;
	v40 =	vor.u32 v11, v16;
	v32 =	vld.idx.msk [tilespmem:v41+s20+$0x0], $0xffff;
	[tilespmem:v35+s30+$0x0] =	vst.idx.msk $0xffff, v28;
	v28 =	vmul.f32 $8.000000000e+00, v36  }
0x45d: {  	v46 =	vor.u32 v7, v24;
	v47 =	vor.u32 v12, v17;
	[tilespmem:v30+s30+$0x0] =	vst.idx.msk $0xffff, v29;
	v30 =	vmul.f32 $8.000000000e+00, v38  }
.Ltmp7:
0x45e: {  	v39 =	vor.u32 v3, v21;
	v36 =	vor.u32 v8, v23;
	v29 =	vor.u32 $0x30, v19;
	[tilespmem:v34+s30+$0x0] =	vst.idx.msk $0xffff, v28;
	(pc) =	sbr.rel @p0 .LBB2_17-.Ltmp7, $4  }
0x45f: {  	v35 =	vor.u32 v7, v18;
	v19 =	vand.u32 $0x3F, v29;
	v38 =	vld.idx.msk [tilespmem:v37+s20+$0x0], $0xffff;
	[tilespmem:v44+s30+$0x0] =	vst.idx.msk $0xffff, v30;
	v44 =	vmul.f32 $8.000000000e+00, v33  }
0x460: {  	v34 =	vor.u32 v8, v20;
	v48 =	vmul.f32 $8.000000000e+00, v42;
	v33 =	vor.u32 v13, v27;
	v37 =	vld.idx.msk [tilespmem:v31+s20+$0x0], $0xffff;
	v28 =	vmovc v43  }
0x461: {  	s26 =	sadd.s32 $0x1, s25;
	v41 =	vor.u32 v4, v25;
	v30 =	vor.u32 v1, v19;
	v43 =	vmul.f32 $8.000000000e+00, v45;
	[tilespmem:v40+s30+$0x0] =	vst.idx.msk $0xffff, v44  }
0x462: {  	s25 =	sadd.s32 $0x2, s25;
	v42 =	vor.u32 v3, v22;
	v31 =	vadd.s32 s26, v0;
	v40 =	vmul.f32 $8.000000000e+00, v32;
	[tilespmem:v46+s30+$0x0] =	vst.idx.msk $0xffff, v48;
	v32 =	vld.idx.msk [tilespmem:v47+s20+$0x0], $0xffff  }
0x463: {  	v44 =	vor.u32 $0x30, v31  }
0x464: {  	v31 =	vand.u32 $0x3F, v44  }
0x465: {  	v45 =	vor.u32 v1, v31;
	_ =	sdelay $0x3  }
0x466: {  	v46 =	vld.idx.msk [tilespmem:v30+s20+$0x0], $0xffff  }
0x467: {  	v29 =	vshll.u32 v29, $0x7;
	v45 =	vld.idx.msk [tilespmem:v45+s20+$0x0], $0xffff  }
0x468: {  	v47 =	vor.u32 v0, v29;
	v30 =	vshll.u32 v44, $0x7  }
0x469: {  	v62 =	vor.u32 v2, v19;
	v48 =	vor.u32 v0, v30  }
0x46a: {  	v49 =	vor.u32 v2, v31  }
0x46b: {  	v46 =	vmul.f32 $8.000000000e+00, v46  }
0x46c: {  	v45 =	vmul.f32 $8.000000000e+00, v45  }
0x46d: {  	[tilespmem:v47+s30+$0x0] =	vst.idx.msk $0xffff, v46  }
0x46e: {  	v44 =	vld.idx.msk [tilespmem:v62+s20+$0x0], $0xffff;
	[tilespmem:v48+s30+$0x0] =	vst.idx.msk $0xffff, v45  }
0x46f: {  	v45 =	vld.idx.msk [tilespmem:v49+s20+$0x0], $0xffff  }
0x470: {  	v63 =	vor.u32 v4, v26;
	v52 =	vor.u32 v3, v29  }
0x471: {  	v53 =	vor.u32 v4, v19;
	v54 =	vor.u32 v3, v30  }
0x472: {  	v38 =	vmul.f32 $8.000000000e+00, v38;
	v50 =	vor.u32 v4, v31  }
0x473: {  	[tilespmem:v39+s30+$0x0] =	vst.idx.msk $0xffff, v43;
	v55 =	vmul.f32 $8.000000000e+00, v44  }
0x474: {  	v41 =	vld.idx.msk [tilespmem:v41+s20+$0x0], $0xffff;
	[tilespmem:v42+s30+$0x0] =	vst.idx.msk $0xffff, v38;
	v56 =	vmul.f32 $8.000000000e+00, v45  }
0x475: {  	v42 =	vld.idx.msk [tilespmem:v63+s20+$0x0], $0xffff;
	[tilespmem:v52+s30+$0x0] =	vst.idx.msk $0xffff, v55  }
0x476: {  	v57 =	vor.u32 v5, v21;
	v58 =	vld.idx.msk [tilespmem:v53+s20+$0x0], $0xffff;
	[tilespmem:v54+s30+$0x0] =	vst.idx.msk $0xffff, v56  }
0x477: {  	v59 =	vor.u32 v6, v25;
	v60 =	vor.u32 v5, v22;
	v61 =	vld.idx.msk [tilespmem:v50+s20+$0x0], $0xffff  }
0x478: {  	v63 =	vor.u32 v5, v29;
	v62 =	vor.u32 v6, v26  }
0x479: {  	v41 =	vmul.f32 $8.000000000e+00, v41;
	v52 =	vor.u32 v6, v19;
	v53 =	vor.u32 v5, v30  }
0x47a: {  	v42 =	vmul.f32 $8.000000000e+00, v42;
	v54 =	vor.u32 v6, v31  }
0x47b: {  	[tilespmem:v57+s30+$0x0] =	vst.idx.msk $0xffff, v41;
	v55 =	vmul.f32 $8.000000000e+00, v58  }
0x47c: {  	v38 =	vld.idx.msk [tilespmem:v59+s20+$0x0], $0xffff;
	[tilespmem:v60+s30+$0x0] =	vst.idx.msk $0xffff, v42;
	v56 =	vmul.f32 $8.000000000e+00, v61  }
0x47d: {  	v42 =	vld.idx.msk [tilespmem:v62+s20+$0x0], $0xffff;
	[tilespmem:v63+s30+$0x0] =	vst.idx.msk $0xffff, v55  }
0x47e: {  	v57 =	vor.u32 v7, v21;
	v58 =	vld.idx.msk [tilespmem:v52+s20+$0x0], $0xffff;
	[tilespmem:v53+s30+$0x0] =	vst.idx.msk $0xffff, v56  }
0x47f: {  	v59 =	vor.u32 v8, v25;
	v60 =	vor.u32 v7, v22;
	v61 =	vld.idx.msk [tilespmem:v54+s20+$0x0], $0xffff  }
0x480: {  	v36 =	vld.idx.msk [tilespmem:v36+s20+$0x0], $0xffff;
	v37 =	vmul.f32 $8.000000000e+00, v37;
	v62 =	vor.u32 v8, v26;
	v63 =	vor.u32 v7, v29  }
0x481: {  	[tilespmem:v35+s30+$0x0] =	vst.idx.msk $0xffff, v40;
	v48 =	vmul.f32 $8.000000000e+00, v38;
	v49 =	vor.u32 v8, v19;
	v50 =	vor.u32 v7, v30  }
0x482: {  	v28 =	vor.u32 v14, v28;
	[tilespmem:v33+s30+$0x0] =	vst.idx.msk $0xffff, v37;
	v51 =	vmul.f32 $8.000000000e+00, v42;
	v52 =	vor.u32 v8, v31  }
0x483: {  	v27 =	vor.u32 v15, v27;
	v34 =	vld.idx.msk [tilespmem:v34+s20+$0x0], $0xffff;
	[tilespmem:v57+s30+$0x0] =	vst.idx.msk $0xffff, v48;
	v53 =	vmul.f32 $8.000000000e+00, v58  }
0x484: {  	v41 =	vld.idx.msk [tilespmem:v59+s20+$0x0], $0xffff;
	[tilespmem:v60+s30+$0x0] =	vst.idx.msk $0xffff, v51;
	v54 =	vor.u32 v9, v24;
	v55 =	vmul.f32 $8.000000000e+00, v61  }
0x485: {  	v57 =	vor.u32 v9, v18;
	v44 =	vld.idx.msk [tilespmem:v62+s20+$0x0], $0xffff;
	v56 =	vor.u32 v10, v23;
	[tilespmem:v63+s30+$0x0] =	vst.idx.msk $0xffff, v53  }
0x486: {  	v59 =	vor.u32 v9, v21;
	v58 =	vor.u32 v10, v20;
	v38 =	vld.idx.msk [tilespmem:v49+s20+$0x0], $0xffff;
	[tilespmem:v50+s30+$0x0] =	vst.idx.msk $0xffff, v55  }
0x487: {  	v60 =	vmul.f32 $8.000000000e+00, v36;
	v62 =	vor.u32 v9, v22;
	v61 =	vor.u32 v10, v25;
	v37 =	vld.idx.msk [tilespmem:v52+s20+$0x0], $0xffff  }
0x488: {  	v28 =	vld.idx.msk [tilespmem:v28+s20+$0x0], $0xffff;
	v34 =	vmul.f32 $8.000000000e+00, v34;
	v48 =	vor.u32 v9, v29;
	v63 =	vor.u32 v10, v26  }
0x489: {  	v51 =	vor.u32 v9, v30;
	v49 =	vmul.f32 $8.000000000e+00, v41;
	[tilespmem:v54+s30+$0x0] =	vst.idx.msk $0xffff, v60;
	v50 =	vor.u32 v10, v19  }
0x48a: {  	[tilespmem:v57+s30+$0x0] =	vst.idx.msk $0xffff, v34;
	v53 =	vor.u32 v10, v31;
	v42 =	vld.idx.msk [tilespmem:v56+s20+$0x0], $0xffff;
	v52 =	vmul.f32 $8.000000000e+00, v44  }
0x48b: {  	v35 =	vld.idx.msk [tilespmem:v58+s20+$0x0], $0xffff;
	[tilespmem:v59+s30+$0x0] =	vst.idx.msk $0xffff, v49;
	v54 =	vor.u32 v13, v16;
	v55 =	vmul.f32 $8.000000000e+00, v38  }
0x48c: {  	v32 =	vmul.f32 $8.000000000e+00, v32;
	v56 =	vor.u32 v11, v24;
	v36 =	vld.idx.msk [tilespmem:v61+s20+$0x0], $0xffff;
	[tilespmem:v62+s30+$0x0] =	vst.idx.msk $0xffff, v52;
	v57 =	vmul.f32 $8.000000000e+00, v37  }
0x48d: {  	v58 =	vor.u32 v12, v23;
	v59 =	vor.u32 v11, v18;
	[tilespmem:v48+s30+$0x0] =	vst.idx.msk $0xffff, v55;
	v60 =	vld.idx.msk [tilespmem:v63+s20+$0x0], $0xffff  }
0x48e: {  	v61 =	vor.u32 v12, v20;
	v62 =	vor.u32 v11, v21;
	v39 =	vld.idx.msk [tilespmem:v50+s20+$0x0], $0xffff;
	[tilespmem:v51+s30+$0x0] =	vst.idx.msk $0xffff, v57  }
0x48f: {  	v49 =	vor.u32 v11, v22;
	v48 =	vor.u32 v12, v25;
	v63 =	vmul.f32 $8.000000000e+00, v42;
	v43 =	vld.idx.msk [tilespmem:v53+s20+$0x0], $0xffff  }
0x490: {  	[tilespmem:v54+s30+$0x0] =	vst.idx.msk $0xffff, v32;
	v52 =	vor.u32 v11, v29;
	v50 =	vmul.f32 $8.000000000e+00, v35;
	v51 =	vor.u32 v12, v26  }
0x491: {  	v55 =	vor.u32 v11, v30;
	v54 =	vor.u32 v12, v19;
	[tilespmem:v56+s30+$0x0] =	vst.idx.msk $0xffff, v63;
	v53 =	vmul.f32 $8.000000000e+00, v36  }
0x492: {  	v37 =	vld.idx.msk [tilespmem:v58+s20+$0x0], $0xffff;
	[tilespmem:v59+s30+$0x0] =	vst.idx.msk $0xffff, v50;
	v57 =	vor.u32 v12, v31;
	v56 =	vmul.f32 $8.000000000e+00, v60  }
0x493: {  	v17 =	vor.u32 v14, v17;
	v33 =	vld.idx.msk [tilespmem:v61+s20+$0x0], $0xffff;
	v58 =	vmul.f32 $8.000000000e+00, v39;
	[tilespmem:v62+s30+$0x0] =	vst.idx.msk $0xffff, v53  }
0x494: {  	v59 =	vor.u32 v13, v24;
	[tilespmem:v49+s30+$0x0] =	vst.idx.msk $0xffff, v56;
	v41 =	vld.idx.msk [tilespmem:v48+s20+$0x0], $0xffff;
	v60 =	vmul.f32 $8.000000000e+00, v43  }
0x495: {  	v61 =	vor.u32 v14, v23;
	v62 =	vor.u32 v13, v18;
	[tilespmem:v52+s30+$0x0] =	vst.idx.msk $0xffff, v58;
	v35 =	vld.idx.msk [tilespmem:v51+s20+$0x0], $0xffff  }
0x496: {  	v44 =	vor.u32 v13, v21;
	v63 =	vor.u32 v14, v20;
	v36 =	vld.idx.msk [tilespmem:v54+s20+$0x0], $0xffff;
	[tilespmem:v55+s30+$0x0] =	vst.idx.msk $0xffff, v60  }
0x497: {  	v46 =	vor.u32 v14, v25;
	v47 =	vor.u32 v13, v22;
	v45 =	vmul.f32 $8.000000000e+00, v37;
	v38 =	vld.idx.msk [tilespmem:v57+s20+$0x0], $0xffff  }
0x498: {  	v17 =	vld.idx.msk [tilespmem:v17+s20+$0x0], $0xffff;
	v49 =	vor.u32 v13, v29;
	v48 =	vor.u32 v14, v26;
	v33 =	vmul.f32 $8.000000000e+00, v33  }
0x499: {  	v52 =	vor.u32 v13, v30;
	v51 =	vor.u32 v14, v19;
	[tilespmem:v59+s30+$0x0] =	vst.idx.msk $0xffff, v45;
	v50 =	vmul.f32 $8.000000000e+00, v41  }
0x49a: {  	v31 =	vor.u32 v14, v31;
	v23 =	vld.idx.msk [tilespmem:v61+s20+$0x0], $0xffff;
	[tilespmem:v62+s30+$0x0] =	vst.idx.msk $0xffff, v33;
	v53 =	vmul.f32 $8.000000000e+00, v35  }
0x49b: {  	v16 =	vor.u32 v15, v16;
	v20 =	vld.idx.msk [tilespmem:v63+s20+$0x0], $0xffff;
	v54 =	vmul.f32 $8.000000000e+00, v36;
	[tilespmem:v44+s30+$0x0] =	vst.idx.msk $0xffff, v50  }
0x49c: {  	v55 =	vor.u32 v15, v24;
	v25 =	vld.idx.msk [tilespmem:v46+s20+$0x0], $0xffff;
	[tilespmem:v47+s30+$0x0] =	vst.idx.msk $0xffff, v53;
	v56 =	vmul.f32 $8.000000000e+00, v38  }
0x49d: {  	v28 =	vmul.f32 $8.000000000e+00, v28;
	v57 =	vor.u32 v15, v18;
	[tilespmem:v49+s30+$0x0] =	vst.idx.msk $0xffff, v54;
	v26 =	vld.idx.msk [tilespmem:v48+s20+$0x0], $0xffff  }
0x49e: {  	v17 =	vmul.f32 $8.000000000e+00, v17;
	v58 =	vor.u32 v15, v21;
	v19 =	vld.idx.msk [tilespmem:v51+s20+$0x0], $0xffff;
	[tilespmem:v52+s30+$0x0] =	vst.idx.msk $0xffff, v56  }
0x49f: {  	[tilespmem:v27+s30+$0x0] =	vst.idx.msk $0xffff, v28;
	v59 =	vor.u32 v15, v22;
	v23 =	vmul.f32 $8.000000000e+00, v23;
	v60 =	vld.idx.msk [tilespmem:v31+s20+$0x0], $0xffff  }
0x4a0: {  	[tilespmem:v16+s30+$0x0] =	vst.idx.msk $0xffff, v17;
	v17 =	vor.u32 v15, v29;
	v16 =	vmul.f32 $8.000000000e+00, v20  }
0x4a1: {  	v62 =	vor.u32 v15, v30;
	[tilespmem:v55+s30+$0x0] =	vst.idx.msk $0xffff, v23;
	v61 =	vmul.f32 $8.000000000e+00, v25  }
0x4a2: {  	[tilespmem:v57+s30+$0x0] =	vst.idx.msk $0xffff, v16;
	v16 =	vmul.f32 $8.000000000e+00, v26  }
0x4a3: {  	s24 =	sshll.u32 s24, $0x12;
	v63 =	vmul.f32 $8.000000000e+00, v19;
	[tilespmem:v58+s30+$0x0] =	vst.idx.msk $0xffff, v61  }
0x4a4: {  	s24 =	sor.u32 s6, s24;
	[tilespmem:v59+s30+$0x0] =	vst.idx.msk $0xffff, v16;
	v16 =	vmul.f32 $8.000000000e+00, v60  }
0x4a5: {  	s24 =	sshrl.u32 s24, $0x3;
	[tilespmem:v17+s30+$0x0] =	vst.idx.msk $0xffff, v63  }
0x4a6: {  	s25 =	sadd.s32 s2, s24;
	[tilespmem:v62+s30+$0x0] =	vst.idx.msk $0xffff, v16  }
0x4a7: {  	[hbm4b:s25+s3] =	stream.linear.scatter [tilespmem:s30], [sflag:$0x2], $0x400, $0x38;
	[tilespmem:$0x9900] =	vst v63  }
0x4a8: {  	s26 =	sadd.s32 s24, s7  }
0x4a9: {  	[hbm4b:s26+s3] =	stream.linear.scatter [tilespmem:s31], [sflag:$0x2], $0x400, $0x38;
	[tilespmem:$0x9900] =	vst v63  }
0x4aa: {  	s28 =	sadd.s32 s24, s8  }
0x4ab: {  	[hbm4b:s28+s3] =	stream.linear.scatter [tilespmem:s1], [sflag:$0x2], $0x400, $0x38;
	[tilespmem:$0x9900] =	vst v63  }
0x4ac: {  	s26 =	sadd.s32 s24, s9  }
0x4ad: {  	[hbm4b:s26+s3] =	stream.linear.scatter [tilespmem:s0], [sflag:$0x2], $0x400, $0x38;
	[tilespmem:$0x9900] =	vst v63  }
0x4ae: {  	s28 =	sadd.s32 s24, s10  }
0x4af: {  	[hbm4b:s28+s3] =	stream.linear.scatter [tilespmem:s16], [sflag:$0x2], $0x400, $0x38;
	[tilespmem:$0x9900] =	vst v63  }
0x4b0: {  	p0 =	sne.s32 s23, $0x19;
	s26 =	sadd.s32 s24, s11  }
0x4b1: {  	[hbm4b:s26+s3] =	stream.linear.scatter [tilespmem:s5], [sflag:$0x2], $0x400, $0x38;
	[tilespmem:$0x9900] =	vst v63  }
.Ltmp8:
0x4b2: {  	_ = 	snop;
	(pc) =	sbr.rel @p0 .LBB2_2-.Ltmp8, $4  }
0x4b3: {  	s28 =	sadd.s32 s24, s12  }
0x4b4: {  	[hbm4b:s28+s3] =	stream.linear.scatter [tilespmem:s14], [sflag:$0x2], $0x400, $0x38;
	[tilespmem:$0x9900] =	vst v63  }
0x4b5: {  	s24 =	sadd.s32 s24, s13  }
0x4b6: {  	[hbm4b:s24+s3] =	stream.linear.scatter [tilespmem:s17], [sflag:$0x2], $0x400, $0x38;
	[tilespmem:$0x9900] =	vst v63  }
0x4b7: {  	_ =	swait.ge [sflag:s22], $0x2000  }
0x4b8: {  	[sflag:s22] =	ssyncset.done $0x0  }
0x4b9: {  	[sflag:s22] =	ssyncadd.s32 $0xFFFFE000  }
0x4ba: {  	_ =	swait.ge [sflag:s22], $0x2000  }
0x4bb: {  	s24 =	rddreg [dreg:$0x5]  }
0x4bc: {  	s23 =	rddreg [dreg:$0x4];
	s24 =	sadd.s32 $0x1, s24  }
0x4bd: {  	p0 =	sne.s32 s24, s23  }
.Ltmp9:
0x4be: {  	_ = 	snop;
	(pc) =	sbr.rel @p0 .LBB2_1-.Ltmp9, $3  }
0x4bf: {  	_ =	sdelay $0x1  }
0x4c0: {  	[sflag:s22] =	ssyncset.done $0x0  }
0x4c1: {  	[sflag:s22] =	ssyncadd.s32 $0xFFFFE000  }
0x4c2: {  	_ =	sfence.sel $0x180000  }
0x4c3: {  	[bflag:$0x0] =	sbarrier.arrive $0xFFFF  }
0x4c4: {  	_ =	strace $0x90000047  }
0x4c5: {  	s0 =	stileid.u32;
	[bflag:$0x2] =	sbarrier.arrive $0xFFFF  }
0x4c6: {  	p0 =	sne.s32 s0, $0x0;
	s0 =	rddreg [dreg:$0x2]  }
0x4c7: {  	s0 =	sadd.s32 @!p0 $0x100000, s0  }
0x4c8: {  	[sflag:s0] =	ssyncadd.tile.s32 @!p0 $0x1;
	_ =	shalt  }
.Lfunc_end2:
_tile_overlayer_lowered:
.L_overlay_start_2:
0x4c9: {  	(tag) =	ssettag $0x2  }
0x4ca: {  	s0 =	rddreg [dreg:$0x0];
	s2 =	stileid.u32  }
0x4cb: {  	s1 =	rddreg [dreg:$0x1];
	p0 =	sne.s32 s2, $0x0  }
0x4cc: {  	s3 =	rddreg [dreg:$0x2];
	[bflag:$0x3] =	sbarrier.arrive $0xFFFF;
	s2 =	simm.s32 @!p0 $0x1C03  }
0x4cd: {  	[timem:s3], [sflag:s2] =	dma.local @!p0 [hbm:s0], s1  }
0x4ce: {  	s0 =	simm.s32 @!p0 $0x3  }
0x4cf: {  	_ =	swait.ge @!p0 [sflag:s0], s1  }
0x4d0: {  	s1 =	ssub.s32 @!p0 $0x0, s1;
	[sflag:s0] =	ssyncset.done @!p0 $0x0  }
0x4d1: {  	[sflag:s0] =	ssyncadd.s32 @!p0 s1  }
0x4d2: {  	[bflag:$0x3] =	sbarrier.arrive $0xFFFF  }
0x4d3: {  	_ =	shalt  }

</sc_bundles>
